<compile_context>
chip_gen: v7x
topology: tpu7x:2x2x1
jax: 0.10.2.dev20260603
libtpu: 0.0.44.dev20260713+nightly
codegen_flags: <defaults>
</compile_context>

<pallas_src>
import dataclasses
import functools

import jax
import jax.numpy as jnp
from jax import lax
from jax.experimental import pallas as pl
from jax.experimental.pallas import tpu as pltpu
from jax.experimental.pallas import tpu_sc as plsc

N = 10000
E = 320000
F = 128
DE = 16
C = 40

NCORE = 2
NSUB = 16
NW = NCORE * NSUB
CH = 128
NCHUNK = E // CH
ITERS = (NCHUNK + NW - 1) // NW
NPAD = 10112
RPS = NPAD // NSUB
ZR = 8

_mesh = plsc.VectorSubcoreMesh(core_axis_name="c", subcore_axis_name="s")

_sc_params = pltpu.CompilerParams()
if "needs_layout_passes" in pltpu.CompilerParams.__dataclass_fields__:
  _sc_params = dataclasses.replace(_sc_params, needs_layout_passes=False)



def _zero_accum(z_buf, accum, base0):
  @pl.loop(0, RPS // ZR)
  def _(k):
    pltpu.sync_copy(z_buf, accum.at[pl.ds(base0 + k * ZR, ZR)])


def _make_gine_pass(with_deg):
  agg_t = jax.ShapeDtypeStruct((NCORE, NPAD, F), jnp.float32)
  if with_deg:
    out_type = (agg_t, jax.ShapeDtypeStruct((NW, NPAD), jnp.float32))
  else:
    out_type = agg_t
  scratch = [
      pltpu.VMEM((2, CH), jnp.int32),
      pltpu.VMEM((CH, F), jnp.float32),
      pltpu.VMEM((CH, F), jnp.float32),
      pltpu.VMEM((ZR, F), jnp.float32),
      pltpu.VMEM((NPAD,), jnp.float32),
      pltpu.VMEM_SHARED((NPAD, F), jnp.float32),
      pltpu.SemaphoreType.DMA,
      pltpu.SemaphoreType.DMA,
  ]

  @functools.partial(pl.kernel, out_type=out_type, mesh=_mesh,
                     scratch_types=scratch, compiler_params=_sc_params)
  def gine_pass(h_hbm, e_hbm, ei_hbm, *refs):
    if with_deg:
      agg_hbm, deg_hbm = refs[0], refs[1]
      refs = refs[2:]
    else:
      agg_hbm = refs[0]
      refs = refs[1:]
    idx_v, g_buf, e_buf, z_buf, deg_t, accum, sem_g, sem_e = refs

    cid = lax.axis_index("c")
    sid = lax.axis_index("s")
    wid = cid * NSUB + sid
    base0 = sid * RPS

    @pl.loop(0, ZR)
    def _(r):
      for c in range(F // 16):
        z_buf[r, pl.ds(c * 16, 16)] = jnp.zeros((16,), jnp.float32)

    if with_deg:
      @pl.loop(0, NPAD // 16)
      def _(i):
        deg_t[pl.ds(i * 16, 16)] = jnp.zeros((16,), jnp.float32)

    _zero_accum(z_buf, accum, base0)
    plsc.subcore_barrier()

    @pl.loop(0, ITERS)
    def _(it):
      chunk = it * NW + wid

      @pl.when(chunk < NCHUNK)
      def _():
        base = pl.multiple_of(chunk * CH, CH)
        pltpu.sync_copy(ei_hbm.at[:, pl.ds(base, CH)], idx_v)
        cp_g = pltpu.async_copy(h_hbm.at[idx_v.at[0]], g_buf, sem_g)
        cp_e = pltpu.async_copy(e_hbm.at[chunk], e_buf, sem_e)
        cp_g.wait()
        cp_e.wait()

        @pl.loop(0, CH)
        def _(r):
          for c in range(F // 16):
            sl = (r, pl.ds(c * 16, 16))
            g_buf[sl] = jnp.maximum(g_buf[sl] + e_buf[sl], 0.0)

        pltpu.sync_copy(g_buf, accum.at[idx_v.at[1]], add=True)
        if with_deg:
          ones16 = jnp.ones((16,), jnp.float32)
          for c in range(CH // 16):
            d16 = idx_v[1, pl.ds(c * 16, 16)]
            plsc.addupdate_scatter(deg_t, [d16], ones16)

    plsc.subcore_barrier()
    pltpu.sync_copy(accum.at[pl.ds(base0, RPS)],
                    agg_hbm.at[cid, pl.ds(base0, RPS)])

    if with_deg:
      pltpu.sync_copy(deg_t, deg_hbm.at[wid])

  return gine_pass


_gine_pass_deg = _make_gine_pass(True)


NPAIR = 39
LAST_IT = 78


def _relu_add(g_buf, e_buf):
  @pl.loop(0, CH)
  def _(r):
    for c in range(F // 16):
      sl = (r, pl.ds(c * 16, 16))
      g_buf[sl] = jnp.maximum(g_buf[sl] + e_buf[sl], 0.0)


def _zero_accum_from(g_buf, accum, base0):
  @pl.loop(0, CH)
  def _(r):
    for c in range(F // 16):
      g_buf[r, pl.ds(c * 16, 16)] = jnp.zeros((16,), jnp.float32)
  for k in range(RPS // CH):
    pltpu.sync_copy(g_buf, accum.at[pl.ds(base0 + k * CH, CH)])
  rem = RPS % CH
  if rem:
    pltpu.sync_copy(g_buf.at[pl.ds(0, rem)],
                    accum.at[pl.ds(base0 + (RPS // CH) * CH, rem)])


@functools.partial(
    pl.kernel,
    out_type=jax.ShapeDtypeStruct((NCORE, NPAD, F), jnp.float32),
    mesh=_mesh,
    compiler_params=_sc_params,
    scratch_types=[
        pltpu.VMEM((2, CH), jnp.int32),
        pltpu.VMEM((2, CH), jnp.int32),
        pltpu.VMEM((CH, F), jnp.float32),
        pltpu.VMEM((CH, F), jnp.float32),
        pltpu.VMEM((CH, F), jnp.float32),
        pltpu.VMEM_SHARED((NPAD, F), jnp.float32),
        pltpu.SemaphoreType.DMA,
        pltpu.SemaphoreType.DMA,
        pltpu.SemaphoreType.DMA,
        pltpu.SemaphoreType.DMA,
        pltpu.SemaphoreType.DMA,
    ])
def _gine_pass(h_hbm, e_hbm, ei_hbm, agg_hbm, idx_a, idx_b, g_a, g_b, e_buf,
               accum, s_ia, s_ib, s_ga, s_gb, s_e):
  cid = lax.axis_index("c")
  sid = lax.axis_index("s")
  wid = cid * NSUB + sid
  base0 = sid * RPS

  _zero_accum_from(g_a, accum, base0)
  plsc.subcore_barrier()

  @pl.loop(0, NPAIR)
  def _(p):
    c0 = (2 * p) * NW + wid
    c1 = c0 + NW
    b0 = pl.multiple_of(c0 * CH, CH)
    b1 = pl.multiple_of(c1 * CH, CH)
    cpi0 = pltpu.async_copy(ei_hbm.at[:, pl.ds(b0, CH)], idx_a, s_ia)
    cpi1 = pltpu.async_copy(ei_hbm.at[:, pl.ds(b1, CH)], idx_b, s_ib)
    cpe0 = pltpu.async_copy(e_hbm.at[c0], e_buf, s_e)
    cpi0.wait()
    cpg0 = pltpu.async_copy(h_hbm.at[idx_a.at[0]], g_a, s_ga)
    cpi1.wait()
    cpg1 = pltpu.async_copy(h_hbm.at[idx_b.at[0]], g_b, s_gb)
    cpg0.wait()
    cpe0.wait()
    _relu_add(g_a, e_buf)
    pltpu.sync_copy(g_a, accum.at[idx_a.at[1]], add=True)
    cpe1 = pltpu.async_copy(e_hbm.at[c1], e_buf, s_e)
    cpg1.wait()
    cpe1.wait()
    _relu_add(g_b, e_buf)
    pltpu.sync_copy(g_b, accum.at[idx_b.at[1]], add=True)

  @pl.when(LAST_IT * NW + wid < NCHUNK)
  def _():
    c0 = LAST_IT * NW + wid
    b0 = pl.multiple_of(c0 * CH, CH)
    pltpu.sync_copy(ei_hbm.at[:, pl.ds(b0, CH)], idx_a)
    cpg = pltpu.async_copy(h_hbm.at[idx_a.at[0]], g_a, s_ga)
    cpe = pltpu.async_copy(e_hbm.at[c0], e_buf, s_e)
    cpg.wait()
    cpe.wait()
    _relu_add(g_a, e_buf)
    pltpu.sync_copy(g_a, accum.at[idx_a.at[1]], add=True)

  plsc.subcore_barrier()
  pltpu.sync_copy(accum.at[pl.ds(base0, RPS)],
                  agg_hbm.at[cid, pl.ds(base0, RPS)])


@functools.partial(
    pl.kernel,
    out_type=jax.ShapeDtypeStruct((NCORE, NPAD, F), jnp.float32),
    mesh=_mesh,
    compiler_params=_sc_params,
    scratch_types=[
        pltpu.VMEM((2, CH), jnp.int32),
        pltpu.VMEM((2, CH), jnp.int32),
        pltpu.VMEM((CH, F), jnp.float32),
        pltpu.VMEM((CH, F), jnp.float32),
        pltpu.VMEM_SHARED((NPAD, F), jnp.float32),
        pltpu.SemaphoreType.DMA,
        pltpu.SemaphoreType.DMA,
        pltpu.SemaphoreType.DMA,
        pltpu.SemaphoreType.DMA,
    ])
def _gcn_pass(y_hbm, ei_hbm, agg_hbm, idx_a, idx_b, g_a, g_b, accum,
              s_ia, s_ib, s_ga, s_gb):
  cid = lax.axis_index("c")
  sid = lax.axis_index("s")
  wid = cid * NSUB + sid
  base0 = sid * RPS

  _zero_accum_from(g_a, accum, base0)
  plsc.subcore_barrier()

  @pl.loop(0, NPAIR)
  def _(p):
    c0 = (2 * p) * NW + wid
    c1 = c0 + NW
    b0 = pl.multiple_of(c0 * CH, CH)
    b1 = pl.multiple_of(c1 * CH, CH)
    cpi0 = pltpu.async_copy(ei_hbm.at[:, pl.ds(b0, CH)], idx_a, s_ia)
    cpi1 = pltpu.async_copy(ei_hbm.at[:, pl.ds(b1, CH)], idx_b, s_ib)
    cpi0.wait()
    cpg0 = pltpu.async_copy(y_hbm.at[idx_a.at[0]], g_a, s_ga)
    cpi1.wait()
    cpg1 = pltpu.async_copy(y_hbm.at[idx_b.at[0]], g_b, s_gb)
    cpg0.wait()
    pltpu.sync_copy(g_a, accum.at[idx_a.at[1]], add=True)
    cpg1.wait()
    pltpu.sync_copy(g_b, accum.at[idx_b.at[1]], add=True)

  @pl.when(LAST_IT * NW + wid < NCHUNK)
  def _():
    c0 = LAST_IT * NW + wid
    b0 = pl.multiple_of(c0 * CH, CH)
    pltpu.sync_copy(ei_hbm.at[:, pl.ds(b0, CH)], idx_a)
    pltpu.async_copy(y_hbm.at[idx_a.at[0]], g_a, s_ga).wait()
    pltpu.sync_copy(g_a, accum.at[idx_a.at[1]], add=True)

  plsc.subcore_barrier()
  pltpu.sync_copy(accum.at[pl.ds(base0, RPS)],
                  agg_hbm.at[cid, pl.ds(base0, RPS)])



_BE = 4000
_BN = 2048


def _edge_mm_body(a_ref, w_ref, b_ref, o_ref):
  o_ref[...] = jnp.dot(a_ref[...], w_ref[...],
                       precision=lax.Precision.HIGHEST,
                       preferred_element_type=jnp.float32) + b_ref[...]


def _edge_mm(edge_attr, We, be):
  return pl.pallas_call(
      _edge_mm_body,
      grid=(E // _BE,),
      in_specs=[
          pl.BlockSpec((_BE, DE), lambda i: (i, 0)),
          pl.BlockSpec((DE, F), lambda i: (0, 0)),
          pl.BlockSpec((1, F), lambda i: (0, 0)),
      ],
      out_specs=pl.BlockSpec((_BE, F), lambda i: (i, 0)),
      out_shape=jax.ShapeDtypeStruct((E, F), jnp.float32),
  )(edge_attr, We, be.reshape(1, F))


def _sum_p(p_ref):
  return p_ref[0] + p_ref[1]


def _gine_node_body(x_ref, p_ref, w_ref, b_ref, o_ref):
  a = x_ref[...] + _sum_p(p_ref)
  h = jnp.dot(a, w_ref[...], precision=lax.Precision.HIGHEST,
              preferred_element_type=jnp.float32) + b_ref[...]
  o_ref[...] = jnp.maximum(h, 0.0)


def _gine_node(x, p, Wn, bn):
  return pl.pallas_call(
      _gine_node_body,
      grid=(pl.cdiv(N, _BN),),
      in_specs=[
          pl.BlockSpec((_BN, F), lambda i: (i, 0)),
          pl.BlockSpec((NCORE, _BN, F), lambda i: (0, i, 0)),
          pl.BlockSpec((F, F), lambda i: (0, 0)),
          pl.BlockSpec((1, F), lambda i: (0, 0)),
      ],
      out_specs=pl.BlockSpec((_BN, F), lambda i: (i, 0)),
      out_shape=jax.ShapeDtypeStruct((N, F), jnp.float32),
  )(x, p, Wn, bn.reshape(1, F))


def _gcn_prep_body(h_ref, p_ref, d_ref, wn_ref, bn_ref, wg_ref,
                   xw_ref, y_ref, dinv_ref):
  a = h_ref[...] + _sum_p(p_ref)
  h2 = jnp.maximum(
      jnp.dot(a, wn_ref[...], precision=lax.Precision.HIGHEST,
              preferred_element_type=jnp.float32) + bn_ref[...], 0.0)
  deg = jnp.sum(d_ref[...], axis=0) + 1.0
  dinv = lax.rsqrt(deg)[:, None]
  xw = jnp.dot(h2, wg_ref[...], precision=lax.Precision.HIGHEST,
               preferred_element_type=jnp.float32)
  xw_ref[...] = xw
  y_ref[...] = xw * dinv
  dinv_ref[...] = dinv


def _gcn_prep(h1, p, degp, W2n, b2n, Wg):
  return pl.pallas_call(
      _gcn_prep_body,
      grid=(pl.cdiv(N, _BN),),
      in_specs=[
          pl.BlockSpec((_BN, F), lambda i: (i, 0)),
          pl.BlockSpec((NCORE, _BN, F), lambda i: (0, i, 0)),
          pl.BlockSpec((NW, _BN), lambda i: (0, i)),
          pl.BlockSpec((F, F), lambda i: (0, 0)),
          pl.BlockSpec((1, F), lambda i: (0, 0)),
          pl.BlockSpec((F, F), lambda i: (0, 0)),
      ],
      out_specs=[
          pl.BlockSpec((_BN, F), lambda i: (i, 0)),
          pl.BlockSpec((_BN, F), lambda i: (i, 0)),
          pl.BlockSpec((_BN, 1), lambda i: (i, 0)),
      ],
      out_shape=[
          jax.ShapeDtypeStruct((N, F), jnp.float32),
          jax.ShapeDtypeStruct((N, F), jnp.float32),
          jax.ShapeDtypeStruct((N, 1), jnp.float32),
      ],
  )(h1, p, degp, W2n, b2n.reshape(1, F), Wg)


def _final_body(p_ref, xw_ref, dinv_ref, bg_ref, wo_ref, bo_ref, o_ref):
  dv = dinv_ref[...]
  h3 = jnp.maximum(dv * _sum_p(p_ref) + dv * dv * xw_ref[...]
                   + bg_ref[...], 0.0)
  logits = jnp.dot(h3, wo_ref[...], precision=lax.Precision.HIGHEST,
                   preferred_element_type=jnp.float32) + bo_ref[...]
  m = jnp.max(logits, axis=1, keepdims=True)
  lse = m + jnp.log(jnp.sum(jnp.exp(logits - m), axis=1, keepdims=True))
  o_ref[...] = (logits - lse)[:, :C]


def _final(p, xw, dinv, bg, Wo_pad, bo_pad):
  return pl.pallas_call(
      _final_body,
      grid=(pl.cdiv(N, _BN),),
      in_specs=[
          pl.BlockSpec((NCORE, _BN, F), lambda i: (0, i, 0)),
          pl.BlockSpec((_BN, F), lambda i: (i, 0)),
          pl.BlockSpec((_BN, 1), lambda i: (i, 0)),
          pl.BlockSpec((1, F), lambda i: (0, 0)),
          pl.BlockSpec((F, F), lambda i: (0, 0)),
          pl.BlockSpec((1, F), lambda i: (0, 0)),
      ],
      out_specs=pl.BlockSpec((_BN, C), lambda i: (i, 0)),
      out_shape=jax.ShapeDtypeStruct((N, C), jnp.float32),
  )(p, xw, dinv, bg.reshape(1, F), Wo_pad, bo_pad.reshape(1, F))



def kernel(x, edge_index, edge_attr, W1n, b1n, W1e, b1e, W2n, b2n, W2e, b2e,
           Wg, bg, Wo, bo):
  e1 = _edge_mm(edge_attr, W1e, b1e).reshape(NCHUNK, CH, F)
  e2 = _edge_mm(edge_attr, W2e, b2e).reshape(NCHUNK, CH, F)

  p1, degp = _gine_pass_deg(x, e1, edge_index)
  h1 = _gine_node(x, p1, W1n, b1n)

  p2 = _gine_pass(h1, e2, edge_index)
  xw, y, dinv = _gcn_prep(h1, p2, degp, W2n, b2n, Wg)

  p3 = _gcn_pass(y, edge_index)

  Wo_pad = jnp.pad(Wo, ((0, 0), (0, F - C)))
  bo_pad = jnp.pad(bo, (0, F - C), constant_values=-1e30)
  return _final(p3, xw, dinv, bg, Wo_pad, bo_pad)

# --- scband reference (transcript-rebuilt; emitter-appended) ---
"""Pipeline reference for scband-gin-coo-22127671509526 (READ-ONLY COPY).

The authoritative reference and input builder live on the scoring server;
editing this copy changes nothing except your own understanding.
"""

import jax, jax.numpy as jnp
import numpy as np

N, E, F, DE, C = 10000, 320000, 128, 16, 40

def setup_inputs(seed: int = 0) -> dict:
    key = jax.random.key(seed)
    ks = jax.random.split(key, 20)
    inp = {}
    inp['x'] = jax.random.normal(ks[0], (N, F), dtype=jnp.float32)
    inp['edge_index'] = jax.random.randint(ks[1], (2, E), 0, N, dtype=jnp.int32)
    inp['edge_attr'] = jax.random.normal(ks[2], (E, DE), dtype=jnp.float32)
    s = 0.05
    inp['W1n'] = jax.random.normal(ks[3], (F, F), dtype=jnp.float32) * s
    inp['b1n'] = jnp.zeros((F,), dtype=jnp.float32)
    inp['W1e'] = jax.random.normal(ks[4], (DE, F), dtype=jnp.float32) * s
    inp['b1e'] = jnp.zeros((F,), dtype=jnp.float32)
    inp['W2n'] = jax.random.normal(ks[5], (F, F), dtype=jnp.float32) * s
    inp['b2n'] = jnp.zeros((F,), dtype=jnp.float32)
    inp['W2e'] = jax.random.normal(ks[6], (DE, F), dtype=jnp.float32) * s
    inp['b2e'] = jnp.zeros((F,), dtype=jnp.float32)
    inp['Wg'] = jax.random.normal(ks[7], (F, F), dtype=jnp.float32) * s
    inp['bg'] = jnp.zeros((F,), dtype=jnp.float32)
    inp['Wo'] = jax.random.normal(ks[8], (F, C), dtype=jnp.float32) * s
    inp['bo'] = jnp.zeros((C,), dtype=jnp.float32)
    return inp

def gine_conv(x, edge_index, edge_attr, Wn, bn, We, be, eps=0.0):
    src = edge_index[0]
    dst = edge_index[1]
    e = edge_attr @ We + be
    m = jax.nn.relu(x[src] + e)
    agg = jnp.zeros_like(x).at[dst].add(m)
    out = ((1.0 + eps) * x + agg) @ Wn + bn
    return out

def gcn_conv(x, edge_index, Wg, bg):
    n = x.shape[0]
    src = edge_index[0]
    dst = edge_index[1]
    sl = jnp.arange(n, dtype=src.dtype)
    src2 = jnp.concatenate([src, sl])
    dst2 = jnp.concatenate([dst, sl])
    deg = jnp.zeros((n,), dtype=x.dtype).at[dst2].add(1.0)
    dinv = jnp.where(deg > 0, jax.lax.rsqrt(jnp.maximum(deg, 1e-12)), 0.0)
    norm = dinv[src2] * dinv[dst2]
    xw = x @ Wg
    msg = xw[src2] * norm[:, None]
    out = jnp.zeros_like(xw).at[dst2].add(msg) + bg
    return out

def reference(x, edge_index, edge_attr, W1n, b1n, W1e, b1e, W2n, b2n, W2e, b2e, Wg, bg, Wo, bo):
    h = gine_conv(x, edge_index, edge_attr, W1n, b1n, W1e, b1e)
    h = jax.nn.relu(h)
    h = gine_conv(h, edge_index, edge_attr, W2n, b2n, W2e, b2e)
    h = jax.nn.relu(h)
    h = gcn_conv(h, edge_index, Wg, bg)
    h = jax.nn.relu(h)
    h = h @ Wo + bo
    return jax.nn.log_softmax(h, axis=1)

if __name__ == "__main__":
    import jax
    _d = setup_inputs()
    print(jax.jit(kernel)(*tuple(_d.values())))

</pallas_src>

<mosaic_0001>
#map = affine_map<(d0, d1) -> (0, 0)>
#map1 = affine_map<(d0, d1) -> (0, 0, 0)>
module attributes {stable_mosaic.version = 14 : i64} {
  func.func @gine_pass(%arg0: i32, %arg1: i32, %arg2: memref<10000x128xf32, #tpu.memory_space<hbm>>, %arg3: memref<2500x128x128xf32, #tpu.memory_space<hbm>>, %arg4: memref<2x320000xi32, #tpu.memory_space<hbm>>, %arg5: memref<2x10112x128xf32, #tpu.memory_space<hbm>>, %arg6: memref<32x10112xf32, #tpu.memory_space<hbm>>, %arg7: memref<2x128xi32, #tpu.memory_space<vmem>>, %arg8: memref<128x128xf32, #tpu.memory_space<vmem>>, %arg9: memref<128x128xf32, #tpu.memory_space<vmem>>, %arg10: memref<8x128xf32, #tpu.memory_space<vmem>>, %arg11: memref<10112xf32, #tpu.memory_space<vmem>>, %arg12: memref<10112x128xf32, #tpu.memory_space<vmem_shared>>, %arg13: memref<!tpu.dma_semaphore, #tpu.memory_space<semaphore_mem>>, %arg14: memref<!tpu.dma_semaphore, #tpu.memory_space<semaphore_mem>>) attributes {dimension_semantics = [#tpu.dimension_semantics<core_parallel>, #tpu.dimension_semantics<subcore_parallel>], iteration_bounds = array<i64: 2, 16>, scalar_prefetch = 0 : i64, scratch_operands = 8 : i64, tpu.core_type = #tpu.core_type<sc_vector_subcore>, window_params = [{transform_indices = #map}, {transform_indices = #map1}, {transform_indices = #map}, {transform_indices = #map1}, {transform_indices = #map}]} {
    %mul3A = arith.constant 16 : i32
    %mul3A_0 = arith.muli %arg0, %mul3A : i32
    %add3A = arith.addi %mul3A_0, %arg1 : i32
    %mul3A_1 = arith.constant 632 : i32
    %mul3A_2 = arith.muli %arg1, %mul3A_1 : i32
    %scan3A = arith.constant 0 : i32
    %scan3A_3 = arith.constant 8 : i32
    %scan3A_4 = arith.addi %scan3A, %scan3A_3 : i32
    %scan3A_5 = arith.constant 1 : i32
    scf.for %scan3A_23 = %scan3A to %scan3A_4 step %scan3A_5  : i32 {
      %mul3A_24 = arith.constant 1 : i32
      %mul3A_25 = arith.muli %scan3A_23, %mul3A_24 : i32
      %add3A_26 = arith.constant 0 : i32
      %add3A_27 = arith.addi %add3A_26, %mul3A_25 : i32
      %broadcast_in_dim3A = arith.constant 0.000000e+00 : f32
      %broadcast_in_dim3A_28 = vector.broadcast %broadcast_in_dim3A : f32 to vector<16xf32>
      %swap3A = arith.index_cast %add3A_27 : i32 to index
      %swap3A_29 = arith.constant 0 : index
      %swap3A_30 = tpu.vector_load %arg10[%swap3A, %swap3A_29] {strides = array<i32>} : memref<8x128xf32, #tpu.memory_space<vmem>>, vector<16xf32>,
      tpu.vector_store %arg10[%swap3A, %swap3A_29], %broadcast_in_dim3A_28 {strides = array<i32>} : memref<8x128xf32, #tpu.memory_space<vmem>>, vector<16xf32>,
      %broadcast_in_dim3A_31 = arith.constant 0.000000e+00 : f32
      %broadcast_in_dim3A_32 = vector.broadcast %broadcast_in_dim3A_31 : f32 to vector<16xf32>
      %swap3A_33 = arith.index_cast %add3A_27 : i32 to index
      %swap3A_34 = arith.constant 16 : index
      %swap3A_35 = tpu.vector_load %arg10[%swap3A_33, %swap3A_34] {strides = array<i32>} : memref<8x128xf32, #tpu.memory_space<vmem>>, vector<16xf32>,
      tpu.vector_store %arg10[%swap3A_33, %swap3A_34], %broadcast_in_dim3A_32 {strides = array<i32>} : memref<8x128xf32, #tpu.memory_space<vmem>>, vector<16xf32>,
      %broadcast_in_dim3A_36 = arith.constant 0.000000e+00 : f32
      %broadcast_in_dim3A_37 = vector.broadcast %broadcast_in_dim3A_36 : f32 to vector<16xf32>
      %swap3A_38 = arith.index_cast %add3A_27 : i32 to index
      %swap3A_39 = arith.constant 32 : index
      %swap3A_40 = tpu.vector_load %arg10[%swap3A_38, %swap3A_39] {strides = array<i32>} : memref<8x128xf32, #tpu.memory_space<vmem>>, vector<16xf32>,
      tpu.vector_store %arg10[%swap3A_38, %swap3A_39], %broadcast_in_dim3A_37 {strides = array<i32>} : memref<8x128xf32, #tpu.memory_space<vmem>>, vector<16xf32>,
      %broadcast_in_dim3A_41 = arith.constant 0.000000e+00 : f32
      %broadcast_in_dim3A_42 = vector.broadcast %broadcast_in_dim3A_41 : f32 to vector<16xf32>
      %swap3A_43 = arith.index_cast %add3A_27 : i32 to index
      %swap3A_44 = arith.constant 48 : index
      %swap3A_45 = tpu.vector_load %arg10[%swap3A_43, %swap3A_44] {strides = array<i32>} : memref<8x128xf32, #tpu.memory_space<vmem>>, vector<16xf32>,
      tpu.vector_store %arg10[%swap3A_43, %swap3A_44], %broadcast_in_dim3A_42 {strides = array<i32>} : memref<8x128xf32, #tpu.memory_space<vmem>>, vector<16xf32>,
      %broadcast_in_dim3A_46 = arith.constant 0.000000e+00 : f32
      %broadcast_in_dim3A_47 = vector.broadcast %broadcast_in_dim3A_46 : f32 to vector<16xf32>
      %swap3A_48 = arith.index_cast %add3A_27 : i32 to index
      %swap3A_49 = arith.constant 64 : index
      %swap3A_50 = tpu.vector_load %arg10[%swap3A_48, %swap3A_49] {strides = array<i32>} : memref<8x128xf32, #tpu.memory_space<vmem>>, vector<16xf32>,
      tpu.vector_store %arg10[%swap3A_48, %swap3A_49], %broadcast_in_dim3A_47 {strides = array<i32>} : memref<8x128xf32, #tpu.memory_space<vmem>>, vector<16xf32>,
      %broadcast_in_dim3A_51 = arith.constant 0.000000e+00 : f32
      %broadcast_in_dim3A_52 = vector.broadcast %broadcast_in_dim3A_51 : f32 to vector<16xf32>
      %swap3A_53 = arith.index_cast %add3A_27 : i32 to index
      %swap3A_54 = arith.constant 80 : index
      %swap3A_55 = tpu.vector_load %arg10[%swap3A_53, %swap3A_54] {strides = array<i32>} : memref<8x128xf32, #tpu.memory_space<vmem>>, vector<16xf32>,
      tpu.vector_store %arg10[%swap3A_53, %swap3A_54], %broadcast_in_dim3A_52 {strides = array<i32>} : memref<8x128xf32, #tpu.memory_space<vmem>>, vector<16xf32>,
      %broadcast_in_dim3A_56 = arith.constant 0.000000e+00 : f32
      %broadcast_in_dim3A_57 = vector.broadcast %broadcast_in_dim3A_56 : f32 to vector<16xf32>
      %swap3A_58 = arith.index_cast %add3A_27 : i32 to index
      %swap3A_59 = arith.constant 96 : index
      %swap3A_60 = tpu.vector_load %arg10[%swap3A_58, %swap3A_59] {strides = array<i32>} : memref<8x128xf32, #tpu.memory_space<vmem>>, vector<16xf32>,
      tpu.vector_store %arg10[%swap3A_58, %swap3A_59], %broadcast_in_dim3A_57 {strides = array<i32>} : memref<8x128xf32, #tpu.memory_space<vmem>>, vector<16xf32>,
      %broadcast_in_dim3A_61 = arith.constant 0.000000e+00 : f32
      %broadcast_in_dim3A_62 = vector.broadcast %broadcast_in_dim3A_61 : f32 to vector<16xf32>
      %swap3A_63 = arith.index_cast %add3A_27 : i32 to index
      %swap3A_64 = arith.constant 112 : index
      %swap3A_65 = tpu.vector_load %arg10[%swap3A_63, %swap3A_64] {strides = array<i32>} : memref<8x128xf32, #tpu.memory_space<vmem>>, vector<16xf32>,
      tpu.vector_store %arg10[%swap3A_63, %swap3A_64], %broadcast_in_dim3A_62 {strides = array<i32>} : memref<8x128xf32, #tpu.memory_space<vmem>>, vector<16xf32>,
    }
    %scan3A_6 = arith.constant 8 : i32
    %scan3A_7 = arith.constant 0 : i32
    %scan3A_8 = arith.constant 632 : i32
    %scan3A_9 = arith.addi %scan3A_7, %scan3A_8 : i32
    %scan3A_10 = arith.constant 1 : i32
    scf.for %scan3A_23 = %scan3A_7 to %scan3A_9 step %scan3A_10  : i32 {
      %mul3A_24 = arith.constant 1 : i32
      %mul3A_25 = arith.muli %scan3A_23, %mul3A_24 : i32
      %add3A_26 = arith.constant 0 : i32
      %add3A_27 = arith.addi %add3A_26, %mul3A_25 : i32
      %broadcast_in_dim3A = arith.constant 0.000000e+00 : f32
      %broadcast_in_dim3A_28 = vector.broadcast %broadcast_in_dim3A : f32 to vector<16xf32>
      %mul3A_29 = arith.constant 16 : i32
      %mul3A_30 = arith.muli %add3A_27, %mul3A_29 : i32
      %swap3A = arith.index_cast %mul3A_30 : i32 to index
      %swap3A_31 = tpu.vector_load %arg11[%swap3A] {strides = array<i32>} : memref<10112xf32, #tpu.memory_space<vmem>>, vector<16xf32>,
      tpu.vector_store %arg11[%swap3A], %broadcast_in_dim3A_28 {strides = array<i32>} : memref<10112xf32, #tpu.memory_space<vmem>>, vector<16xf32>,
    }
    %scan3A_11 = arith.constant 632 : i32
    %scan3A_12 = arith.constant 0 : i32
    %scan3A_13 = arith.constant 79 : i32
    %scan3A_14 = arith.addi %scan3A_12, %scan3A_13 : i32
    %scan3A_15 = arith.constant 1 : i32
    scf.for %scan3A_23 = %scan3A_12 to %scan3A_14 step %scan3A_15  : i32 {
      %mul3A_24 = arith.constant 1 : i32
      %mul3A_25 = arith.muli %scan3A_23, %mul3A_24 : i32
      %add3A_26 = arith.constant 0 : i32
      %add3A_27 = arith.addi %add3A_26, %mul3A_25 : i32
      %mul3A_28 = arith.constant 8 : i32
      %mul3A_29 = arith.muli %add3A_27, %mul3A_28 : i32
      %add3A_30 = arith.addi %mul3A_2, %mul3A_29 : i32
      "tpu.region"() ({
        %run_scoped3A = tpu.sem_alloc : memref<!tpu.dma_semaphore, #tpu.memory_space<semaphore_mem>>
        %dma_start3A = arith.constant 0 : i32
        %dma_start3A_31 = tpu.memref_slice %arg12[%add3A_30, %dma_start3A] : memref<10112x128xf32, #tpu.memory_space<vmem_shared>> -> memref<8x128xf32, #tpu.memory_space<vmem_shared>>
        %dma_start3A_32 = arith.constant 0 : i32
        %dma_start3A_33 = tpu.memref_slice %arg12[%add3A_30, %dma_start3A_32] : memref<10112x128xf32, #tpu.memory_space<vmem_shared>> -> memref<8x128xf32, #tpu.memory_space<vmem_shared>>
        tpu.enqueue_dma source(%arg10 : memref<8x128xf32, #tpu.memory_space<vmem>>) target(%dma_start3A_33 : memref<8x128xf32, #tpu.memory_space<vmem_shared>>) target_semaphore(%run_scoped3A : memref<!tpu.dma_semaphore, #tpu.memory_space<semaphore_mem>>)
        %dma_wait3A = arith.constant 0 : i32
        %dma_wait3A_34 = tpu.memref_slice %arg12[%add3A_30, %dma_wait3A] : memref<10112x128xf32, #tpu.memory_space<vmem_shared>> -> memref<8x128xf32, #tpu.memory_space<vmem_shared>>
        %dma_wait3A_35 = arith.constant 0 : i32
        %dma_wait3A_36 = tpu.memref_slice %arg12[%add3A_30, %dma_wait3A_35] : memref<10112x128xf32, #tpu.memory_space<vmem_shared>> -> memref<8x128xf32, #tpu.memory_space<vmem_shared>>
        tpu.wait_dma2 semaphore(%run_scoped3A : memref<!tpu.dma_semaphore, #tpu.memory_space<semaphore_mem>>) src(%arg10 : memref<8x128xf32, #tpu.memory_space<vmem>>) dst(%dma_wait3A_36 : memref<8x128xf32, #tpu.memory_space<vmem_shared>>)
        tpu.yield
      }) : () -> ()
    }
    %scan3A_16 = arith.constant 79 : i32
    %barrier3A = arith.constant 0 : index
    tpu.barrier barrier_id(%barrier3A)
    %scan3A_17 = arith.constant 0 : i32
    %scan3A_18 = arith.constant 79 : i32
    %scan3A_19 = arith.addi %scan3A_17, %scan3A_18 : i32
    %scan3A_20 = arith.constant 1 : i32
    scf.for %scan3A_23 = %scan3A_17 to %scan3A_19 step %scan3A_20  : i32 {
      %mul3A_24 = arith.constant 1 : i32
      %mul3A_25 = arith.muli %scan3A_23, %mul3A_24 : i32
      %add3A_26 = arith.constant 0 : i32
      %add3A_27 = arith.addi %add3A_26, %mul3A_25 : i32
      %mul3A_28 = arith.constant 32 : i32
      %mul3A_29 = arith.muli %add3A_27, %mul3A_28 : i32
      %add3A_30 = arith.addi %mul3A_29, %add3A : i32
      %lt3A = arith.constant 2500 : i32
      %lt3A_31 = arith.cmpi slt, %add3A_30, %lt3A : i32
      %convert_element_type3A = arith.extui %lt3A_31 : i1 to i32
      %cond3A = arith.constant 0 : i32
      %cond3A_32 = arith.cmpi ne, %convert_element_type3A, %cond3A : i32
      scf.if %cond3A_32 {
        %mul3A_33 = arith.constant 128 : i32
        %mul3A_34 = arith.muli %add3A_30, %mul3A_33 : i32
        %multiple_of3A = tpu.assume_multiple %mul3A_34, 128 : i32
        "tpu.region"() ({
          %run_scoped3A_100 = tpu.sem_alloc : memref<!tpu.dma_semaphore, #tpu.memory_space<semaphore_mem>>
          %dma_start3A_101 = arith.constant 0 : i32
          %dma_start3A_102 = tpu.memref_slice %arg4[%dma_start3A_101, %multiple_of3A] : memref<2x320000xi32, #tpu.memory_space<hbm>> -> memref<2x128xi32, #tpu.memory_space<hbm>>
          %dma_start3A_103 = arith.constant 0 : i32
          %dma_start3A_104 = tpu.memref_slice %arg4[%dma_start3A_103, %multiple_of3A] : memref<2x320000xi32, #tpu.memory_space<hbm>> -> memref<2x128xi32, #tpu.memory_space<hbm>>
          tpu.enqueue_dma source(%dma_start3A_104 : memref<2x128xi32, #tpu.memory_space<hbm>>) target(%arg7 : memref<2x128xi32, #tpu.memory_space<vmem>>) target_semaphore(%run_scoped3A_100 : memref<!tpu.dma_semaphore, #tpu.memory_space<semaphore_mem>>)
          %dma_wait3A_105 = arith.constant 0 : i32
          %dma_wait3A_106 = tpu.memref_slice %arg4[%dma_wait3A_105, %multiple_of3A] : memref<2x320000xi32, #tpu.memory_space<hbm>> -> memref<2x128xi32, #tpu.memory_space<hbm>>
          %dma_wait3A_107 = arith.constant 0 : i32
          %dma_wait3A_108 = tpu.memref_slice %arg4[%dma_wait3A_107, %multiple_of3A] : memref<2x320000xi32, #tpu.memory_space<hbm>> -> memref<2x128xi32, #tpu.memory_space<hbm>>
          tpu.wait_dma2 semaphore(%run_scoped3A_100 : memref<!tpu.dma_semaphore, #tpu.memory_space<semaphore_mem>>) src(%dma_wait3A_108 : memref<2x128xi32, #tpu.memory_space<hbm>>) dst(%arg7 : memref<2x128xi32, #tpu.memory_space<vmem>>)
          tpu.yield
        }) : () -> ()
        %dma_start3A = arith.constant 0 : i32
        %dma_start3A_35 = arith.constant 0 : i32
        %dma_start3A_36 = tpu.memref_slice %arg7[%dma_start3A, %dma_start3A_35] : memref<2x128xi32, #tpu.memory_space<vmem>> -> memref<1x128xi32, #tpu.memory_space<vmem>>
        %dma_start3A_37 = tpu.memref_squeeze %dma_start3A_36 : memref<1x128xi32, #tpu.memory_space<vmem>> -> memref<128xi32, #tpu.memory_space<vmem>>
        %dma_start3A_38 = arith.constant 0 : i32
        %dma_start3A_39 = arith.constant 0 : i32
        %dma_start3A_40 = tpu.memref_slice %arg2[%dma_start3A_38, %dma_start3A_39] : memref<10000x128xf32, #tpu.memory_space<hbm>> -> memref<10000x128xf32, #tpu.memory_space<hbm>>
        tpu.enqueue_indirect_dma source(%dma_start3A_40 : memref<10000x128xf32, #tpu.memory_space<hbm>>) target(%arg8 : memref<128x128xf32, #tpu.memory_space<vmem>>) offsets(%dma_start3A_37 : memref<128xi32, #tpu.memory_space<vmem>>) semaphore(%arg13 : memref<!tpu.dma_semaphore, #tpu.memory_space<semaphore_mem>>)
        %dma_start3A_41 = arith.constant 0 : i32
        %dma_start3A_42 = arith.constant 0 : i32
        %dma_start3A_43 = tpu.memref_slice %arg3[%add3A_30, %dma_start3A_41, %dma_start3A_42] : memref<2500x128x128xf32, #tpu.memory_space<hbm>> -> memref<1x128x128xf32, #tpu.memory_space<hbm>>
        %dma_start3A_44 = tpu.memref_squeeze %dma_start3A_43 : memref<1x128x128xf32, #tpu.memory_space<hbm>> -> memref<128x128xf32, #tpu.memory_space<hbm>>
        %dma_start3A_45 = arith.constant 0 : i32
        %dma_start3A_46 = arith.constant 0 : i32
        %dma_start3A_47 = tpu.memref_slice %arg3[%add3A_30, %dma_start3A_45, %dma_start3A_46] : memref<2500x128x128xf32, #tpu.memory_space<hbm>> -> memref<1x128x128xf32, #tpu.memory_space<hbm>>
        %dma_start3A_48 = tpu.memref_squeeze %dma_start3A_47 : memref<1x128x128xf32, #tpu.memory_space<hbm>> -> memref<128x128xf32, #tpu.memory_space<hbm>>
        tpu.enqueue_dma source(%dma_start3A_48 : memref<128x128xf32, #tpu.memory_space<hbm>>) target(%arg9 : memref<128x128xf32, #tpu.memory_space<vmem>>) target_semaphore(%arg14 : memref<!tpu.dma_semaphore, #tpu.memory_space<semaphore_mem>>)
        %dma_wait3A = arith.constant 0 : i32
        %dma_wait3A_49 = arith.constant 0 : i32
        %dma_wait3A_50 = tpu.memref_slice %arg7[%dma_wait3A, %dma_wait3A_49] : memref<2x128xi32, #tpu.memory_space<vmem>> -> memref<1x128xi32, #tpu.memory_space<vmem>>
        %dma_wait3A_51 = tpu.memref_squeeze %dma_wait3A_50 : memref<1x128xi32, #tpu.memory_space<vmem>> -> memref<128xi32, #tpu.memory_space<vmem>>
        %dma_wait3A_52 = arith.constant 0 : i32
        %dma_wait3A_53 = arith.constant 0 : i32
        %dma_wait3A_54 = tpu.memref_slice %arg2[%dma_wait3A_52, %dma_wait3A_53] : memref<10000x128xf32, #tpu.memory_space<hbm>> -> memref<10000x128xf32, #tpu.memory_space<hbm>>
        tpu.wait_indirect_dma semaphore(%arg13 : memref<!tpu.dma_semaphore, #tpu.memory_space<semaphore_mem>>) src(%dma_wait3A_54 : memref<10000x128xf32, #tpu.memory_space<hbm>>) dst(%arg8 : memref<128x128xf32, #tpu.memory_space<vmem>>)
        %dma_wait3A_55 = arith.constant 0 : i32
        %dma_wait3A_56 = arith.constant 0 : i32
        %dma_wait3A_57 = tpu.memref_slice %arg3[%add3A_30, %dma_wait3A_55, %dma_wait3A_56] : memref<2500x128x128xf32, #tpu.memory_space<hbm>> -> memref<1x128x128xf32, #tpu.memory_space<hbm>>
        %dma_wait3A_58 = tpu.memref_squeeze %dma_wait3A_57 : memref<1x128x128xf32, #tpu.memory_space<hbm>> -> memref<128x128xf32, #tpu.memory_space<hbm>>
        %dma_wait3A_59 = arith.constant 0 : i32
        %dma_wait3A_60 = arith.constant 0 : i32
        %dma_wait3A_61 = tpu.memref_slice %arg3[%add3A_30, %dma_wait3A_59, %dma_wait3A_60] : memref<2500x128x128xf32, #tpu.memory_space<hbm>> -> memref<1x128x128xf32, #tpu.memory_space<hbm>>
        %dma_wait3A_62 = tpu.memref_squeeze %dma_wait3A_61 : memref<1x128x128xf32, #tpu.memory_space<hbm>> -> memref<128x128xf32, #tpu.memory_space<hbm>>
        tpu.wait_dma2 semaphore(%arg14 : memref<!tpu.dma_semaphore, #tpu.memory_space<semaphore_mem>>) src(%dma_wait3A_62 : memref<128x128xf32, #tpu.memory_space<hbm>>) dst(%arg9 : memref<128x128xf32, #tpu.memory_space<vmem>>)
        %scan3A_63 = arith.constant 0 : i32
        %scan3A_64 = arith.constant 128 : i32
        %scan3A_65 = arith.addi %scan3A_63, %scan3A_64 : i32
        %scan3A_66 = arith.constant 1 : i32
        scf.for %scan3A_100 = %scan3A_63 to %scan3A_65 step %scan3A_66  : i32 {
          %mul3A_101 = arith.constant 1 : i32
          %mul3A_102 = arith.muli %scan3A_100, %mul3A_101 : i32
          %add3A_103 = arith.constant 0 : i32
          %add3A_104 = arith.addi %add3A_103, %mul3A_102 : i32
          %get3A_105 = arith.index_cast %add3A_104 : i32 to index
          %get3A_106 = arith.constant 0 : index
          %get3A_107 = tpu.vector_load %arg8[%get3A_105, %get3A_106] {strides = array<i32>} : memref<128x128xf32, #tpu.memory_space<vmem>>, vector<16xf32>,
          %get3A_108 = arith.index_cast %add3A_104 : i32 to index
          %get3A_109 = arith.constant 0 : index
          %get3A_110 = tpu.vector_load %arg9[%get3A_108, %get3A_109] {strides = array<i32>} : memref<128x128xf32, #tpu.memory_space<vmem>>, vector<16xf32>,
          %add3A_111 = arith.addf %get3A_107, %get3A_110 : vector<16xf32>
          %max3A = arith.constant 0.000000e+00 : f32
          %max3A_112 = vector.broadcast %max3A : f32 to vector<16xf32>
          %max3A_113 = arith.maximumf %add3A_111, %max3A_112 : vector<16xf32>
          %swap3A = arith.index_cast %add3A_104 : i32 to index
          %swap3A_114 = arith.constant 0 : index
          %swap3A_115 = tpu.vector_load %arg8[%swap3A, %swap3A_114] {strides = array<i32>} : memref<128x128xf32, #tpu.memory_space<vmem>>, vector<16xf32>,
          tpu.vector_store %arg8[%swap3A, %swap3A_114], %max3A_113 {strides = array<i32>} : memref<128x128xf32, #tpu.memory_space<vmem>>, vector<16xf32>,
          %get3A_116 = arith.index_cast %add3A_104 : i32 to index
          %get3A_117 = arith.constant 16 : index
          %get3A_118 = tpu.vector_load %arg8[%get3A_116, %get3A_117] {strides = array<i32>} : memref<128x128xf32, #tpu.memory_space<vmem>>, vector<16xf32>,
          %get3A_119 = arith.index_cast %add3A_104 : i32 to index
          %get3A_120 = arith.constant 16 : index
          %get3A_121 = tpu.vector_load %arg9[%get3A_119, %get3A_120] {strides = array<i32>} : memref<128x128xf32, #tpu.memory_space<vmem>>, vector<16xf32>,
          %add3A_122 = arith.addf %get3A_118, %get3A_121 : vector<16xf32>
          %max3A_123 = arith.constant 0.000000e+00 : f32
          %max3A_124 = vector.broadcast %max3A_123 : f32 to vector<16xf32>
          %max3A_125 = arith.maximumf %add3A_122, %max3A_124 : vector<16xf32>
          %swap3A_126 = arith.index_cast %add3A_104 : i32 to index
          %swap3A_127 = arith.constant 16 : index
          %swap3A_128 = tpu.vector_load %arg8[%swap3A_126, %swap3A_127] {strides = array<i32>} : memref<128x128xf32, #tpu.memory_space<vmem>>, vector<16xf32>,
          tpu.vector_store %arg8[%swap3A_126, %swap3A_127], %max3A_125 {strides = array<i32>} : memref<128x128xf32, #tpu.memory_space<vmem>>, vector<16xf32>,
          %get3A_129 = arith.index_cast %add3A_104 : i32 to index
          %get3A_130 = arith.constant 32 : index
          %get3A_131 = tpu.vector_load %arg8[%get3A_129, %get3A_130] {strides = array<i32>} : memref<128x128xf32, #tpu.memory_space<vmem>>, vector<16xf32>,
          %get3A_132 = arith.index_cast %add3A_104 : i32 to index
          %get3A_133 = arith.constant 32 : index
          %get3A_134 = tpu.vector_load %arg9[%get3A_132, %get3A_133] {strides = array<i32>} : memref<128x128xf32, #tpu.memory_space<vmem>>, vector<16xf32>,
          %add3A_135 = arith.addf %get3A_131, %get3A_134 : vector<16xf32>
          %max3A_136 = arith.constant 0.000000e+00 : f32
          %max3A_137 = vector.broadcast %max3A_136 : f32 to vector<16xf32>
          %max3A_138 = arith.maximumf %add3A_135, %max3A_137 : vector<16xf32>
          %swap3A_139 = arith.index_cast %add3A_104 : i32 to index
          %swap3A_140 = arith.constant 32 : index
          %swap3A_141 = tpu.vector_load %arg8[%swap3A_139, %swap3A_140] {strides = array<i32>} : memref<128x128xf32, #tpu.memory_space<vmem>>, vector<16xf32>,
          tpu.vector_store %arg8[%swap3A_139, %swap3A_140], %max3A_138 {strides = array<i32>} : memref<128x128xf32, #tpu.memory_space<vmem>>, vector<16xf32>,
          %get3A_142 = arith.index_cast %add3A_104 : i32 to index
          %get3A_143 = arith.constant 48 : index
          %get3A_144 = tpu.vector_load %arg8[%get3A_142, %get3A_143] {strides = array<i32>} : memref<128x128xf32, #tpu.memory_space<vmem>>, vector<16xf32>,
          %get3A_145 = arith.index_cast %add3A_104 : i32 to index
          %get3A_146 = arith.constant 48 : index
          %get3A_147 = tpu.vector_load %arg9[%get3A_145, %get3A_146] {strides = array<i32>} : memref<128x128xf32, #tpu.memory_space<vmem>>, vector<16xf32>,
          %add3A_148 = arith.addf %get3A_144, %get3A_147 : vector<16xf32>
          %max3A_149 = arith.constant 0.000000e+00 : f32
          %max3A_150 = vector.broadcast %max3A_149 : f32 to vector<16xf32>
          %max3A_151 = arith.maximumf %add3A_148, %max3A_150 : vector<16xf32>
          %swap3A_152 = arith.index_cast %add3A_104 : i32 to index
          %swap3A_153 = arith.constant 48 : index
          %swap3A_154 = tpu.vector_load %arg8[%swap3A_152, %swap3A_153] {strides = array<i32>} : memref<128x128xf32, #tpu.memory_space<vmem>>, vector<16xf32>,
          tpu.vector_store %arg8[%swap3A_152, %swap3A_153], %max3A_151 {strides = array<i32>} : memref<128x128xf32, #tpu.memory_space<vmem>>, vector<16xf32>,
          %get3A_155 = arith.index_cast %add3A_104 : i32 to index
          %get3A_156 = arith.constant 64 : index
          %get3A_157 = tpu.vector_load %arg8[%get3A_155, %get3A_156] {strides = array<i32>} : memref<128x128xf32, #tpu.memory_space<vmem>>, vector<16xf32>,
          %get3A_158 = arith.index_cast %add3A_104 : i32 to index
          %get3A_159 = arith.constant 64 : index
          %get3A_160 = tpu.vector_load %arg9[%get3A_158, %get3A_159] {strides = array<i32>} : memref<128x128xf32, #tpu.memory_space<vmem>>, vector<16xf32>,
          %add3A_161 = arith.addf %get3A_157, %get3A_160 : vector<16xf32>
          %max3A_162 = arith.constant 0.000000e+00 : f32
          %max3A_163 = vector.broadcast %max3A_162 : f32 to vector<16xf32>
          %max3A_164 = arith.maximumf %add3A_161, %max3A_163 : vector<16xf32>
          %swap3A_165 = arith.index_cast %add3A_104 : i32 to index
          %swap3A_166 = arith.constant 64 : index
          %swap3A_167 = tpu.vector_load %arg8[%swap3A_165, %swap3A_166] {strides = array<i32>} : memref<128x128xf32, #tpu.memory_space<vmem>>, vector<16xf32>,
          tpu.vector_store %arg8[%swap3A_165, %swap3A_166], %max3A_164 {strides = array<i32>} : memref<128x128xf32, #tpu.memory_space<vmem>>, vector<16xf32>,
          %get3A_168 = arith.index_cast %add3A_104 : i32 to index
          %get3A_169 = arith.constant 80 : index
          %get3A_170 = tpu.vector_load %arg8[%get3A_168, %get3A_169] {strides = array<i32>} : memref<128x128xf32, #tpu.memory_space<vmem>>, vector<16xf32>,
          %get3A_171 = arith.index_cast %add3A_104 : i32 to index
          %get3A_172 = arith.constant 80 : index
          %get3A_173 = tpu.vector_load %arg9[%get3A_171, %get3A_172] {strides = array<i32>} : memref<128x128xf32, #tpu.memory_space<vmem>>, vector<16xf32>,
          %add3A_174 = arith.addf %get3A_170, %get3A_173 : vector<16xf32>
          %max3A_175 = arith.constant 0.000000e+00 : f32
          %max3A_176 = vector.broadcast %max3A_175 : f32 to vector<16xf32>
          %max3A_177 = arith.maximumf %add3A_174, %max3A_176 : vector<16xf32>
          %swap3A_178 = arith.index_cast %add3A_104 : i32 to index
          %swap3A_179 = arith.constant 80 : index
          %swap3A_180 = tpu.vector_load %arg8[%swap3A_178, %swap3A_179] {strides = array<i32>} : memref<128x128xf32, #tpu.memory_space<vmem>>, vector<16xf32>,
          tpu.vector_store %arg8[%swap3A_178, %swap3A_179], %max3A_177 {strides = array<i32>} : memref<128x128xf32, #tpu.memory_space<vmem>>, vector<16xf32>,
          %get3A_181 = arith.index_cast %add3A_104 : i32 to index
          %get3A_182 = arith.constant 96 : index
          %get3A_183 = tpu.vector_load %arg8[%get3A_181, %get3A_182] {strides = array<i32>} : memref<128x128xf32, #tpu.memory_space<vmem>>, vector<16xf32>,
          %get3A_184 = arith.index_cast %add3A_104 : i32 to index
          %get3A_185 = arith.constant 96 : index
          %get3A_186 = tpu.vector_load %arg9[%get3A_184, %get3A_185] {strides = array<i32>} : memref<128x128xf32, #tpu.memory_space<vmem>>, vector<16xf32>,
          %add3A_187 = arith.addf %get3A_183, %get3A_186 : vector<16xf32>
          %max3A_188 = arith.constant 0.000000e+00 : f32
          %max3A_189 = vector.broadcast %max3A_188 : f32 to vector<16xf32>
          %max3A_190 = arith.maximumf %add3A_187, %max3A_189 : vector<16xf32>
          %swap3A_191 = arith.index_cast %add3A_104 : i32 to index
          %swap3A_192 = arith.constant 96 : index
          %swap3A_193 = tpu.vector_load %arg8[%swap3A_191, %swap3A_192] {strides = array<i32>} : memref<128x128xf32, #tpu.memory_space<vmem>>, vector<16xf32>,
          tpu.vector_store %arg8[%swap3A_191, %swap3A_192], %max3A_190 {strides = array<i32>} : memref<128x128xf32, #tpu.memory_space<vmem>>, vector<16xf32>,
          %get3A_194 = arith.index_cast %add3A_104 : i32 to index
          %get3A_195 = arith.constant 112 : index
          %get3A_196 = tpu.vector_load %arg8[%get3A_194, %get3A_195] {strides = array<i32>} : memref<128x128xf32, #tpu.memory_space<vmem>>, vector<16xf32>,
          %get3A_197 = arith.index_cast %add3A_104 : i32 to index
          %get3A_198 = arith.constant 112 : index
          %get3A_199 = tpu.vector_load %arg9[%get3A_197, %get3A_198] {strides = array<i32>} : memref<128x128xf32, #tpu.memory_space<vmem>>, vector<16xf32>,
          %add3A_200 = arith.addf %get3A_196, %get3A_199 : vector<16xf32>
          %max3A_201 = arith.constant 0.000000e+00 : f32
          %max3A_202 = vector.broadcast %max3A_201 : f32 to vector<16xf32>
          %max3A_203 = arith.maximumf %add3A_200, %max3A_202 : vector<16xf32>
          %swap3A_204 = arith.index_cast %add3A_104 : i32 to index
          %swap3A_205 = arith.constant 112 : index
          %swap3A_206 = tpu.vector_load %arg8[%swap3A_204, %swap3A_205] {strides = array<i32>} : memref<128x128xf32, #tpu.memory_space<vmem>>, vector<16xf32>,
          tpu.vector_store %arg8[%swap3A_204, %swap3A_205], %max3A_203 {strides = array<i32>} : memref<128x128xf32, #tpu.memory_space<vmem>>, vector<16xf32>,
        }
        %scan3A_67 = arith.constant 128 : i32
        %run_scoped3A = arith.constant 1 : i32
        "tpu.region"() ({
          %run_scoped3A_100 = tpu.sem_alloc : memref<!tpu.dma_semaphore, #tpu.memory_space<semaphore_mem>>
          %dma_start3A_101 = arith.constant 0 : i32
          %dma_start3A_102 = tpu.memref_slice %arg7[%run_scoped3A, %dma_start3A_101] : memref<2x128xi32, #tpu.memory_space<vmem>> -> memref<1x128xi32, #tpu.memory_space<vmem>>
          %dma_start3A_103 = tpu.memref_squeeze %dma_start3A_102 : memref<1x128xi32, #tpu.memory_space<vmem>> -> memref<128xi32, #tpu.memory_space<vmem>>
          %dma_start3A_104 = arith.constant 0 : i32
          %dma_start3A_105 = arith.constant 0 : i32
          %dma_start3A_106 = tpu.memref_slice %arg12[%dma_start3A_104, %dma_start3A_105] : memref<10112x128xf32, #tpu.memory_space<vmem_shared>> -> memref<10112x128xf32, #tpu.memory_space<vmem_shared>>
          tpu.enqueue_indirect_dma source(%arg8 : memref<128x128xf32, #tpu.memory_space<vmem>>) target(%dma_start3A_106 : memref<10112x128xf32, #tpu.memory_space<vmem_shared>>) offsets(%dma_start3A_103 : memref<128xi32, #tpu.memory_space<vmem>>) semaphore(%run_scoped3A_100 : memref<!tpu.dma_semaphore, #tpu.memory_space<semaphore_mem>>) {add = true}
          %dma_wait3A_107 = arith.constant 0 : i32
          %dma_wait3A_108 = tpu.memref_slice %arg7[%run_scoped3A, %dma_wait3A_107] : memref<2x128xi32, #tpu.memory_space<vmem>> -> memref<1x128xi32, #tpu.memory_space<vmem>>
          %dma_wait3A_109 = tpu.memref_squeeze %dma_wait3A_108 : memref<1x128xi32, #tpu.memory_space<vmem>> -> memref<128xi32, #tpu.memory_space<vmem>>
          %dma_wait3A_110 = arith.constant 0 : i32
          %dma_wait3A_111 = arith.constant 0 : i32
          %dma_wait3A_112 = tpu.memref_slice %arg12[%dma_wait3A_110, %dma_wait3A_111] : memref<10112x128xf32, #tpu.memory_space<vmem_shared>> -> memref<10112x128xf32, #tpu.memory_space<vmem_shared>>
          tpu.wait_indirect_dma semaphore(%run_scoped3A_100 : memref<!tpu.dma_semaphore, #tpu.memory_space<semaphore_mem>>) src(%arg8 : memref<128x128xf32, #tpu.memory_space<vmem>>) dst(%dma_wait3A_112 : memref<10112x128xf32, #tpu.memory_space<vmem_shared>>)
          tpu.yield
        }) : () -> ()
        %broadcast_in_dim3A = arith.constant 1.000000e+00 : f32
        %broadcast_in_dim3A_68 = vector.broadcast %broadcast_in_dim3A : f32 to vector<16xf32>
        %get3A = arith.constant 1 : i32
        %get3A_69 = arith.index_cast %get3A : i32 to index
        %get3A_70 = arith.constant 0 : index
        %get3A_71 = tpu.vector_load %arg7[%get3A_69, %get3A_70] {strides = array<i32>} : memref<2x128xi32, #tpu.memory_space<vmem>>, vector<16xi32>,
        tpu.vector_store_idx %arg11[%get3A_71], %broadcast_in_dim3A_68 {add = true} : memref<10112xf32, #tpu.memory_space<vmem>>[vector<16xi32>], vector<16xf32>,
        %get3A_72 = arith.constant 1 : i32
        %get3A_73 = arith.index_cast %get3A_72 : i32 to index
        %get3A_74 = arith.constant 16 : index
        %get3A_75 = tpu.vector_load %arg7[%get3A_73, %get3A_74] {strides = array<i32>} : memref<2x128xi32, #tpu.memory_space<vmem>>, vector<16xi32>,
        tpu.vector_store_idx %arg11[%get3A_75], %broadcast_in_dim3A_68 {add = true} : memref<10112xf32, #tpu.memory_space<vmem>>[vector<16xi32>], vector<16xf32>,
        %get3A_76 = arith.constant 1 : i32
        %get3A_77 = arith.index_cast %get3A_76 : i32 to index
        %get3A_78 = arith.constant 32 : index
        %get3A_79 = tpu.vector_load %arg7[%get3A_77, %get3A_78] {strides = array<i32>} : memref<2x128xi32, #tpu.memory_space<vmem>>, vector<16xi32>,
        tpu.vector_store_idx %arg11[%get3A_79], %broadcast_in_dim3A_68 {add = true} : memref<10112xf32, #tpu.memory_space<vmem>>[vector<16xi32>], vector<16xf32>,
        %get3A_80 = arith.constant 1 : i32
        %get3A_81 = arith.index_cast %get3A_80 : i32 to index
        %get3A_82 = arith.constant 48 : index
        %get3A_83 = tpu.vector_load %arg7[%get3A_81, %get3A_82] {strides = array<i32>} : memref<2x128xi32, #tpu.memory_space<vmem>>, vector<16xi32>,
        tpu.vector_store_idx %arg11[%get3A_83], %broadcast_in_dim3A_68 {add = true} : memref<10112xf32, #tpu.memory_space<vmem>>[vector<16xi32>], vector<16xf32>,
        %get3A_84 = arith.constant 1 : i32
        %get3A_85 = arith.index_cast %get3A_84 : i32 to index
        %get3A_86 = arith.constant 64 : index
        %get3A_87 = tpu.vector_load %arg7[%get3A_85, %get3A_86] {strides = array<i32>} : memref<2x128xi32, #tpu.memory_space<vmem>>, vector<16xi32>,
        tpu.vector_store_idx %arg11[%get3A_87], %broadcast_in_dim3A_68 {add = true} : memref<10112xf32, #tpu.memory_space<vmem>>[vector<16xi32>], vector<16xf32>,
        %get3A_88 = arith.constant 1 : i32
        %get3A_89 = arith.index_cast %get3A_88 : i32 to index
        %get3A_90 = arith.constant 80 : index
        %get3A_91 = tpu.vector_load %arg7[%get3A_89, %get3A_90] {strides = array<i32>} : memref<2x128xi32, #tpu.memory_space<vmem>>, vector<16xi32>,
        tpu.vector_store_idx %arg11[%get3A_91], %broadcast_in_dim3A_68 {add = true} : memref<10112xf32, #tpu.memory_space<vmem>>[vector<16xi32>], vector<16xf32>,
        %get3A_92 = arith.constant 1 : i32
        %get3A_93 = arith.index_cast %get3A_92 : i32 to index
        %get3A_94 = arith.constant 96 : index
        %get3A_95 = tpu.vector_load %arg7[%get3A_93, %get3A_94] {strides = array<i32>} : memref<2x128xi32, #tpu.memory_space<vmem>>, vector<16xi32>,
        tpu.vector_store_idx %arg11[%get3A_95], %broadcast_in_dim3A_68 {add = true} : memref<10112xf32, #tpu.memory_space<vmem>>[vector<16xi32>], vector<16xf32>,
        %get3A_96 = arith.constant 1 : i32
        %get3A_97 = arith.index_cast %get3A_96 : i32 to index
        %get3A_98 = arith.constant 112 : index
        %get3A_99 = tpu.vector_load %arg7[%get3A_97, %get3A_98] {strides = array<i32>} : memref<2x128xi32, #tpu.memory_space<vmem>>, vector<16xi32>,
        tpu.vector_store_idx %arg11[%get3A_99], %broadcast_in_dim3A_68 {add = true} : memref<10112xf32, #tpu.memory_space<vmem>>[vector<16xi32>], vector<16xf32>,
      } else {
      }
    }
    %scan3A_21 = arith.constant 79 : i32
    %barrier3A_22 = arith.constant 0 : index
    tpu.barrier barrier_id(%barrier3A_22)
    "tpu.region"() ({
      %run_scoped3A = tpu.sem_alloc : memref<!tpu.dma_semaphore, #tpu.memory_space<semaphore_mem>>
      %dma_start3A = arith.constant 0 : i32
      %dma_start3A_23 = tpu.memref_slice %arg5[%arg0, %mul3A_2, %dma_start3A] : memref<2x10112x128xf32, #tpu.memory_space<hbm>> -> memref<1x632x128xf32, #tpu.memory_space<hbm>>
      %dma_start3A_24 = tpu.memref_squeeze %dma_start3A_23 : memref<1x632x128xf32, #tpu.memory_space<hbm>> -> memref<632x128xf32, #tpu.memory_space<hbm>>
      %dma_start3A_25 = arith.constant 0 : i32
      %dma_start3A_26 = tpu.memref_slice %arg12[%mul3A_2, %dma_start3A_25] : memref<10112x128xf32, #tpu.memory_space<vmem_shared>> -> memref<632x128xf32, #tpu.memory_space<vmem_shared>>
      tpu.enqueue_dma source(%dma_start3A_26 : memref<632x128xf32, #tpu.memory_space<vmem_shared>>) target(%dma_start3A_24 : memref<632x128xf32, #tpu.memory_space<hbm>>) target_semaphore(%run_scoped3A : memref<!tpu.dma_semaphore, #tpu.memory_space<semaphore_mem>>)
      %dma_wait3A = arith.constant 0 : i32
      %dma_wait3A_27 = tpu.memref_slice %arg5[%arg0, %mul3A_2, %dma_wait3A] : memref<2x10112x128xf32, #tpu.memory_space<hbm>> -> memref<1x632x128xf32, #tpu.memory_space<hbm>>
      %dma_wait3A_28 = tpu.memref_squeeze %dma_wait3A_27 : memref<1x632x128xf32, #tpu.memory_space<hbm>> -> memref<632x128xf32, #tpu.memory_space<hbm>>
      %dma_wait3A_29 = arith.constant 0 : i32
      %dma_wait3A_30 = tpu.memref_slice %arg12[%mul3A_2, %dma_wait3A_29] : memref<10112x128xf32, #tpu.memory_space<vmem_shared>> -> memref<632x128xf32, #tpu.memory_space<vmem_shared>>
      tpu.wait_dma2 semaphore(%run_scoped3A : memref<!tpu.dma_semaphore, #tpu.memory_space<semaphore_mem>>) src(%dma_wait3A_30 : memref<632x128xf32, #tpu.memory_space<vmem_shared>>) dst(%dma_wait3A_28 : memref<632x128xf32, #tpu.memory_space<hbm>>)
      tpu.yield
    }) : () -> ()
    "tpu.region"() ({
      %run_scoped3A = tpu.sem_alloc : memref<!tpu.dma_semaphore, #tpu.memory_space<semaphore_mem>>
      %dma_start3A = arith.constant 0 : i32
      %dma_start3A_23 = tpu.memref_slice %arg6[%add3A, %dma_start3A] : memref<32x10112xf32, #tpu.memory_space<hbm>> -> memref<1x10112xf32, #tpu.memory_space<hbm>>
      %dma_start3A_24 = tpu.memref_squeeze %dma_start3A_23 : memref<1x10112xf32, #tpu.memory_space<hbm>> -> memref<10112xf32, #tpu.memory_space<hbm>>
      %dma_start3A_25 = arith.constant 0 : i32
      %dma_start3A_26 = tpu.memref_slice %arg6[%add3A, %dma_start3A_25] : memref<32x10112xf32, #tpu.memory_space<hbm>> -> memref<1x10112xf32, #tpu.memory_space<hbm>>
      %dma_start3A_27 = tpu.memref_squeeze %dma_start3A_26 : memref<1x10112xf32, #tpu.memory_space<hbm>> -> memref<10112xf32, #tpu.memory_space<hbm>>
      tpu.enqueue_dma source(%arg11 : memref<10112xf32, #tpu.memory_space<vmem>>) target(%dma_start3A_27 : memref<10112xf32, #tpu.memory_space<hbm>>) target_semaphore(%run_scoped3A : memref<!tpu.dma_semaphore, #tpu.memory_space<semaphore_mem>>)
      %dma_wait3A = arith.constant 0 : i32
      %dma_wait3A_28 = tpu.memref_slice %arg6[%add3A, %dma_wait3A] : memref<32x10112xf32, #tpu.memory_space<hbm>> -> memref<1x10112xf32, #tpu.memory_space<hbm>>
      %dma_wait3A_29 = tpu.memref_squeeze %dma_wait3A_28 : memref<1x10112xf32, #tpu.memory_space<hbm>> -> memref<10112xf32, #tpu.memory_space<hbm>>
      %dma_wait3A_30 = arith.constant 0 : i32
      %dma_wait3A_31 = tpu.memref_slice %arg6[%add3A, %dma_wait3A_30] : memref<32x10112xf32, #tpu.memory_space<hbm>> -> memref<1x10112xf32, #tpu.memory_space<hbm>>
      %dma_wait3A_32 = tpu.memref_squeeze %dma_wait3A_31 : memref<1x10112xf32, #tpu.memory_space<hbm>> -> memref<10112xf32, #tpu.memory_space<hbm>>
      tpu.wait_dma2 semaphore(%run_scoped3A : memref<!tpu.dma_semaphore, #tpu.memory_space<semaphore_mem>>) src(%arg11 : memref<10112xf32, #tpu.memory_space<vmem>>) dst(%dma_wait3A_32 : memref<10112xf32, #tpu.memory_space<hbm>>)
      tpu.yield
    }) : () -> ()
    return
  }
}

#map = affine_map<(d0, d1) -> (0, 0)>
#map1 = affine_map<(d0, d1) -> (0, 0, 0)>
module attributes {stable_mosaic.version = 14 : i64} {
  func.func @_gcn_pass(%arg0: i32, %arg1: i32, %arg2: memref<10000x128xf32, #tpu.memory_space<hbm>>, %arg3: memref<2x320000xi32, #tpu.memory_space<hbm>>, %arg4: memref<2x10112x128xf32, #tpu.memory_space<hbm>>, %arg5: memref<2x128xi32, #tpu.memory_space<vmem>>, %arg6: memref<2x128xi32, #tpu.memory_space<vmem>>, %arg7: memref<128x128xf32, #tpu.memory_space<vmem>>, %arg8: memref<128x128xf32, #tpu.memory_space<vmem>>, %arg9: memref<10112x128xf32, #tpu.memory_space<vmem_shared>>, %arg10: memref<!tpu.dma_semaphore, #tpu.memory_space<semaphore_mem>>, %arg11: memref<!tpu.dma_semaphore, #tpu.memory_space<semaphore_mem>>, %arg12: memref<!tpu.dma_semaphore, #tpu.memory_space<semaphore_mem>>, %arg13: memref<!tpu.dma_semaphore, #tpu.memory_space<semaphore_mem>>) attributes {dimension_semantics = [#tpu.dimension_semantics<core_parallel>, #tpu.dimension_semantics<subcore_parallel>], iteration_bounds = array<i64: 2, 16>, scalar_prefetch = 0 : i64, scratch_operands = 9 : i64, tpu.core_type = #tpu.core_type<sc_vector_subcore>, window_params = [{transform_indices = #map}, {transform_indices = #map}, {transform_indices = #map1}]} {
    %mul3A = arith.constant 16 : i32
    %mul3A_0 = arith.muli %arg0, %mul3A : i32
    %add3A = arith.addi %mul3A_0, %arg1 : i32
    %mul3A_1 = arith.constant 632 : i32
    %mul3A_2 = arith.muli %arg1, %mul3A_1 : i32
    %scan3A = arith.constant 0 : i32
    %scan3A_3 = arith.constant 128 : i32
    %scan3A_4 = arith.addi %scan3A, %scan3A_3 : i32
    %scan3A_5 = arith.constant 1 : i32
    scf.for %scan3A_27 = %scan3A to %scan3A_4 step %scan3A_5  : i32 {
      %mul3A_28 = arith.constant 1 : i32
      %mul3A_29 = arith.muli %scan3A_27, %mul3A_28 : i32
      %add3A_30 = arith.constant 0 : i32
      %add3A_31 = arith.addi %add3A_30, %mul3A_29 : i32
      %broadcast_in_dim3A = arith.constant 0.000000e+00 : f32
      %broadcast_in_dim3A_32 = vector.broadcast %broadcast_in_dim3A : f32 to vector<16xf32>
      %swap3A = arith.index_cast %add3A_31 : i32 to index
      %swap3A_33 = arith.constant 0 : index
      %swap3A_34 = tpu.vector_load %arg7[%swap3A, %swap3A_33] {strides = array<i32>} : memref<128x128xf32, #tpu.memory_space<vmem>>, vector<16xf32>,
      tpu.vector_store %arg7[%swap3A, %swap3A_33], %broadcast_in_dim3A_32 {strides = array<i32>} : memref<128x128xf32, #tpu.memory_space<vmem>>, vector<16xf32>,
      %broadcast_in_dim3A_35 = arith.constant 0.000000e+00 : f32
      %broadcast_in_dim3A_36 = vector.broadcast %broadcast_in_dim3A_35 : f32 to vector<16xf32>
      %swap3A_37 = arith.index_cast %add3A_31 : i32 to index
      %swap3A_38 = arith.constant 16 : index
      %swap3A_39 = tpu.vector_load %arg7[%swap3A_37, %swap3A_38] {strides = array<i32>} : memref<128x128xf32, #tpu.memory_space<vmem>>, vector<16xf32>,
      tpu.vector_store %arg7[%swap3A_37, %swap3A_38], %broadcast_in_dim3A_36 {strides = array<i32>} : memref<128x128xf32, #tpu.memory_space<vmem>>, vector<16xf32>,
      %broadcast_in_dim3A_40 = arith.constant 0.000000e+00 : f32
      %broadcast_in_dim3A_41 = vector.broadcast %broadcast_in_dim3A_40 : f32 to vector<16xf32>
      %swap3A_42 = arith.index_cast %add3A_31 : i32 to index
      %swap3A_43 = arith.constant 32 : index
      %swap3A_44 = tpu.vector_load %arg7[%swap3A_42, %swap3A_43] {strides = array<i32>} : memref<128x128xf32, #tpu.memory_space<vmem>>, vector<16xf32>,
      tpu.vector_store %arg7[%swap3A_42, %swap3A_43], %broadcast_in_dim3A_41 {strides = array<i32>} : memref<128x128xf32, #tpu.memory_space<vmem>>, vector<16xf32>,
      %broadcast_in_dim3A_45 = arith.constant 0.000000e+00 : f32
      %broadcast_in_dim3A_46 = vector.broadcast %broadcast_in_dim3A_45 : f32 to vector<16xf32>
      %swap3A_47 = arith.index_cast %add3A_31 : i32 to index
      %swap3A_48 = arith.constant 48 : index
      %swap3A_49 = tpu.vector_load %arg7[%swap3A_47, %swap3A_48] {strides = array<i32>} : memref<128x128xf32, #tpu.memory_space<vmem>>, vector<16xf32>,
      tpu.vector_store %arg7[%swap3A_47, %swap3A_48], %broadcast_in_dim3A_46 {strides = array<i32>} : memref<128x128xf32, #tpu.memory_space<vmem>>, vector<16xf32>,
      %broadcast_in_dim3A_50 = arith.constant 0.000000e+00 : f32
      %broadcast_in_dim3A_51 = vector.broadcast %broadcast_in_dim3A_50 : f32 to vector<16xf32>
      %swap3A_52 = arith.index_cast %add3A_31 : i32 to index
      %swap3A_53 = arith.constant 64 : index
      %swap3A_54 = tpu.vector_load %arg7[%swap3A_52, %swap3A_53] {strides = array<i32>} : memref<128x128xf32, #tpu.memory_space<vmem>>, vector<16xf32>,
      tpu.vector_store %arg7[%swap3A_52, %swap3A_53], %broadcast_in_dim3A_51 {strides = array<i32>} : memref<128x128xf32, #tpu.memory_space<vmem>>, vector<16xf32>,
      %broadcast_in_dim3A_55 = arith.constant 0.000000e+00 : f32
      %broadcast_in_dim3A_56 = vector.broadcast %broadcast_in_dim3A_55 : f32 to vector<16xf32>
      %swap3A_57 = arith.index_cast %add3A_31 : i32 to index
      %swap3A_58 = arith.constant 80 : index
      %swap3A_59 = tpu.vector_load %arg7[%swap3A_57, %swap3A_58] {strides = array<i32>} : memref<128x128xf32, #tpu.memory_space<vmem>>, vector<16xf32>,
      tpu.vector_store %arg7[%swap3A_57, %swap3A_58], %broadcast_in_dim3A_56 {strides = array<i32>} : memref<128x128xf32, #tpu.memory_space<vmem>>, vector<16xf32>,
      %broadcast_in_dim3A_60 = arith.constant 0.000000e+00 : f32
      %broadcast_in_dim3A_61 = vector.broadcast %broadcast_in_dim3A_60 : f32 to vector<16xf32>
      %swap3A_62 = arith.index_cast %add3A_31 : i32 to index
      %swap3A_63 = arith.constant 96 : index
      %swap3A_64 = tpu.vector_load %arg7[%swap3A_62, %swap3A_63] {strides = array<i32>} : memref<128x128xf32, #tpu.memory_space<vmem>>, vector<16xf32>,
      tpu.vector_store %arg7[%swap3A_62, %swap3A_63], %broadcast_in_dim3A_61 {strides = array<i32>} : memref<128x128xf32, #tpu.memory_space<vmem>>, vector<16xf32>,
      %broadcast_in_dim3A_65 = arith.constant 0.000000e+00 : f32
      %broadcast_in_dim3A_66 = vector.broadcast %broadcast_in_dim3A_65 : f32 to vector<16xf32>
      %swap3A_67 = arith.index_cast %add3A_31 : i32 to index
      %swap3A_68 = arith.constant 112 : index
      %swap3A_69 = tpu.vector_load %arg7[%swap3A_67, %swap3A_68] {strides = array<i32>} : memref<128x128xf32, #tpu.memory_space<vmem>>, vector<16xf32>,
      tpu.vector_store %arg7[%swap3A_67, %swap3A_68], %broadcast_in_dim3A_66 {strides = array<i32>} : memref<128x128xf32, #tpu.memory_space<vmem>>, vector<16xf32>,
    }
    %scan3A_6 = arith.constant 128 : i32
    %add3A_7 = arith.constant 0 : i32
    %add3A_8 = arith.addi %mul3A_2, %add3A_7 : i32
    "tpu.region"() ({
      %run_scoped3A = tpu.sem_alloc : memref<!tpu.dma_semaphore, #tpu.memory_space<semaphore_mem>>
      %dma_start3A = arith.constant 0 : i32
      %dma_start3A_27 = tpu.memref_slice %arg9[%add3A_8, %dma_start3A] : memref<10112x128xf32, #tpu.memory_space<vmem_shared>> -> memref<128x128xf32, #tpu.memory_space<vmem_shared>>
      %dma_start3A_28 = arith.constant 0 : i32
      %dma_start3A_29 = tpu.memref_slice %arg9[%add3A_8, %dma_start3A_28] : memref<10112x128xf32, #tpu.memory_space<vmem_shared>> -> memref<128x128xf32, #tpu.memory_space<vmem_shared>>
      tpu.enqueue_dma source(%arg7 : memref<128x128xf32, #tpu.memory_space<vmem>>) target(%dma_start3A_29 : memref<128x128xf32, #tpu.memory_space<vmem_shared>>) target_semaphore(%run_scoped3A : memref<!tpu.dma_semaphore, #tpu.memory_space<semaphore_mem>>)
      %dma_wait3A = arith.constant 0 : i32
      %dma_wait3A_30 = tpu.memref_slice %arg9[%add3A_8, %dma_wait3A] : memref<10112x128xf32, #tpu.memory_space<vmem_shared>> -> memref<128x128xf32, #tpu.memory_space<vmem_shared>>
      %dma_wait3A_31 = arith.constant 0 : i32
      %dma_wait3A_32 = tpu.memref_slice %arg9[%add3A_8, %dma_wait3A_31] : memref<10112x128xf32, #tpu.memory_space<vmem_shared>> -> memref<128x128xf32, #tpu.memory_space<vmem_shared>>
      tpu.wait_dma2 semaphore(%run_scoped3A : memref<!tpu.dma_semaphore, #tpu.memory_space<semaphore_mem>>) src(%arg7 : memref<128x128xf32, #tpu.memory_space<vmem>>) dst(%dma_wait3A_32 : memref<128x128xf32, #tpu.memory_space<vmem_shared>>)
      tpu.yield
    }) : () -> ()
    %add3A_9 = arith.constant 128 : i32
    %add3A_10 = arith.addi %mul3A_2, %add3A_9 : i32
    "tpu.region"() ({
      %run_scoped3A = tpu.sem_alloc : memref<!tpu.dma_semaphore, #tpu.memory_space<semaphore_mem>>
      %dma_start3A = arith.constant 0 : i32
      %dma_start3A_27 = tpu.memref_slice %arg9[%add3A_10, %dma_start3A] : memref<10112x128xf32, #tpu.memory_space<vmem_shared>> -> memref<128x128xf32, #tpu.memory_space<vmem_shared>>
      %dma_start3A_28 = arith.constant 0 : i32
      %dma_start3A_29 = tpu.memref_slice %arg9[%add3A_10, %dma_start3A_28] : memref<10112x128xf32, #tpu.memory_space<vmem_shared>> -> memref<128x128xf32, #tpu.memory_space<vmem_shared>>
      tpu.enqueue_dma source(%arg7 : memref<128x128xf32, #tpu.memory_space<vmem>>) target(%dma_start3A_29 : memref<128x128xf32, #tpu.memory_space<vmem_shared>>) target_semaphore(%run_scoped3A : memref<!tpu.dma_semaphore, #tpu.memory_space<semaphore_mem>>)
      %dma_wait3A = arith.constant 0 : i32
      %dma_wait3A_30 = tpu.memref_slice %arg9[%add3A_10, %dma_wait3A] : memref<10112x128xf32, #tpu.memory_space<vmem_shared>> -> memref<128x128xf32, #tpu.memory_space<vmem_shared>>
      %dma_wait3A_31 = arith.constant 0 : i32
      %dma_wait3A_32 = tpu.memref_slice %arg9[%add3A_10, %dma_wait3A_31] : memref<10112x128xf32, #tpu.memory_space<vmem_shared>> -> memref<128x128xf32, #tpu.memory_space<vmem_shared>>
      tpu.wait_dma2 semaphore(%run_scoped3A : memref<!tpu.dma_semaphore, #tpu.memory_space<semaphore_mem>>) src(%arg7 : memref<128x128xf32, #tpu.memory_space<vmem>>) dst(%dma_wait3A_32 : memref<128x128xf32, #tpu.memory_space<vmem_shared>>)
      tpu.yield
    }) : () -> ()
    %add3A_11 = arith.constant 256 : i32
    %add3A_12 = arith.addi %mul3A_2, %add3A_11 : i32
    "tpu.region"() ({
      %run_scoped3A = tpu.sem_alloc : memref<!tpu.dma_semaphore, #tpu.memory_space<semaphore_mem>>
      %dma_start3A = arith.constant 0 : i32
      %dma_start3A_27 = tpu.memref_slice %arg9[%add3A_12, %dma_start3A] : memref<10112x128xf32, #tpu.memory_space<vmem_shared>> -> memref<128x128xf32, #tpu.memory_space<vmem_shared>>
      %dma_start3A_28 = arith.constant 0 : i32
      %dma_start3A_29 = tpu.memref_slice %arg9[%add3A_12, %dma_start3A_28] : memref<10112x128xf32, #tpu.memory_space<vmem_shared>> -> memref<128x128xf32, #tpu.memory_space<vmem_shared>>
      tpu.enqueue_dma source(%arg7 : memref<128x128xf32, #tpu.memory_space<vmem>>) target(%dma_start3A_29 : memref<128x128xf32, #tpu.memory_space<vmem_shared>>) target_semaphore(%run_scoped3A : memref<!tpu.dma_semaphore, #tpu.memory_space<semaphore_mem>>)
      %dma_wait3A = arith.constant 0 : i32
      %dma_wait3A_30 = tpu.memref_slice %arg9[%add3A_12, %dma_wait3A] : memref<10112x128xf32, #tpu.memory_space<vmem_shared>> -> memref<128x128xf32, #tpu.memory_space<vmem_shared>>
      %dma_wait3A_31 = arith.constant 0 : i32
      %dma_wait3A_32 = tpu.memref_slice %arg9[%add3A_12, %dma_wait3A_31] : memref<10112x128xf32, #tpu.memory_space<vmem_shared>> -> memref<128x128xf32, #tpu.memory_space<vmem_shared>>
      tpu.wait_dma2 semaphore(%run_scoped3A : memref<!tpu.dma_semaphore, #tpu.memory_space<semaphore_mem>>) src(%arg7 : memref<128x128xf32, #tpu.memory_space<vmem>>) dst(%dma_wait3A_32 : memref<128x128xf32, #tpu.memory_space<vmem_shared>>)
      tpu.yield
    }) : () -> ()
    %add3A_13 = arith.constant 384 : i32
    %add3A_14 = arith.addi %mul3A_2, %add3A_13 : i32
    "tpu.region"() ({
      %run_scoped3A = tpu.sem_alloc : memref<!tpu.dma_semaphore, #tpu.memory_space<semaphore_mem>>
      %dma_start3A = arith.constant 0 : i32
      %dma_start3A_27 = tpu.memref_slice %arg9[%add3A_14, %dma_start3A] : memref<10112x128xf32, #tpu.memory_space<vmem_shared>> -> memref<128x128xf32, #tpu.memory_space<vmem_shared>>
      %dma_start3A_28 = arith.constant 0 : i32
      %dma_start3A_29 = tpu.memref_slice %arg9[%add3A_14, %dma_start3A_28] : memref<10112x128xf32, #tpu.memory_space<vmem_shared>> -> memref<128x128xf32, #tpu.memory_space<vmem_shared>>
      tpu.enqueue_dma source(%arg7 : memref<128x128xf32, #tpu.memory_space<vmem>>) target(%dma_start3A_29 : memref<128x128xf32, #tpu.memory_space<vmem_shared>>) target_semaphore(%run_scoped3A : memref<!tpu.dma_semaphore, #tpu.memory_space<semaphore_mem>>)
      %dma_wait3A = arith.constant 0 : i32
      %dma_wait3A_30 = tpu.memref_slice %arg9[%add3A_14, %dma_wait3A] : memref<10112x128xf32, #tpu.memory_space<vmem_shared>> -> memref<128x128xf32, #tpu.memory_space<vmem_shared>>
      %dma_wait3A_31 = arith.constant 0 : i32
      %dma_wait3A_32 = tpu.memref_slice %arg9[%add3A_14, %dma_wait3A_31] : memref<10112x128xf32, #tpu.memory_space<vmem_shared>> -> memref<128x128xf32, #tpu.memory_space<vmem_shared>>
      tpu.wait_dma2 semaphore(%run_scoped3A : memref<!tpu.dma_semaphore, #tpu.memory_space<semaphore_mem>>) src(%arg7 : memref<128x128xf32, #tpu.memory_space<vmem>>) dst(%dma_wait3A_32 : memref<128x128xf32, #tpu.memory_space<vmem_shared>>)
      tpu.yield
    }) : () -> ()
    %add3A_15 = arith.constant 512 : i32
    %add3A_16 = arith.addi %mul3A_2, %add3A_15 : i32
    "tpu.region"() ({
      %run_scoped3A = tpu.sem_alloc : memref<!tpu.dma_semaphore, #tpu.memory_space<semaphore_mem>>
      %dma_start3A = arith.constant 0 : i32
      %dma_start3A_27 = arith.constant 0 : i32
      %dma_start3A_28 = tpu.memref_slice %arg7[%dma_start3A, %dma_start3A_27] : memref<128x128xf32, #tpu.memory_space<vmem>> -> memref<120x128xf32, #tpu.memory_space<vmem>>
      %dma_start3A_29 = arith.constant 0 : i32
      %dma_start3A_30 = tpu.memref_slice %arg9[%add3A_16, %dma_start3A_29] : memref<10112x128xf32, #tpu.memory_space<vmem_shared>> -> memref<120x128xf32, #tpu.memory_space<vmem_shared>>
      %dma_start3A_31 = arith.constant 0 : i32
      %dma_start3A_32 = tpu.memref_slice %arg9[%add3A_16, %dma_start3A_31] : memref<10112x128xf32, #tpu.memory_space<vmem_shared>> -> memref<120x128xf32, #tpu.memory_space<vmem_shared>>
      %dma_start3A_33 = arith.constant 0 : i32
      %dma_start3A_34 = arith.constant 0 : i32
      %dma_start3A_35 = tpu.memref_slice %arg7[%dma_start3A_33, %dma_start3A_34] : memref<128x128xf32, #tpu.memory_space<vmem>> -> memref<120x128xf32, #tpu.memory_space<vmem>>
      tpu.enqueue_dma source(%dma_start3A_35 : memref<120x128xf32, #tpu.memory_space<vmem>>) target(%dma_start3A_32 : memref<120x128xf32, #tpu.memory_space<vmem_shared>>) target_semaphore(%run_scoped3A : memref<!tpu.dma_semaphore, #tpu.memory_space<semaphore_mem>>)
      %dma_wait3A = arith.constant 0 : i32
      %dma_wait3A_36 = arith.constant 0 : i32
      %dma_wait3A_37 = tpu.memref_slice %arg7[%dma_wait3A, %dma_wait3A_36] : memref<128x128xf32, #tpu.memory_space<vmem>> -> memref<120x128xf32, #tpu.memory_space<vmem>>
      %dma_wait3A_38 = arith.constant 0 : i32
      %dma_wait3A_39 = tpu.memref_slice %arg9[%add3A_16, %dma_wait3A_38] : memref<10112x128xf32, #tpu.memory_space<vmem_shared>> -> memref<120x128xf32, #tpu.memory_space<vmem_shared>>
      %dma_wait3A_40 = arith.constant 0 : i32
      %dma_wait3A_41 = tpu.memref_slice %arg9[%add3A_16, %dma_wait3A_40] : memref<10112x128xf32, #tpu.memory_space<vmem_shared>> -> memref<120x128xf32, #tpu.memory_space<vmem_shared>>
      %dma_wait3A_42 = arith.constant 0 : i32
      %dma_wait3A_43 = arith.constant 0 : i32
      %dma_wait3A_44 = tpu.memref_slice %arg7[%dma_wait3A_42, %dma_wait3A_43] : memref<128x128xf32, #tpu.memory_space<vmem>> -> memref<120x128xf32, #tpu.memory_space<vmem>>
      tpu.wait_dma2 semaphore(%run_scoped3A : memref<!tpu.dma_semaphore, #tpu.memory_space<semaphore_mem>>) src(%dma_wait3A_44 : memref<120x128xf32, #tpu.memory_space<vmem>>) dst(%dma_wait3A_41 : memref<120x128xf32, #tpu.memory_space<vmem_shared>>)
      tpu.yield
    }) : () -> ()
    %barrier3A = arith.constant 0 : index
    tpu.barrier barrier_id(%barrier3A)
    %scan3A_17 = arith.constant 0 : i32
    %scan3A_18 = arith.constant 39 : i32
    %scan3A_19 = arith.addi %scan3A_17, %scan3A_18 : i32
    %scan3A_20 = arith.constant 1 : i32
    scf.for %scan3A_27 = %scan3A_17 to %scan3A_19 step %scan3A_20  : i32 {
      %mul3A_28 = arith.constant 1 : i32
      %mul3A_29 = arith.muli %scan3A_27, %mul3A_28 : i32
      %add3A_30 = arith.constant 0 : i32
      %add3A_31 = arith.addi %add3A_30, %mul3A_29 : i32
      %mul3A_32 = arith.constant 2 : i32
      %mul3A_33 = arith.muli %mul3A_32, %add3A_31 : i32
      %mul3A_34 = arith.constant 32 : i32
      %mul3A_35 = arith.muli %mul3A_33, %mul3A_34 : i32
      %add3A_36 = arith.addi %mul3A_35, %add3A : i32
      %add3A_37 = arith.constant 32 : i32
      %add3A_38 = arith.addi %add3A_36, %add3A_37 : i32
      %mul3A_39 = arith.constant 128 : i32
      %mul3A_40 = arith.muli %add3A_36, %mul3A_39 : i32
      %multiple_of3A = tpu.assume_multiple %mul3A_40, 128 : i32
      %mul3A_41 = arith.constant 128 : i32
      %mul3A_42 = arith.muli %add3A_38, %mul3A_41 : i32
      %multiple_of3A_43 = tpu.assume_multiple %mul3A_42, 128 : i32
      %dma_start3A = arith.constant 0 : i32
      %dma_start3A_44 = tpu.memref_slice %arg3[%dma_start3A, %multiple_of3A] : memref<2x320000xi32, #tpu.memory_space<hbm>> -> memref<2x128xi32, #tpu.memory_space<hbm>>
      %dma_start3A_45 = arith.constant 0 : i32
      %dma_start3A_46 = tpu.memref_slice %arg3[%dma_start3A_45, %multiple_of3A] : memref<2x320000xi32, #tpu.memory_space<hbm>> -> memref<2x128xi32, #tpu.memory_space<hbm>>
      tpu.enqueue_dma source(%dma_start3A_46 : memref<2x128xi32, #tpu.memory_space<hbm>>) target(%arg5 : memref<2x128xi32, #tpu.memory_space<vmem>>) target_semaphore(%arg10 : memref<!tpu.dma_semaphore, #tpu.memory_space<semaphore_mem>>)
      %dma_start3A_47 = arith.constant 0 : i32
      %dma_start3A_48 = tpu.memref_slice %arg3[%dma_start3A_47, %multiple_of3A_43] : memref<2x320000xi32, #tpu.memory_space<hbm>> -> memref<2x128xi32, #tpu.memory_space<hbm>>
      %dma_start3A_49 = arith.constant 0 : i32
      %dma_start3A_50 = tpu.memref_slice %arg3[%dma_start3A_49, %multiple_of3A_43] : memref<2x320000xi32, #tpu.memory_space<hbm>> -> memref<2x128xi32, #tpu.memory_space<hbm>>
      tpu.enqueue_dma source(%dma_start3A_50 : memref<2x128xi32, #tpu.memory_space<hbm>>) target(%arg6 : memref<2x128xi32, #tpu.memory_space<vmem>>) target_semaphore(%arg11 : memref<!tpu.dma_semaphore, #tpu.memory_space<semaphore_mem>>)
      %dma_wait3A = arith.constant 0 : i32
      %dma_wait3A_51 = tpu.memref_slice %arg3[%dma_wait3A, %multiple_of3A] : memref<2x320000xi32, #tpu.memory_space<hbm>> -> memref<2x128xi32, #tpu.memory_space<hbm>>
      %dma_wait3A_52 = arith.constant 0 : i32
      %dma_wait3A_53 = tpu.memref_slice %arg3[%dma_wait3A_52, %multiple_of3A] : memref<2x320000xi32, #tpu.memory_space<hbm>> -> memref<2x128xi32, #tpu.memory_space<hbm>>
      tpu.wait_dma2 semaphore(%arg10 : memref<!tpu.dma_semaphore, #tpu.memory_space<semaphore_mem>>) src(%dma_wait3A_53 : memref<2x128xi32, #tpu.memory_space<hbm>>) dst(%arg5 : memref<2x128xi32, #tpu.memory_space<vmem>>)
      %dma_start3A_54 = arith.constant 0 : i32
      %dma_start3A_55 = arith.constant 0 : i32
      %dma_start3A_56 = tpu.memref_slice %arg5[%dma_start3A_54, %dma_start3A_55] : memref<2x128xi32, #tpu.memory_space<vmem>> -> memref<1x128xi32, #tpu.memory_space<vmem>>
      %dma_start3A_57 = tpu.memref_squeeze %dma_start3A_56 : memref<1x128xi32, #tpu.memory_space<vmem>> -> memref<128xi32, #tpu.memory_space<vmem>>
      %dma_start3A_58 = arith.constant 0 : i32
      %dma_start3A_59 = arith.constant 0 : i32
      %dma_start3A_60 = tpu.memref_slice %arg2[%dma_start3A_58, %dma_start3A_59] : memref<10000x128xf32, #tpu.memory_space<hbm>> -> memref<10000x128xf32, #tpu.memory_space<hbm>>
      tpu.enqueue_indirect_dma source(%dma_start3A_60 : memref<10000x128xf32, #tpu.memory_space<hbm>>) target(%arg7 : memref<128x128xf32, #tpu.memory_space<vmem>>) offsets(%dma_start3A_57 : memref<128xi32, #tpu.memory_space<vmem>>) semaphore(%arg12 : memref<!tpu.dma_semaphore, #tpu.memory_space<semaphore_mem>>)
      %dma_wait3A_61 = arith.constant 0 : i32
      %dma_wait3A_62 = tpu.memref_slice %arg3[%dma_wait3A_61, %multiple_of3A_43] : memref<2x320000xi32, #tpu.memory_space<hbm>> -> memref<2x128xi32, #tpu.memory_space<hbm>>
      %dma_wait3A_63 = arith.constant 0 : i32
      %dma_wait3A_64 = tpu.memref_slice %arg3[%dma_wait3A_63, %multiple_of3A_43] : memref<2x320000xi32, #tpu.memory_space<hbm>> -> memref<2x128xi32, #tpu.memory_space<hbm>>
      tpu.wait_dma2 semaphore(%arg11 : memref<!tpu.dma_semaphore, #tpu.memory_space<semaphore_mem>>) src(%dma_wait3A_64 : memref<2x128xi32, #tpu.memory_space<hbm>>) dst(%arg6 : memref<2x128xi32, #tpu.memory_space<vmem>>)
      %dma_start3A_65 = arith.constant 0 : i32
      %dma_start3A_66 = arith.constant 0 : i32
      %dma_start3A_67 = tpu.memref_slice %arg6[%dma_start3A_65, %dma_start3A_66] : memref<2x128xi32, #tpu.memory_space<vmem>> -> memref<1x128xi32, #tpu.memory_space<vmem>>
      %dma_start3A_68 = tpu.memref_squeeze %dma_start3A_67 : memref<1x128xi32, #tpu.memory_space<vmem>> -> memref<128xi32, #tpu.memory_space<vmem>>
      %dma_start3A_69 = arith.constant 0 : i32
      %dma_start3A_70 = arith.constant 0 : i32
      %dma_start3A_71 = tpu.memref_slice %arg2[%dma_start3A_69, %dma_start3A_70] : memref<10000x128xf32, #tpu.memory_space<hbm>> -> memref<10000x128xf32, #tpu.memory_space<hbm>>
      tpu.enqueue_indirect_dma source(%dma_start3A_71 : memref<10000x128xf32, #tpu.memory_space<hbm>>) target(%arg8 : memref<128x128xf32, #tpu.memory_space<vmem>>) offsets(%dma_start3A_68 : memref<128xi32, #tpu.memory_space<vmem>>) semaphore(%arg13 : memref<!tpu.dma_semaphore, #tpu.memory_space<semaphore_mem>>)
      %dma_wait3A_72 = arith.constant 0 : i32
      %dma_wait3A_73 = arith.constant 0 : i32
      %dma_wait3A_74 = tpu.memref_slice %arg5[%dma_wait3A_72, %dma_wait3A_73] : memref<2x128xi32, #tpu.memory_space<vmem>> -> memref<1x128xi32, #tpu.memory_space<vmem>>
      %dma_wait3A_75 = tpu.memref_squeeze %dma_wait3A_74 : memref<1x128xi32, #tpu.memory_space<vmem>> -> memref<128xi32, #tpu.memory_space<vmem>>
      %dma_wait3A_76 = arith.constant 0 : i32
      %dma_wait3A_77 = arith.constant 0 : i32
      %dma_wait3A_78 = tpu.memref_slice %arg2[%dma_wait3A_76, %dma_wait3A_77] : memref<10000x128xf32, #tpu.memory_space<hbm>> -> memref<10000x128xf32, #tpu.memory_space<hbm>>
      tpu.wait_indirect_dma semaphore(%arg12 : memref<!tpu.dma_semaphore, #tpu.memory_space<semaphore_mem>>) src(%dma_wait3A_78 : memref<10000x128xf32, #tpu.memory_space<hbm>>) dst(%arg7 : memref<128x128xf32, #tpu.memory_space<vmem>>)
      %run_scoped3A = arith.constant 1 : i32
      "tpu.region"() ({
        %run_scoped3A_87 = tpu.sem_alloc : memref<!tpu.dma_semaphore, #tpu.memory_space<semaphore_mem>>
        %dma_start3A_88 = arith.constant 0 : i32
        %dma_start3A_89 = tpu.memref_slice %arg5[%run_scoped3A, %dma_start3A_88] : memref<2x128xi32, #tpu.memory_space<vmem>> -> memref<1x128xi32, #tpu.memory_space<vmem>>
        %dma_start3A_90 = tpu.memref_squeeze %dma_start3A_89 : memref<1x128xi32, #tpu.memory_space<vmem>> -> memref<128xi32, #tpu.memory_space<vmem>>
        %dma_start3A_91 = arith.constant 0 : i32
        %dma_start3A_92 = arith.constant 0 : i32
        %dma_start3A_93 = tpu.memref_slice %arg9[%dma_start3A_91, %dma_start3A_92] : memref<10112x128xf32, #tpu.memory_space<vmem_shared>> -> memref<10112x128xf32, #tpu.memory_space<vmem_shared>>
        tpu.enqueue_indirect_dma source(%arg7 : memref<128x128xf32, #tpu.memory_space<vmem>>) target(%dma_start3A_93 : memref<10112x128xf32, #tpu.memory_space<vmem_shared>>) offsets(%dma_start3A_90 : memref<128xi32, #tpu.memory_space<vmem>>) semaphore(%run_scoped3A_87 : memref<!tpu.dma_semaphore, #tpu.memory_space<semaphore_mem>>) {add = true}
        %dma_wait3A_94 = arith.constant 0 : i32
        %dma_wait3A_95 = tpu.memref_slice %arg5[%run_scoped3A, %dma_wait3A_94] : memref<2x128xi32, #tpu.memory_space<vmem>> -> memref<1x128xi32, #tpu.memory_space<vmem>>
        %dma_wait3A_96 = tpu.memref_squeeze %dma_wait3A_95 : memref<1x128xi32, #tpu.memory_space<vmem>> -> memref<128xi32, #tpu.memory_space<vmem>>
        %dma_wait3A_97 = arith.constant 0 : i32
        %dma_wait3A_98 = arith.constant 0 : i32
        %dma_wait3A_99 = tpu.memref_slice %arg9[%dma_wait3A_97, %dma_wait3A_98] : memref<10112x128xf32, #tpu.memory_space<vmem_shared>> -> memref<10112x128xf32, #tpu.memory_space<vmem_shared>>
        tpu.wait_indirect_dma semaphore(%run_scoped3A_87 : memref<!tpu.dma_semaphore, #tpu.memory_space<semaphore_mem>>) src(%arg7 : memref<128x128xf32, #tpu.memory_space<vmem>>) dst(%dma_wait3A_99 : memref<10112x128xf32, #tpu.memory_space<vmem_shared>>)
        tpu.yield
      }) : () -> ()
      %dma_wait3A_79 = arith.constant 0 : i32
      %dma_wait3A_80 = arith.constant 0 : i32
      %dma_wait3A_81 = tpu.memref_slice %arg6[%dma_wait3A_79, %dma_wait3A_80] : memref<2x128xi32, #tpu.memory_space<vmem>> -> memref<1x128xi32, #tpu.memory_space<vmem>>
      %dma_wait3A_82 = tpu.memref_squeeze %dma_wait3A_81 : memref<1x128xi32, #tpu.memory_space<vmem>> -> memref<128xi32, #tpu.memory_space<vmem>>
      %dma_wait3A_83 = arith.constant 0 : i32
      %dma_wait3A_84 = arith.constant 0 : i32
      %dma_wait3A_85 = tpu.memref_slice %arg2[%dma_wait3A_83, %dma_wait3A_84] : memref<10000x128xf32, #tpu.memory_space<hbm>> -> memref<10000x128xf32, #tpu.memory_space<hbm>>
      tpu.wait_indirect_dma semaphore(%arg13 : memref<!tpu.dma_semaphore, #tpu.memory_space<semaphore_mem>>) src(%dma_wait3A_85 : memref<10000x128xf32, #tpu.memory_space<hbm>>) dst(%arg8 : memref<128x128xf32, #tpu.memory_space<vmem>>)
      %run_scoped3A_86 = arith.constant 1 : i32
      "tpu.region"() ({
        %run_scoped3A_87 = tpu.sem_alloc : memref<!tpu.dma_semaphore, #tpu.memory_space<semaphore_mem>>
        %dma_start3A_88 = arith.constant 0 : i32
        %dma_start3A_89 = tpu.memref_slice %arg6[%run_scoped3A_86, %dma_start3A_88] : memref<2x128xi32, #tpu.memory_space<vmem>> -> memref<1x128xi32, #tpu.memory_space<vmem>>
        %dma_start3A_90 = tpu.memref_squeeze %dma_start3A_89 : memref<1x128xi32, #tpu.memory_space<vmem>> -> memref<128xi32, #tpu.memory_space<vmem>>
        %dma_start3A_91 = arith.constant 0 : i32
        %dma_start3A_92 = arith.constant 0 : i32
        %dma_start3A_93 = tpu.memref_slice %arg9[%dma_start3A_91, %dma_start3A_92] : memref<10112x128xf32, #tpu.memory_space<vmem_shared>> -> memref<10112x128xf32, #tpu.memory_space<vmem_shared>>
        tpu.enqueue_indirect_dma source(%arg8 : memref<128x128xf32, #tpu.memory_space<vmem>>) target(%dma_start3A_93 : memref<10112x128xf32, #tpu.memory_space<vmem_shared>>) offsets(%dma_start3A_90 : memref<128xi32, #tpu.memory_space<vmem>>) semaphore(%run_scoped3A_87 : memref<!tpu.dma_semaphore, #tpu.memory_space<semaphore_mem>>) {add = true}
        %dma_wait3A_94 = arith.constant 0 : i32
        %dma_wait3A_95 = tpu.memref_slice %arg6[%run_scoped3A_86, %dma_wait3A_94] : memref<2x128xi32, #tpu.memory_space<vmem>> -> memref<1x128xi32, #tpu.memory_space<vmem>>
        %dma_wait3A_96 = tpu.memref_squeeze %dma_wait3A_95 : memref<1x128xi32, #tpu.memory_space<vmem>> -> memref<128xi32, #tpu.memory_space<vmem>>
        %dma_wait3A_97 = arith.constant 0 : i32
        %dma_wait3A_98 = arith.constant 0 : i32
        %dma_wait3A_99 = tpu.memref_slice %arg9[%dma_wait3A_97, %dma_wait3A_98] : memref<10112x128xf32, #tpu.memory_space<vmem_shared>> -> memref<10112x128xf32, #tpu.memory_space<vmem_shared>>
        tpu.wait_indirect_dma semaphore(%run_scoped3A_87 : memref<!tpu.dma_semaphore, #tpu.memory_space<semaphore_mem>>) src(%arg8 : memref<128x128xf32, #tpu.memory_space<vmem>>) dst(%dma_wait3A_99 : memref<10112x128xf32, #tpu.memory_space<vmem_shared>>)
        tpu.yield
      }) : () -> ()
    }
    %scan3A_21 = arith.constant 39 : i32
    %add3A_22 = arith.constant 2496 : i32
    %add3A_23 = arith.addi %add3A_22, %add3A : i32
    %lt3A = arith.constant 2500 : i32
    %lt3A_24 = arith.cmpi slt, %add3A_23, %lt3A : i32
    %convert_element_type3A = arith.extui %lt3A_24 : i1 to i32
    %cond3A = arith.constant 0 : i32
    %cond3A_25 = arith.cmpi ne, %convert_element_type3A, %cond3A : i32
    scf.if %cond3A_25 {
      %add3A_27 = arith.constant 2496 : i32
      %add3A_28 = arith.addi %add3A_27, %add3A : i32
      %mul3A_29 = arith.constant 128 : i32
      %mul3A_30 = arith.muli %add3A_28, %mul3A_29 : i32
      %multiple_of3A = tpu.assume_multiple %mul3A_30, 128 : i32
      "tpu.region"() ({
        %run_scoped3A_43 = tpu.sem_alloc : memref<!tpu.dma_semaphore, #tpu.memory_space<semaphore_mem>>
        %dma_start3A_44 = arith.constant 0 : i32
        %dma_start3A_45 = tpu.memref_slice %arg3[%dma_start3A_44, %multiple_of3A] : memref<2x320000xi32, #tpu.memory_space<hbm>> -> memref<2x128xi32, #tpu.memory_space<hbm>>
        %dma_start3A_46 = arith.constant 0 : i32
        %dma_start3A_47 = tpu.memref_slice %arg3[%dma_start3A_46, %multiple_of3A] : memref<2x320000xi32, #tpu.memory_space<hbm>> -> memref<2x128xi32, #tpu.memory_space<hbm>>
        tpu.enqueue_dma source(%dma_start3A_47 : memref<2x128xi32, #tpu.memory_space<hbm>>) target(%arg5 : memref<2x128xi32, #tpu.memory_space<vmem>>) target_semaphore(%run_scoped3A_43 : memref<!tpu.dma_semaphore, #tpu.memory_space<semaphore_mem>>)
        %dma_wait3A_48 = arith.constant 0 : i32
        %dma_wait3A_49 = tpu.memref_slice %arg3[%dma_wait3A_48, %multiple_of3A] : memref<2x320000xi32, #tpu.memory_space<hbm>> -> memref<2x128xi32, #tpu.memory_space<hbm>>
        %dma_wait3A_50 = arith.constant 0 : i32
        %dma_wait3A_51 = tpu.memref_slice %arg3[%dma_wait3A_50, %multiple_of3A] : memref<2x320000xi32, #tpu.memory_space<hbm>> -> memref<2x128xi32, #tpu.memory_space<hbm>>
        tpu.wait_dma2 semaphore(%run_scoped3A_43 : memref<!tpu.dma_semaphore, #tpu.memory_space<semaphore_mem>>) src(%dma_wait3A_51 : memref<2x128xi32, #tpu.memory_space<hbm>>) dst(%arg5 : memref<2x128xi32, #tpu.memory_space<vmem>>)
        tpu.yield
      }) : () -> ()
      %dma_start3A = arith.constant 0 : i32
      %dma_start3A_31 = arith.constant 0 : i32
      %dma_start3A_32 = tpu.memref_slice %arg5[%dma_start3A, %dma_start3A_31] : memref<2x128xi32, #tpu.memory_space<vmem>> -> memref<1x128xi32, #tpu.memory_space<vmem>>
      %dma_start3A_33 = tpu.memref_squeeze %dma_start3A_32 : memref<1x128xi32, #tpu.memory_space<vmem>> -> memref<128xi32, #tpu.memory_space<vmem>>
      %dma_start3A_34 = arith.constant 0 : i32
      %dma_start3A_35 = arith.constant 0 : i32
      %dma_start3A_36 = tpu.memref_slice %arg2[%dma_start3A_34, %dma_start3A_35] : memref<10000x128xf32, #tpu.memory_space<hbm>> -> memref<10000x128xf32, #tpu.memory_space<hbm>>
      tpu.enqueue_indirect_dma source(%dma_start3A_36 : memref<10000x128xf32, #tpu.memory_space<hbm>>) target(%arg7 : memref<128x128xf32, #tpu.memory_space<vmem>>) offsets(%dma_start3A_33 : memref<128xi32, #tpu.memory_space<vmem>>) semaphore(%arg12 : memref<!tpu.dma_semaphore, #tpu.memory_space<semaphore_mem>>)
      %dma_wait3A = arith.constant 0 : i32
      %dma_wait3A_37 = arith.constant 0 : i32
      %dma_wait3A_38 = tpu.memref_slice %arg5[%dma_wait3A, %dma_wait3A_37] : memref<2x128xi32, #tpu.memory_space<vmem>> -> memref<1x128xi32, #tpu.memory_space<vmem>>
      %dma_wait3A_39 = tpu.memref_squeeze %dma_wait3A_38 : memref<1x128xi32, #tpu.memory_space<vmem>> -> memref<128xi32, #tpu.memory_space<vmem>>
      %dma_wait3A_40 = arith.constant 0 : i32
      %dma_wait3A_41 = arith.constant 0 : i32
      %dma_wait3A_42 = tpu.memref_slice %arg2[%dma_wait3A_40, %dma_wait3A_41] : memref<10000x128xf32, #tpu.memory_space<hbm>> -> memref<10000x128xf32, #tpu.memory_space<hbm>>
      tpu.wait_indirect_dma semaphore(%arg12 : memref<!tpu.dma_semaphore, #tpu.memory_space<semaphore_mem>>) src(%dma_wait3A_42 : memref<10000x128xf32, #tpu.memory_space<hbm>>) dst(%arg7 : memref<128x128xf32, #tpu.memory_space<vmem>>)
      %run_scoped3A = arith.constant 1 : i32
      "tpu.region"() ({
        %run_scoped3A_43 = tpu.sem_alloc : memref<!tpu.dma_semaphore, #tpu.memory_space<semaphore_mem>>
        %dma_start3A_44 = arith.constant 0 : i32
        %dma_start3A_45 = tpu.memref_slice %arg5[%run_scoped3A, %dma_start3A_44] : memref<2x128xi32, #tpu.memory_space<vmem>> -> memref<1x128xi32, #tpu.memory_space<vmem>>
        %dma_start3A_46 = tpu.memref_squeeze %dma_start3A_45 : memref<1x128xi32, #tpu.memory_space<vmem>> -> memref<128xi32, #tpu.memory_space<vmem>>
        %dma_start3A_47 = arith.constant 0 : i32
        %dma_start3A_48 = arith.constant 0 : i32
        %dma_start3A_49 = tpu.memref_slice %arg9[%dma_start3A_47, %dma_start3A_48] : memref<10112x128xf32, #tpu.memory_space<vmem_shared>> -> memref<10112x128xf32, #tpu.memory_space<vmem_shared>>
        tpu.enqueue_indirect_dma source(%arg7 : memref<128x128xf32, #tpu.memory_space<vmem>>) target(%dma_start3A_49 : memref<10112x128xf32, #tpu.memory_space<vmem_shared>>) offsets(%dma_start3A_46 : memref<128xi32, #tpu.memory_space<vmem>>) semaphore(%run_scoped3A_43 : memref<!tpu.dma_semaphore, #tpu.memory_space<semaphore_mem>>) {add = true}
        %dma_wait3A_50 = arith.constant 0 : i32
        %dma_wait3A_51 = tpu.memref_slice %arg5[%run_scoped3A, %dma_wait3A_50] : memref<2x128xi32, #tpu.memory_space<vmem>> -> memref<1x128xi32, #tpu.memory_space<vmem>>
        %dma_wait3A_52 = tpu.memref_squeeze %dma_wait3A_51 : memref<1x128xi32, #tpu.memory_space<vmem>> -> memref<128xi32, #tpu.memory_space<vmem>>
        %dma_wait3A_53 = arith.constant 0 : i32
        %dma_wait3A_54 = arith.constant 0 : i32
        %dma_wait3A_55 = tpu.memref_slice %arg9[%dma_wait3A_53, %dma_wait3A_54] : memref<10112x128xf32, #tpu.memory_space<vmem_shared>> -> memref<10112x128xf32, #tpu.memory_space<vmem_shared>>
        tpu.wait_indirect_dma semaphore(%run_scoped3A_43 : memref<!tpu.dma_semaphore, #tpu.memory_space<semaphore_mem>>) src(%arg7 : memref<128x128xf32, #tpu.memory_space<vmem>>) dst(%dma_wait3A_55 : memref<10112x128xf32, #tpu.memory_space<vmem_shared>>)
        tpu.yield
      }) : () -> ()
    } else {
    }
    %barrier3A_26 = arith.constant 0 : index
    tpu.barrier barrier_id(%barrier3A_26)
    "tpu.region"() ({
      %run_scoped3A = tpu.sem_alloc : memref<!tpu.dma_semaphore, #tpu.memory_space<semaphore_mem>>
      %dma_start3A = arith.constant 0 : i32
      %dma_start3A_27 = tpu.memref_slice %arg4[%arg0, %mul3A_2, %dma_start3A] : memref<2x10112x128xf32, #tpu.memory_space<hbm>> -> memref<1x632x128xf32, #tpu.memory_space<hbm>>
      %dma_start3A_28 = tpu.memref_squeeze %dma_start3A_27 : memref<1x632x128xf32, #tpu.memory_space<hbm>> -> memref<632x128xf32, #tpu.memory_space<hbm>>
      %dma_start3A_29 = arith.constant 0 : i32
      %dma_start3A_30 = tpu.memref_slice %arg9[%mul3A_2, %dma_start3A_29] : memref<10112x128xf32, #tpu.memory_space<vmem_shared>> -> memref<632x128xf32, #tpu.memory_space<vmem_shared>>
      tpu.enqueue_dma source(%dma_start3A_30 : memref<632x128xf32, #tpu.memory_space<vmem_shared>>) target(%dma_start3A_28 : memref<632x128xf32, #tpu.memory_space<hbm>>) target_semaphore(%run_scoped3A : memref<!tpu.dma_semaphore, #tpu.memory_space<semaphore_mem>>)
      %dma_wait3A = arith.constant 0 : i32
      %dma_wait3A_31 = tpu.memref_slice %arg4[%arg0, %mul3A_2, %dma_wait3A] : memref<2x10112x128xf32, #tpu.memory_space<hbm>> -> memref<1x632x128xf32, #tpu.memory_space<hbm>>
      %dma_wait3A_32 = tpu.memref_squeeze %dma_wait3A_31 : memref<1x632x128xf32, #tpu.memory_space<hbm>> -> memref<632x128xf32, #tpu.memory_space<hbm>>
      %dma_wait3A_33 = arith.constant 0 : i32
      %dma_wait3A_34 = tpu.memref_slice %arg9[%mul3A_2, %dma_wait3A_33] : memref<10112x128xf32, #tpu.memory_space<vmem_shared>> -> memref<632x128xf32, #tpu.memory_space<vmem_shared>>
      tpu.wait_dma2 semaphore(%run_scoped3A : memref<!tpu.dma_semaphore, #tpu.memory_space<semaphore_mem>>) src(%dma_wait3A_34 : memref<632x128xf32, #tpu.memory_space<vmem_shared>>) dst(%dma_wait3A_32 : memref<632x128xf32, #tpu.memory_space<hbm>>)
      tpu.yield
    }) : () -> ()
    return
  }
}

#map = affine_map<(d0, d1) -> (0, 0)>
#map1 = affine_map<(d0, d1) -> (0, 0, 0)>
module attributes {stable_mosaic.version = 14 : i64} {
  func.func @_gine_pass(%arg0: i32, %arg1: i32, %arg2: memref<10000x128xf32, #tpu.memory_space<hbm>>, %arg3: memref<2500x128x128xf32, #tpu.memory_space<hbm>>, %arg4: memref<2x320000xi32, #tpu.memory_space<hbm>>, %arg5: memref<2x10112x128xf32, #tpu.memory_space<hbm>>, %arg6: memref<2x128xi32, #tpu.memory_space<vmem>>, %arg7: memref<2x128xi32, #tpu.memory_space<vmem>>, %arg8: memref<128x128xf32, #tpu.memory_space<vmem>>, %arg9: memref<128x128xf32, #tpu.memory_space<vmem>>, %arg10: memref<128x128xf32, #tpu.memory_space<vmem>>, %arg11: memref<10112x128xf32, #tpu.memory_space<vmem_shared>>, %arg12: memref<!tpu.dma_semaphore, #tpu.memory_space<semaphore_mem>>, %arg13: memref<!tpu.dma_semaphore, #tpu.memory_space<semaphore_mem>>, %arg14: memref<!tpu.dma_semaphore, #tpu.memory_space<semaphore_mem>>, %arg15: memref<!tpu.dma_semaphore, #tpu.memory_space<semaphore_mem>>, %arg16: memref<!tpu.dma_semaphore, #tpu.memory_space<semaphore_mem>>) attributes {dimension_semantics = [#tpu.dimension_semantics<core_parallel>, #tpu.dimension_semantics<subcore_parallel>], iteration_bounds = array<i64: 2, 16>, scalar_prefetch = 0 : i64, scratch_operands = 11 : i64, tpu.core_type = #tpu.core_type<sc_vector_subcore>, window_params = [{transform_indices = #map}, {transform_indices = #map1}, {transform_indices = #map}, {transform_indices = #map1}]} {
    %mul3A = arith.constant 16 : i32
    %mul3A_0 = arith.muli %arg0, %mul3A : i32
    %add3A = arith.addi %mul3A_0, %arg1 : i32
    %mul3A_1 = arith.constant 632 : i32
    %mul3A_2 = arith.muli %arg1, %mul3A_1 : i32
    %scan3A = arith.constant 0 : i32
    %scan3A_3 = arith.constant 128 : i32
    %scan3A_4 = arith.addi %scan3A, %scan3A_3 : i32
    %scan3A_5 = arith.constant 1 : i32
    scf.for %scan3A_27 = %scan3A to %scan3A_4 step %scan3A_5  : i32 {
      %mul3A_28 = arith.constant 1 : i32
      %mul3A_29 = arith.muli %scan3A_27, %mul3A_28 : i32
      %add3A_30 = arith.constant 0 : i32
      %add3A_31 = arith.addi %add3A_30, %mul3A_29 : i32
      %broadcast_in_dim3A = arith.constant 0.000000e+00 : f32
      %broadcast_in_dim3A_32 = vector.broadcast %broadcast_in_dim3A : f32 to vector<16xf32>
      %swap3A = arith.index_cast %add3A_31 : i32 to index
      %swap3A_33 = arith.constant 0 : index
      %swap3A_34 = tpu.vector_load %arg8[%swap3A, %swap3A_33] {strides = array<i32>} : memref<128x128xf32, #tpu.memory_space<vmem>>, vector<16xf32>,
      tpu.vector_store %arg8[%swap3A, %swap3A_33], %broadcast_in_dim3A_32 {strides = array<i32>} : memref<128x128xf32, #tpu.memory_space<vmem>>, vector<16xf32>,
      %broadcast_in_dim3A_35 = arith.constant 0.000000e+00 : f32
      %broadcast_in_dim3A_36 = vector.broadcast %broadcast_in_dim3A_35 : f32 to vector<16xf32>
      %swap3A_37 = arith.index_cast %add3A_31 : i32 to index
      %swap3A_38 = arith.constant 16 : index
      %swap3A_39 = tpu.vector_load %arg8[%swap3A_37, %swap3A_38] {strides = array<i32>} : memref<128x128xf32, #tpu.memory_space<vmem>>, vector<16xf32>,
      tpu.vector_store %arg8[%swap3A_37, %swap3A_38], %broadcast_in_dim3A_36 {strides = array<i32>} : memref<128x128xf32, #tpu.memory_space<vmem>>, vector<16xf32>,
      %broadcast_in_dim3A_40 = arith.constant 0.000000e+00 : f32
      %broadcast_in_dim3A_41 = vector.broadcast %broadcast_in_dim3A_40 : f32 to vector<16xf32>
      %swap3A_42 = arith.index_cast %add3A_31 : i32 to index
      %swap3A_43 = arith.constant 32 : index
      %swap3A_44 = tpu.vector_load %arg8[%swap3A_42, %swap3A_43] {strides = array<i32>} : memref<128x128xf32, #tpu.memory_space<vmem>>, vector<16xf32>,
      tpu.vector_store %arg8[%swap3A_42, %swap3A_43], %broadcast_in_dim3A_41 {strides = array<i32>} : memref<128x128xf32, #tpu.memory_space<vmem>>, vector<16xf32>,
      %broadcast_in_dim3A_45 = arith.constant 0.000000e+00 : f32
      %broadcast_in_dim3A_46 = vector.broadcast %broadcast_in_dim3A_45 : f32 to vector<16xf32>
      %swap3A_47 = arith.index_cast %add3A_31 : i32 to index
      %swap3A_48 = arith.constant 48 : index
      %swap3A_49 = tpu.vector_load %arg8[%swap3A_47, %swap3A_48] {strides = array<i32>} : memref<128x128xf32, #tpu.memory_space<vmem>>, vector<16xf32>,
      tpu.vector_store %arg8[%swap3A_47, %swap3A_48], %broadcast_in_dim3A_46 {strides = array<i32>} : memref<128x128xf32, #tpu.memory_space<vmem>>, vector<16xf32>,
      %broadcast_in_dim3A_50 = arith.constant 0.000000e+00 : f32
      %broadcast_in_dim3A_51 = vector.broadcast %broadcast_in_dim3A_50 : f32 to vector<16xf32>
      %swap3A_52 = arith.index_cast %add3A_31 : i32 to index
      %swap3A_53 = arith.constant 64 : index
      %swap3A_54 = tpu.vector_load %arg8[%swap3A_52, %swap3A_53] {strides = array<i32>} : memref<128x128xf32, #tpu.memory_space<vmem>>, vector<16xf32>,
      tpu.vector_store %arg8[%swap3A_52, %swap3A_53], %broadcast_in_dim3A_51 {strides = array<i32>} : memref<128x128xf32, #tpu.memory_space<vmem>>, vector<16xf32>,
      %broadcast_in_dim3A_55 = arith.constant 0.000000e+00 : f32
      %broadcast_in_dim3A_56 = vector.broadcast %broadcast_in_dim3A_55 : f32 to vector<16xf32>
      %swap3A_57 = arith.index_cast %add3A_31 : i32 to index
      %swap3A_58 = arith.constant 80 : index
      %swap3A_59 = tpu.vector_load %arg8[%swap3A_57, %swap3A_58] {strides = array<i32>} : memref<128x128xf32, #tpu.memory_space<vmem>>, vector<16xf32>,
      tpu.vector_store %arg8[%swap3A_57, %swap3A_58], %broadcast_in_dim3A_56 {strides = array<i32>} : memref<128x128xf32, #tpu.memory_space<vmem>>, vector<16xf32>,
      %broadcast_in_dim3A_60 = arith.constant 0.000000e+00 : f32
      %broadcast_in_dim3A_61 = vector.broadcast %broadcast_in_dim3A_60 : f32 to vector<16xf32>
      %swap3A_62 = arith.index_cast %add3A_31 : i32 to index
      %swap3A_63 = arith.constant 96 : index
      %swap3A_64 = tpu.vector_load %arg8[%swap3A_62, %swap3A_63] {strides = array<i32>} : memref<128x128xf32, #tpu.memory_space<vmem>>, vector<16xf32>,
      tpu.vector_store %arg8[%swap3A_62, %swap3A_63], %broadcast_in_dim3A_61 {strides = array<i32>} : memref<128x128xf32, #tpu.memory_space<vmem>>, vector<16xf32>,
      %broadcast_in_dim3A_65 = arith.constant 0.000000e+00 : f32
      %broadcast_in_dim3A_66 = vector.broadcast %broadcast_in_dim3A_65 : f32 to vector<16xf32>
      %swap3A_67 = arith.index_cast %add3A_31 : i32 to index
      %swap3A_68 = arith.constant 112 : index
      %swap3A_69 = tpu.vector_load %arg8[%swap3A_67, %swap3A_68] {strides = array<i32>} : memref<128x128xf32, #tpu.memory_space<vmem>>, vector<16xf32>,
      tpu.vector_store %arg8[%swap3A_67, %swap3A_68], %broadcast_in_dim3A_66 {strides = array<i32>} : memref<128x128xf32, #tpu.memory_space<vmem>>, vector<16xf32>,
    }
    %scan3A_6 = arith.constant 128 : i32
    %add3A_7 = arith.constant 0 : i32
    %add3A_8 = arith.addi %mul3A_2, %add3A_7 : i32
    "tpu.region"() ({
      %run_scoped3A = tpu.sem_alloc : memref<!tpu.dma_semaphore, #tpu.memory_space<semaphore_mem>>
      %dma_start3A = arith.constant 0 : i32
      %dma_start3A_27 = tpu.memref_slice %arg11[%add3A_8, %dma_start3A] : memref<10112x128xf32, #tpu.memory_space<vmem_shared>> -> memref<128x128xf32, #tpu.memory_space<vmem_shared>>
      %dma_start3A_28 = arith.constant 0 : i32
      %dma_start3A_29 = tpu.memref_slice %arg11[%add3A_8, %dma_start3A_28] : memref<10112x128xf32, #tpu.memory_space<vmem_shared>> -> memref<128x128xf32, #tpu.memory_space<vmem_shared>>
      tpu.enqueue_dma source(%arg8 : memref<128x128xf32, #tpu.memory_space<vmem>>) target(%dma_start3A_29 : memref<128x128xf32, #tpu.memory_space<vmem_shared>>) target_semaphore(%run_scoped3A : memref<!tpu.dma_semaphore, #tpu.memory_space<semaphore_mem>>)
      %dma_wait3A = arith.constant 0 : i32
      %dma_wait3A_30 = tpu.memref_slice %arg11[%add3A_8, %dma_wait3A] : memref<10112x128xf32, #tpu.memory_space<vmem_shared>> -> memref<128x128xf32, #tpu.memory_space<vmem_shared>>
      %dma_wait3A_31 = arith.constant 0 : i32
      %dma_wait3A_32 = tpu.memref_slice %arg11[%add3A_8, %dma_wait3A_31] : memref<10112x128xf32, #tpu.memory_space<vmem_shared>> -> memref<128x128xf32, #tpu.memory_space<vmem_shared>>
      tpu.wait_dma2 semaphore(%run_scoped3A : memref<!tpu.dma_semaphore, #tpu.memory_space<semaphore_mem>>) src(%arg8 : memref<128x128xf32, #tpu.memory_space<vmem>>) dst(%dma_wait3A_32 : memref<128x128xf32, #tpu.memory_space<vmem_shared>>)
      tpu.yield
    }) : () -> ()
    %add3A_9 = arith.constant 128 : i32
    %add3A_10 = arith.addi %mul3A_2, %add3A_9 : i32
    "tpu.region"() ({
      %run_scoped3A = tpu.sem_alloc : memref<!tpu.dma_semaphore, #tpu.memory_space<semaphore_mem>>
      %dma_start3A = arith.constant 0 : i32
      %dma_start3A_27 = tpu.memref_slice %arg11[%add3A_10, %dma_start3A] : memref<10112x128xf32, #tpu.memory_space<vmem_shared>> -> memref<128x128xf32, #tpu.memory_space<vmem_shared>>
      %dma_start3A_28 = arith.constant 0 : i32
      %dma_start3A_29 = tpu.memref_slice %arg11[%add3A_10, %dma_start3A_28] : memref<10112x128xf32, #tpu.memory_space<vmem_shared>> -> memref<128x128xf32, #tpu.memory_space<vmem_shared>>
      tpu.enqueue_dma source(%arg8 : memref<128x128xf32, #tpu.memory_space<vmem>>) target(%dma_start3A_29 : memref<128x128xf32, #tpu.memory_space<vmem_shared>>) target_semaphore(%run_scoped3A : memref<!tpu.dma_semaphore, #tpu.memory_space<semaphore_mem>>)
      %dma_wait3A = arith.constant 0 : i32
      %dma_wait3A_30 = tpu.memref_slice %arg11[%add3A_10, %dma_wait3A] : memref<10112x128xf32, #tpu.memory_space<vmem_shared>> -> memref<128x128xf32, #tpu.memory_space<vmem_shared>>
      %dma_wait3A_31 = arith.constant 0 : i32
      %dma_wait3A_32 = tpu.memref_slice %arg11[%add3A_10, %dma_wait3A_31] : memref<10112x128xf32, #tpu.memory_space<vmem_shared>> -> memref<128x128xf32, #tpu.memory_space<vmem_shared>>
      tpu.wait_dma2 semaphore(%run_scoped3A : memref<!tpu.dma_semaphore, #tpu.memory_space<semaphore_mem>>) src(%arg8 : memref<128x128xf32, #tpu.memory_space<vmem>>) dst(%dma_wait3A_32 : memref<128x128xf32, #tpu.memory_space<vmem_shared>>)
      tpu.yield
    }) : () -> ()
    %add3A_11 = arith.constant 256 : i32
    %add3A_12 = arith.addi %mul3A_2, %add3A_11 : i32
    "tpu.region"() ({
      %run_scoped3A = tpu.sem_alloc : memref<!tpu.dma_semaphore, #tpu.memory_space<semaphore_mem>>
      %dma_start3A = arith.constant 0 : i32
      %dma_start3A_27 = tpu.memref_slice %arg11[%add3A_12, %dma_start3A] : memref<10112x128xf32, #tpu.memory_space<vmem_shared>> -> memref<128x128xf32, #tpu.memory_space<vmem_shared>>
      %dma_start3A_28 = arith.constant 0 : i32
      %dma_start3A_29 = tpu.memref_slice %arg11[%add3A_12, %dma_start3A_28] : memref<10112x128xf32, #tpu.memory_space<vmem_shared>> -> memref<128x128xf32, #tpu.memory_space<vmem_shared>>
      tpu.enqueue_dma source(%arg8 : memref<128x128xf32, #tpu.memory_space<vmem>>) target(%dma_start3A_29 : memref<128x128xf32, #tpu.memory_space<vmem_shared>>) target_semaphore(%run_scoped3A : memref<!tpu.dma_semaphore, #tpu.memory_space<semaphore_mem>>)
      %dma_wait3A = arith.constant 0 : i32
      %dma_wait3A_30 = tpu.memref_slice %arg11[%add3A_12, %dma_wait3A] : memref<10112x128xf32, #tpu.memory_space<vmem_shared>> -> memref<128x128xf32, #tpu.memory_space<vmem_shared>>
      %dma_wait3A_31 = arith.constant 0 : i32
      %dma_wait3A_32 = tpu.memref_slice %arg11[%add3A_12, %dma_wait3A_31] : memref<10112x128xf32, #tpu.memory_space<vmem_shared>> -> memref<128x128xf32, #tpu.memory_space<vmem_shared>>
      tpu.wait_dma2 semaphore(%run_scoped3A : memref<!tpu.dma_semaphore, #tpu.memory_space<semaphore_mem>>) src(%arg8 : memref<128x128xf32, #tpu.memory_space<vmem>>) dst(%dma_wait3A_32 : memref<128x128xf32, #tpu.memory_space<vmem_shared>>)
      tpu.yield
    }) : () -> ()
    %add3A_13 = arith.constant 384 : i32
    %add3A_14 = arith.addi %mul3A_2, %add3A_13 : i32
    "tpu.region"() ({
      %run_scoped3A = tpu.sem_alloc : memref<!tpu.dma_semaphore, #tpu.memory_space<semaphore_mem>>
      %dma_start3A = arith.constant 0 : i32
      %dma_start3A_27 = tpu.memref_slice %arg11[%add3A_14, %dma_start3A] : memref<10112x128xf32, #tpu.memory_space<vmem_shared>> -> memref<128x128xf32, #tpu.memory_space<vmem_shared>>
      %dma_start3A_28 = arith.constant 0 : i32
      %dma_start3A_29 = tpu.memref_slice %arg11[%add3A_14, %dma_start3A_28] : memref<10112x128xf32, #tpu.memory_space<vmem_shared>> -> memref<128x128xf32, #tpu.memory_space<vmem_shared>>
      tpu.enqueue_dma source(%arg8 : memref<128x128xf32, #tpu.memory_space<vmem>>) target(%dma_start3A_29 : memref<128x128xf32, #tpu.memory_space<vmem_shared>>) target_semaphore(%run_scoped3A : memref<!tpu.dma_semaphore, #tpu.memory_space<semaphore_mem>>)
      %dma_wait3A = arith.constant 0 : i32
      %dma_wait3A_30 = tpu.memref_slice %arg11[%add3A_14, %dma_wait3A] : memref<10112x128xf32, #tpu.memory_space<vmem_shared>> -> memref<128x128xf32, #tpu.memory_space<vmem_shared>>
      %dma_wait3A_31 = arith.constant 0 : i32
      %dma_wait3A_32 = tpu.memref_slice %arg11[%add3A_14, %dma_wait3A_31] : memref<10112x128xf32, #tpu.memory_space<vmem_shared>> -> memref<128x128xf32, #tpu.memory_space<vmem_shared>>
      tpu.wait_dma2 semaphore(%run_scoped3A : memref<!tpu.dma_semaphore, #tpu.memory_space<semaphore_mem>>) src(%arg8 : memref<128x128xf32, #tpu.memory_space<vmem>>) dst(%dma_wait3A_32 : memref<128x128xf32, #tpu.memory_space<vmem_shared>>)
      tpu.yield
    }) : () -> ()
    %add3A_15 = arith.constant 512 : i32
    %add3A_16 = arith.addi %mul3A_2, %add3A_15 : i32
    "tpu.region"() ({
      %run_scoped3A = tpu.sem_alloc : memref<!tpu.dma_semaphore, #tpu.memory_space<semaphore_mem>>
      %dma_start3A = arith.constant 0 : i32
      %dma_start3A_27 = arith.constant 0 : i32
      %dma_start3A_28 = tpu.memref_slice %arg8[%dma_start3A, %dma_start3A_27] : memref<128x128xf32, #tpu.memory_space<vmem>> -> memref<120x128xf32, #tpu.memory_space<vmem>>
      %dma_start3A_29 = arith.constant 0 : i32
      %dma_start3A_30 = tpu.memref_slice %arg11[%add3A_16, %dma_start3A_29] : memref<10112x128xf32, #tpu.memory_space<vmem_shared>> -> memref<120x128xf32, #tpu.memory_space<vmem_shared>>
      %dma_start3A_31 = arith.constant 0 : i32
      %dma_start3A_32 = tpu.memref_slice %arg11[%add3A_16, %dma_start3A_31] : memref<10112x128xf32, #tpu.memory_space<vmem_shared>> -> memref<120x128xf32, #tpu.memory_space<vmem_shared>>
      %dma_start3A_33 = arith.constant 0 : i32
      %dma_start3A_34 = arith.constant 0 : i32
      %dma_start3A_35 = tpu.memref_slice %arg8[%dma_start3A_33, %dma_start3A_34] : memref<128x128xf32, #tpu.memory_space<vmem>> -> memref<120x128xf32, #tpu.memory_space<vmem>>
      tpu.enqueue_dma source(%dma_start3A_35 : memref<120x128xf32, #tpu.memory_space<vmem>>) target(%dma_start3A_32 : memref<120x128xf32, #tpu.memory_space<vmem_shared>>) target_semaphore(%run_scoped3A : memref<!tpu.dma_semaphore, #tpu.memory_space<semaphore_mem>>)
      %dma_wait3A = arith.constant 0 : i32
      %dma_wait3A_36 = arith.constant 0 : i32
      %dma_wait3A_37 = tpu.memref_slice %arg8[%dma_wait3A, %dma_wait3A_36] : memref<128x128xf32, #tpu.memory_space<vmem>> -> memref<120x128xf32, #tpu.memory_space<vmem>>
      %dma_wait3A_38 = arith.constant 0 : i32
      %dma_wait3A_39 = tpu.memref_slice %arg11[%add3A_16, %dma_wait3A_38] : memref<10112x128xf32, #tpu.memory_space<vmem_shared>> -> memref<120x128xf32, #tpu.memory_space<vmem_shared>>
      %dma_wait3A_40 = arith.constant 0 : i32
      %dma_wait3A_41 = tpu.memref_slice %arg11[%add3A_16, %dma_wait3A_40] : memref<10112x128xf32, #tpu.memory_space<vmem_shared>> -> memref<120x128xf32, #tpu.memory_space<vmem_shared>>
      %dma_wait3A_42 = arith.constant 0 : i32
      %dma_wait3A_43 = arith.constant 0 : i32
      %dma_wait3A_44 = tpu.memref_slice %arg8[%dma_wait3A_42, %dma_wait3A_43] : memref<128x128xf32, #tpu.memory_space<vmem>> -> memref<120x128xf32, #tpu.memory_space<vmem>>
      tpu.wait_dma2 semaphore(%run_scoped3A : memref<!tpu.dma_semaphore, #tpu.memory_space<semaphore_mem>>) src(%dma_wait3A_44 : memref<120x128xf32, #tpu.memory_space<vmem>>) dst(%dma_wait3A_41 : memref<120x128xf32, #tpu.memory_space<vmem_shared>>)
      tpu.yield
    }) : () -> ()
    %barrier3A = arith.constant 0 : index
    tpu.barrier barrier_id(%barrier3A)
    %scan3A_17 = arith.constant 0 : i32
    %scan3A_18 = arith.constant 39 : i32
    %scan3A_19 = arith.addi %scan3A_17, %scan3A_18 : i32
    %scan3A_20 = arith.constant 1 : i32
    scf.for %scan3A_27 = %scan3A_17 to %scan3A_19 step %scan3A_20  : i32 {
      %mul3A_28 = arith.constant 1 : i32
      %mul3A_29 = arith.muli %scan3A_27, %mul3A_28 : i32
      %add3A_30 = arith.constant 0 : i32
      %add3A_31 = arith.addi %add3A_30, %mul3A_29 : i32
      %mul3A_32 = arith.constant 2 : i32
      %mul3A_33 = arith.muli %mul3A_32, %add3A_31 : i32
      %mul3A_34 = arith.constant 32 : i32
      %mul3A_35 = arith.muli %mul3A_33, %mul3A_34 : i32
      %add3A_36 = arith.addi %mul3A_35, %add3A : i32
      %add3A_37 = arith.constant 32 : i32
      %add3A_38 = arith.addi %add3A_36, %add3A_37 : i32
      %mul3A_39 = arith.constant 128 : i32
      %mul3A_40 = arith.muli %add3A_36, %mul3A_39 : i32
      %multiple_of3A = tpu.assume_multiple %mul3A_40, 128 : i32
      %mul3A_41 = arith.constant 128 : i32
      %mul3A_42 = arith.muli %add3A_38, %mul3A_41 : i32
      %multiple_of3A_43 = tpu.assume_multiple %mul3A_42, 128 : i32
      %dma_start3A = arith.constant 0 : i32
      %dma_start3A_44 = tpu.memref_slice %arg4[%dma_start3A, %multiple_of3A] : memref<2x320000xi32, #tpu.memory_space<hbm>> -> memref<2x128xi32, #tpu.memory_space<hbm>>
      %dma_start3A_45 = arith.constant 0 : i32
      %dma_start3A_46 = tpu.memref_slice %arg4[%dma_start3A_45, %multiple_of3A] : memref<2x320000xi32, #tpu.memory_space<hbm>> -> memref<2x128xi32, #tpu.memory_space<hbm>>
      tpu.enqueue_dma source(%dma_start3A_46 : memref<2x128xi32, #tpu.memory_space<hbm>>) target(%arg6 : memref<2x128xi32, #tpu.memory_space<vmem>>) target_semaphore(%arg12 : memref<!tpu.dma_semaphore, #tpu.memory_space<semaphore_mem>>)
      %dma_start3A_47 = arith.constant 0 : i32
      %dma_start3A_48 = tpu.memref_slice %arg4[%dma_start3A_47, %multiple_of3A_43] : memref<2x320000xi32, #tpu.memory_space<hbm>> -> memref<2x128xi32, #tpu.memory_space<hbm>>
      %dma_start3A_49 = arith.constant 0 : i32
      %dma_start3A_50 = tpu.memref_slice %arg4[%dma_start3A_49, %multiple_of3A_43] : memref<2x320000xi32, #tpu.memory_space<hbm>> -> memref<2x128xi32, #tpu.memory_space<hbm>>
      tpu.enqueue_dma source(%dma_start3A_50 : memref<2x128xi32, #tpu.memory_space<hbm>>) target(%arg7 : memref<2x128xi32, #tpu.memory_space<vmem>>) target_semaphore(%arg13 : memref<!tpu.dma_semaphore, #tpu.memory_space<semaphore_mem>>)
      %dma_start3A_51 = arith.constant 0 : i32
      %dma_start3A_52 = arith.constant 0 : i32
      %dma_start3A_53 = tpu.memref_slice %arg3[%add3A_36, %dma_start3A_51, %dma_start3A_52] : memref<2500x128x128xf32, #tpu.memory_space<hbm>> -> memref<1x128x128xf32, #tpu.memory_space<hbm>>
      %dma_start3A_54 = tpu.memref_squeeze %dma_start3A_53 : memref<1x128x128xf32, #tpu.memory_space<hbm>> -> memref<128x128xf32, #tpu.memory_space<hbm>>
      %dma_start3A_55 = arith.constant 0 : i32
      %dma_start3A_56 = arith.constant 0 : i32
      %dma_start3A_57 = tpu.memref_slice %arg3[%add3A_36, %dma_start3A_55, %dma_start3A_56] : memref<2500x128x128xf32, #tpu.memory_space<hbm>> -> memref<1x128x128xf32, #tpu.memory_space<hbm>>
      %dma_start3A_58 = tpu.memref_squeeze %dma_start3A_57 : memref<1x128x128xf32, #tpu.memory_space<hbm>> -> memref<128x128xf32, #tpu.memory_space<hbm>>
      tpu.enqueue_dma source(%dma_start3A_58 : memref<128x128xf32, #tpu.memory_space<hbm>>) target(%arg10 : memref<128x128xf32, #tpu.memory_space<vmem>>) target_semaphore(%arg16 : memref<!tpu.dma_semaphore, #tpu.memory_space<semaphore_mem>>)
      %dma_wait3A = arith.constant 0 : i32
      %dma_wait3A_59 = tpu.memref_slice %arg4[%dma_wait3A, %multiple_of3A] : memref<2x320000xi32, #tpu.memory_space<hbm>> -> memref<2x128xi32, #tpu.memory_space<hbm>>
      %dma_wait3A_60 = arith.constant 0 : i32
      %dma_wait3A_61 = tpu.memref_slice %arg4[%dma_wait3A_60, %multiple_of3A] : memref<2x320000xi32, #tpu.memory_space<hbm>> -> memref<2x128xi32, #tpu.memory_space<hbm>>
      tpu.wait_dma2 semaphore(%arg12 : memref<!tpu.dma_semaphore, #tpu.memory_space<semaphore_mem>>) src(%dma_wait3A_61 : memref<2x128xi32, #tpu.memory_space<hbm>>) dst(%arg6 : memref<2x128xi32, #tpu.memory_space<vmem>>)
      %dma_start3A_62 = arith.constant 0 : i32
      %dma_start3A_63 = arith.constant 0 : i32
      %dma_start3A_64 = tpu.memref_slice %arg6[%dma_start3A_62, %dma_start3A_63] : memref<2x128xi32, #tpu.memory_space<vmem>> -> memref<1x128xi32, #tpu.memory_space<vmem>>
      %dma_start3A_65 = tpu.memref_squeeze %dma_start3A_64 : memref<1x128xi32, #tpu.memory_space<vmem>> -> memref<128xi32, #tpu.memory_space<vmem>>
      %dma_start3A_66 = arith.constant 0 : i32
      %dma_start3A_67 = arith.constant 0 : i32
      %dma_start3A_68 = tpu.memref_slice %arg2[%dma_start3A_66, %dma_start3A_67] : memref<10000x128xf32, #tpu.memory_space<hbm>> -> memref<10000x128xf32, #tpu.memory_space<hbm>>
      tpu.enqueue_indirect_dma source(%dma_start3A_68 : memref<10000x128xf32, #tpu.memory_space<hbm>>) target(%arg8 : memref<128x128xf32, #tpu.memory_space<vmem>>) offsets(%dma_start3A_65 : memref<128xi32, #tpu.memory_space<vmem>>) semaphore(%arg14 : memref<!tpu.dma_semaphore, #tpu.memory_space<semaphore_mem>>)
      %dma_wait3A_69 = arith.constant 0 : i32
      %dma_wait3A_70 = tpu.memref_slice %arg4[%dma_wait3A_69, %multiple_of3A_43] : memref<2x320000xi32, #tpu.memory_space<hbm>> -> memref<2x128xi32, #tpu.memory_space<hbm>>
      %dma_wait3A_71 = arith.constant 0 : i32
      %dma_wait3A_72 = tpu.memref_slice %arg4[%dma_wait3A_71, %multiple_of3A_43] : memref<2x320000xi32, #tpu.memory_space<hbm>> -> memref<2x128xi32, #tpu.memory_space<hbm>>
      tpu.wait_dma2 semaphore(%arg13 : memref<!tpu.dma_semaphore, #tpu.memory_space<semaphore_mem>>) src(%dma_wait3A_72 : memref<2x128xi32, #tpu.memory_space<hbm>>) dst(%arg7 : memref<2x128xi32, #tpu.memory_space<vmem>>)
      %dma_start3A_73 = arith.constant 0 : i32
      %dma_start3A_74 = arith.constant 0 : i32
      %dma_start3A_75 = tpu.memref_slice %arg7[%dma_start3A_73, %dma_start3A_74] : memref<2x128xi32, #tpu.memory_space<vmem>> -> memref<1x128xi32, #tpu.memory_space<vmem>>
      %dma_start3A_76 = tpu.memref_squeeze %dma_start3A_75 : memref<1x128xi32, #tpu.memory_space<vmem>> -> memref<128xi32, #tpu.memory_space<vmem>>
      %dma_start3A_77 = arith.constant 0 : i32
      %dma_start3A_78 = arith.constant 0 : i32
      %dma_start3A_79 = tpu.memref_slice %arg2[%dma_start3A_77, %dma_start3A_78] : memref<10000x128xf32, #tpu.memory_space<hbm>> -> memref<10000x128xf32, #tpu.memory_space<hbm>>
      tpu.enqueue_indirect_dma source(%dma_start3A_79 : memref<10000x128xf32, #tpu.memory_space<hbm>>) target(%arg9 : memref<128x128xf32, #tpu.memory_space<vmem>>) offsets(%dma_start3A_76 : memref<128xi32, #tpu.memory_space<vmem>>) semaphore(%arg15 : memref<!tpu.dma_semaphore, #tpu.memory_space<semaphore_mem>>)
      %dma_wait3A_80 = arith.constant 0 : i32
      %dma_wait3A_81 = arith.constant 0 : i32
      %dma_wait3A_82 = tpu.memref_slice %arg6[%dma_wait3A_80, %dma_wait3A_81] : memref<2x128xi32, #tpu.memory_space<vmem>> -> memref<1x128xi32, #tpu.memory_space<vmem>>
      %dma_wait3A_83 = tpu.memref_squeeze %dma_wait3A_82 : memref<1x128xi32, #tpu.memory_space<vmem>> -> memref<128xi32, #tpu.memory_space<vmem>>
      %dma_wait3A_84 = arith.constant 0 : i32
      %dma_wait3A_85 = arith.constant 0 : i32
      %dma_wait3A_86 = tpu.memref_slice %arg2[%dma_wait3A_84, %dma_wait3A_85] : memref<10000x128xf32, #tpu.memory_space<hbm>> -> memref<10000x128xf32, #tpu.memory_space<hbm>>
      tpu.wait_indirect_dma semaphore(%arg14 : memref<!tpu.dma_semaphore, #tpu.memory_space<semaphore_mem>>) src(%dma_wait3A_86 : memref<10000x128xf32, #tpu.memory_space<hbm>>) dst(%arg8 : memref<128x128xf32, #tpu.memory_space<vmem>>)
      %dma_wait3A_87 = arith.constant 0 : i32
      %dma_wait3A_88 = arith.constant 0 : i32
      %dma_wait3A_89 = tpu.memref_slice %arg3[%add3A_36, %dma_wait3A_87, %dma_wait3A_88] : memref<2500x128x128xf32, #tpu.memory_space<hbm>> -> memref<1x128x128xf32, #tpu.memory_space<hbm>>
      %dma_wait3A_90 = tpu.memref_squeeze %dma_wait3A_89 : memref<1x128x128xf32, #tpu.memory_space<hbm>> -> memref<128x128xf32, #tpu.memory_space<hbm>>
      %dma_wait3A_91 = arith.constant 0 : i32
      %dma_wait3A_92 = arith.constant 0 : i32
      %dma_wait3A_93 = tpu.memref_slice %arg3[%add3A_36, %dma_wait3A_91, %dma_wait3A_92] : memref<2500x128x128xf32, #tpu.memory_space<hbm>> -> memref<1x128x128xf32, #tpu.memory_space<hbm>>
      %dma_wait3A_94 = tpu.memref_squeeze %dma_wait3A_93 : memref<1x128x128xf32, #tpu.memory_space<hbm>> -> memref<128x128xf32, #tpu.memory_space<hbm>>
      tpu.wait_dma2 semaphore(%arg16 : memref<!tpu.dma_semaphore, #tpu.memory_space<semaphore_mem>>) src(%dma_wait3A_94 : memref<128x128xf32, #tpu.memory_space<hbm>>) dst(%arg10 : memref<128x128xf32, #tpu.memory_space<vmem>>)
      %scan3A_95 = arith.constant 0 : i32
      %scan3A_96 = arith.constant 128 : i32
      %scan3A_97 = arith.addi %scan3A_95, %scan3A_96 : i32
      %scan3A_98 = arith.constant 1 : i32
      scf.for %scan3A_129 = %scan3A_95 to %scan3A_97 step %scan3A_98  : i32 {
        %mul3A_130 = arith.constant 1 : i32
        %mul3A_131 = arith.muli %scan3A_129, %mul3A_130 : i32
        %add3A_132 = arith.constant 0 : i32
        %add3A_133 = arith.addi %add3A_132, %mul3A_131 : i32
        %get3A = arith.index_cast %add3A_133 : i32 to index
        %get3A_134 = arith.constant 0 : index
        %get3A_135 = tpu.vector_load %arg8[%get3A, %get3A_134] {strides = array<i32>} : memref<128x128xf32, #tpu.memory_space<vmem>>, vector<16xf32>,
        %get3A_136 = arith.index_cast %add3A_133 : i32 to index
        %get3A_137 = arith.constant 0 : index
        %get3A_138 = tpu.vector_load %arg10[%get3A_136, %get3A_137] {strides = array<i32>} : memref<128x128xf32, #tpu.memory_space<vmem>>, vector<16xf32>,
        %add3A_139 = arith.addf %get3A_135, %get3A_138 : vector<16xf32>
        %max3A = arith.constant 0.000000e+00 : f32
        %max3A_140 = vector.broadcast %max3A : f32 to vector<16xf32>
        %max3A_141 = arith.maximumf %add3A_139, %max3A_140 : vector<16xf32>
        %swap3A = arith.index_cast %add3A_133 : i32 to index
        %swap3A_142 = arith.constant 0 : index
        %swap3A_143 = tpu.vector_load %arg8[%swap3A, %swap3A_142] {strides = array<i32>} : memref<128x128xf32, #tpu.memory_space<vmem>>, vector<16xf32>,
        tpu.vector_store %arg8[%swap3A, %swap3A_142], %max3A_141 {strides = array<i32>} : memref<128x128xf32, #tpu.memory_space<vmem>>, vector<16xf32>,
        %get3A_144 = arith.index_cast %add3A_133 : i32 to index
        %get3A_145 = arith.constant 16 : index
        %get3A_146 = tpu.vector_load %arg8[%get3A_144, %get3A_145] {strides = array<i32>} : memref<128x128xf32, #tpu.memory_space<vmem>>, vector<16xf32>,
        %get3A_147 = arith.index_cast %add3A_133 : i32 to index
        %get3A_148 = arith.constant 16 : index
        %get3A_149 = tpu.vector_load %arg10[%get3A_147, %get3A_148] {strides = array<i32>} : memref<128x128xf32, #tpu.memory_space<vmem>>, vector<16xf32>,
        %add3A_150 = arith.addf %get3A_146, %get3A_149 : vector<16xf32>
        %max3A_151 = arith.constant 0.000000e+00 : f32
        %max3A_152 = vector.broadcast %max3A_151 : f32 to vector<16xf32>
        %max3A_153 = arith.maximumf %add3A_150, %max3A_152 : vector<16xf32>
        %swap3A_154 = arith.index_cast %add3A_133 : i32 to index
        %swap3A_155 = arith.constant 16 : index
        %swap3A_156 = tpu.vector_load %arg8[%swap3A_154, %swap3A_155] {strides = array<i32>} : memref<128x128xf32, #tpu.memory_space<vmem>>, vector<16xf32>,
        tpu.vector_store %arg8[%swap3A_154, %swap3A_155], %max3A_153 {strides = array<i32>} : memref<128x128xf32, #tpu.memory_space<vmem>>, vector<16xf32>,
        %get3A_157 = arith.index_cast %add3A_133 : i32 to index
        %get3A_158 = arith.constant 32 : index
        %get3A_159 = tpu.vector_load %arg8[%get3A_157, %get3A_158] {strides = array<i32>} : memref<128x128xf32, #tpu.memory_space<vmem>>, vector<16xf32>,
        %get3A_160 = arith.index_cast %add3A_133 : i32 to index
        %get3A_161 = arith.constant 32 : index
        %get3A_162 = tpu.vector_load %arg10[%get3A_160, %get3A_161] {strides = array<i32>} : memref<128x128xf32, #tpu.memory_space<vmem>>, vector<16xf32>,
        %add3A_163 = arith.addf %get3A_159, %get3A_162 : vector<16xf32>
        %max3A_164 = arith.constant 0.000000e+00 : f32
        %max3A_165 = vector.broadcast %max3A_164 : f32 to vector<16xf32>
        %max3A_166 = arith.maximumf %add3A_163, %max3A_165 : vector<16xf32>
        %swap3A_167 = arith.index_cast %add3A_133 : i32 to index
        %swap3A_168 = arith.constant 32 : index
        %swap3A_169 = tpu.vector_load %arg8[%swap3A_167, %swap3A_168] {strides = array<i32>} : memref<128x128xf32, #tpu.memory_space<vmem>>, vector<16xf32>,
        tpu.vector_store %arg8[%swap3A_167, %swap3A_168], %max3A_166 {strides = array<i32>} : memref<128x128xf32, #tpu.memory_space<vmem>>, vector<16xf32>,
        %get3A_170 = arith.index_cast %add3A_133 : i32 to index
        %get3A_171 = arith.constant 48 : index
        %get3A_172 = tpu.vector_load %arg8[%get3A_170, %get3A_171] {strides = array<i32>} : memref<128x128xf32, #tpu.memory_space<vmem>>, vector<16xf32>,
        %get3A_173 = arith.index_cast %add3A_133 : i32 to index
        %get3A_174 = arith.constant 48 : index
        %get3A_175 = tpu.vector_load %arg10[%get3A_173, %get3A_174] {strides = array<i32>} : memref<128x128xf32, #tpu.memory_space<vmem>>, vector<16xf32>,
        %add3A_176 = arith.addf %get3A_172, %get3A_175 : vector<16xf32>
        %max3A_177 = arith.constant 0.000000e+00 : f32
        %max3A_178 = vector.broadcast %max3A_177 : f32 to vector<16xf32>
        %max3A_179 = arith.maximumf %add3A_176, %max3A_178 : vector<16xf32>
        %swap3A_180 = arith.index_cast %add3A_133 : i32 to index
        %swap3A_181 = arith.constant 48 : index
        %swap3A_182 = tpu.vector_load %arg8[%swap3A_180, %swap3A_181] {strides = array<i32>} : memref<128x128xf32, #tpu.memory_space<vmem>>, vector<16xf32>,
        tpu.vector_store %arg8[%swap3A_180, %swap3A_181], %max3A_179 {strides = array<i32>} : memref<128x128xf32, #tpu.memory_space<vmem>>, vector<16xf32>,
        %get3A_183 = arith.index_cast %add3A_133 : i32 to index
        %get3A_184 = arith.constant 64 : index
        %get3A_185 = tpu.vector_load %arg8[%get3A_183, %get3A_184] {strides = array<i32>} : memref<128x128xf32, #tpu.memory_space<vmem>>, vector<16xf32>,
        %get3A_186 = arith.index_cast %add3A_133 : i32 to index
        %get3A_187 = arith.constant 64 : index
        %get3A_188 = tpu.vector_load %arg10[%get3A_186, %get3A_187] {strides = array<i32>} : memref<128x128xf32, #tpu.memory_space<vmem>>, vector<16xf32>,
        %add3A_189 = arith.addf %get3A_185, %get3A_188 : vector<16xf32>
        %max3A_190 = arith.constant 0.000000e+00 : f32
        %max3A_191 = vector.broadcast %max3A_190 : f32 to vector<16xf32>
        %max3A_192 = arith.maximumf %add3A_189, %max3A_191 : vector<16xf32>
        %swap3A_193 = arith.index_cast %add3A_133 : i32 to index
        %swap3A_194 = arith.constant 64 : index
        %swap3A_195 = tpu.vector_load %arg8[%swap3A_193, %swap3A_194] {strides = array<i32>} : memref<128x128xf32, #tpu.memory_space<vmem>>, vector<16xf32>,
        tpu.vector_store %arg8[%swap3A_193, %swap3A_194], %max3A_192 {strides = array<i32>} : memref<128x128xf32, #tpu.memory_space<vmem>>, vector<16xf32>,
        %get3A_196 = arith.index_cast %add3A_133 : i32 to index
        %get3A_197 = arith.constant 80 : index
        %get3A_198 = tpu.vector_load %arg8[%get3A_196, %get3A_197] {strides = array<i32>} : memref<128x128xf32, #tpu.memory_space<vmem>>, vector<16xf32>,
        %get3A_199 = arith.index_cast %add3A_133 : i32 to index
        %get3A_200 = arith.constant 80 : index
        %get3A_201 = tpu.vector_load %arg10[%get3A_199, %get3A_200] {strides = array<i32>} : memref<128x128xf32, #tpu.memory_space<vmem>>, vector<16xf32>,
        %add3A_202 = arith.addf %get3A_198, %get3A_201 : vector<16xf32>
        %max3A_203 = arith.constant 0.000000e+00 : f32
        %max3A_204 = vector.broadcast %max3A_203 : f32 to vector<16xf32>
        %max3A_205 = arith.maximumf %add3A_202, %max3A_204 : vector<16xf32>
        %swap3A_206 = arith.index_cast %add3A_133 : i32 to index
        %swap3A_207 = arith.constant 80 : index
        %swap3A_208 = tpu.vector_load %arg8[%swap3A_206, %swap3A_207] {strides = array<i32>} : memref<128x128xf32, #tpu.memory_space<vmem>>, vector<16xf32>,
        tpu.vector_store %arg8[%swap3A_206, %swap3A_207], %max3A_205 {strides = array<i32>} : memref<128x128xf32, #tpu.memory_space<vmem>>, vector<16xf32>,
        %get3A_209 = arith.index_cast %add3A_133 : i32 to index
        %get3A_210 = arith.constant 96 : index
        %get3A_211 = tpu.vector_load %arg8[%get3A_209, %get3A_210] {strides = array<i32>} : memref<128x128xf32, #tpu.memory_space<vmem>>, vector<16xf32>,
        %get3A_212 = arith.index_cast %add3A_133 : i32 to index
        %get3A_213 = arith.constant 96 : index
        %get3A_214 = tpu.vector_load %arg10[%get3A_212, %get3A_213] {strides = array<i32>} : memref<128x128xf32, #tpu.memory_space<vmem>>, vector<16xf32>,
        %add3A_215 = arith.addf %get3A_211, %get3A_214 : vector<16xf32>
        %max3A_216 = arith.constant 0.000000e+00 : f32
        %max3A_217 = vector.broadcast %max3A_216 : f32 to vector<16xf32>
        %max3A_218 = arith.maximumf %add3A_215, %max3A_217 : vector<16xf32>
        %swap3A_219 = arith.index_cast %add3A_133 : i32 to index
        %swap3A_220 = arith.constant 96 : index
        %swap3A_221 = tpu.vector_load %arg8[%swap3A_219, %swap3A_220] {strides = array<i32>} : memref<128x128xf32, #tpu.memory_space<vmem>>, vector<16xf32>,
        tpu.vector_store %arg8[%swap3A_219, %swap3A_220], %max3A_218 {strides = array<i32>} : memref<128x128xf32, #tpu.memory_space<vmem>>, vector<16xf32>,
        %get3A_222 = arith.index_cast %add3A_133 : i32 to index
        %get3A_223 = arith.constant 112 : index
        %get3A_224 = tpu.vector_load %arg8[%get3A_222, %get3A_223] {strides = array<i32>} : memref<128x128xf32, #tpu.memory_space<vmem>>, vector<16xf32>,
        %get3A_225 = arith.index_cast %add3A_133 : i32 to index
        %get3A_226 = arith.constant 112 : index
        %get3A_227 = tpu.vector_load %arg10[%get3A_225, %get3A_226] {strides = array<i32>} : memref<128x128xf32, #tpu.memory_space<vmem>>, vector<16xf32>,
        %add3A_228 = arith.addf %get3A_224, %get3A_227 : vector<16xf32>
        %max3A_229 = arith.constant 0.000000e+00 : f32
        %max3A_230 = vector.broadcast %max3A_229 : f32 to vector<16xf32>
        %max3A_231 = arith.maximumf %add3A_228, %max3A_230 : vector<16xf32>
        %swap3A_232 = arith.index_cast %add3A_133 : i32 to index
        %swap3A_233 = arith.constant 112 : index
        %swap3A_234 = tpu.vector_load %arg8[%swap3A_232, %swap3A_233] {strides = array<i32>} : memref<128x128xf32, #tpu.memory_space<vmem>>, vector<16xf32>,
        tpu.vector_store %arg8[%swap3A_232, %swap3A_233], %max3A_231 {strides = array<i32>} : memref<128x128xf32, #tpu.memory_space<vmem>>, vector<16xf32>,
      }
      %scan3A_99 = arith.constant 128 : i32
      %run_scoped3A = arith.constant 1 : i32
      "tpu.region"() ({
        %run_scoped3A_129 = tpu.sem_alloc : memref<!tpu.dma_semaphore, #tpu.memory_space<semaphore_mem>>
        %dma_start3A_130 = arith.constant 0 : i32
        %dma_start3A_131 = tpu.memref_slice %arg6[%run_scoped3A, %dma_start3A_130] : memref<2x128xi32, #tpu.memory_space<vmem>> -> memref<1x128xi32, #tpu.memory_space<vmem>>
        %dma_start3A_132 = tpu.memref_squeeze %dma_start3A_131 : memref<1x128xi32, #tpu.memory_space<vmem>> -> memref<128xi32, #tpu.memory_space<vmem>>
        %dma_start3A_133 = arith.constant 0 : i32
        %dma_start3A_134 = arith.constant 0 : i32
        %dma_start3A_135 = tpu.memref_slice %arg11[%dma_start3A_133, %dma_start3A_134] : memref<10112x128xf32, #tpu.memory_space<vmem_shared>> -> memref<10112x128xf32, #tpu.memory_space<vmem_shared>>
        tpu.enqueue_indirect_dma source(%arg8 : memref<128x128xf32, #tpu.memory_space<vmem>>) target(%dma_start3A_135 : memref<10112x128xf32, #tpu.memory_space<vmem_shared>>) offsets(%dma_start3A_132 : memref<128xi32, #tpu.memory_space<vmem>>) semaphore(%run_scoped3A_129 : memref<!tpu.dma_semaphore, #tpu.memory_space<semaphore_mem>>) {add = true}
        %dma_wait3A_136 = arith.constant 0 : i32
        %dma_wait3A_137 = tpu.memref_slice %arg6[%run_scoped3A, %dma_wait3A_136] : memref<2x128xi32, #tpu.memory_space<vmem>> -> memref<1x128xi32, #tpu.memory_space<vmem>>
        %dma_wait3A_138 = tpu.memref_squeeze %dma_wait3A_137 : memref<1x128xi32, #tpu.memory_space<vmem>> -> memref<128xi32, #tpu.memory_space<vmem>>
        %dma_wait3A_139 = arith.constant 0 : i32
        %dma_wait3A_140 = arith.constant 0 : i32
        %dma_wait3A_141 = tpu.memref_slice %arg11[%dma_wait3A_139, %dma_wait3A_140] : memref<10112x128xf32, #tpu.memory_space<vmem_shared>> -> memref<10112x128xf32, #tpu.memory_space<vmem_shared>>
        tpu.wait_indirect_dma semaphore(%run_scoped3A_129 : memref<!tpu.dma_semaphore, #tpu.memory_space<semaphore_mem>>) src(%arg8 : memref<128x128xf32, #tpu.memory_space<vmem>>) dst(%dma_wait3A_141 : memref<10112x128xf32, #tpu.memory_space<vmem_shared>>)
        tpu.yield
      }) : () -> ()
      %dma_start3A_100 = arith.constant 0 : i32
      %dma_start3A_101 = arith.constant 0 : i32
      %dma_start3A_102 = tpu.memref_slice %arg3[%add3A_38, %dma_start3A_100, %dma_start3A_101] : memref<2500x128x128xf32, #tpu.memory_space<hbm>> -> memref<1x128x128xf32, #tpu.memory_space<hbm>>
      %dma_start3A_103 = tpu.memref_squeeze %dma_start3A_102 : memref<1x128x128xf32, #tpu.memory_space<hbm>> -> memref<128x128xf32, #tpu.memory_space<hbm>>
      %dma_start3A_104 = arith.constant 0 : i32
      %dma_start3A_105 = arith.constant 0 : i32
      %dma_start3A_106 = tpu.memref_slice %arg3[%add3A_38, %dma_start3A_104, %dma_start3A_105] : memref<2500x128x128xf32, #tpu.memory_space<hbm>> -> memref<1x128x128xf32, #tpu.memory_space<hbm>>
      %dma_start3A_107 = tpu.memref_squeeze %dma_start3A_106 : memref<1x128x128xf32, #tpu.memory_space<hbm>> -> memref<128x128xf32, #tpu.memory_space<hbm>>
      tpu.enqueue_dma source(%dma_start3A_107 : memref<128x128xf32, #tpu.memory_space<hbm>>) target(%arg10 : memref<128x128xf32, #tpu.memory_space<vmem>>) target_semaphore(%arg16 : memref<!tpu.dma_semaphore, #tpu.memory_space<semaphore_mem>>)
      %dma_wait3A_108 = arith.constant 0 : i32
      %dma_wait3A_109 = arith.constant 0 : i32
      %dma_wait3A_110 = tpu.memref_slice %arg7[%dma_wait3A_108, %dma_wait3A_109] : memref<2x128xi32, #tpu.memory_space<vmem>> -> memref<1x128xi32, #tpu.memory_space<vmem>>
      %dma_wait3A_111 = tpu.memref_squeeze %dma_wait3A_110 : memref<1x128xi32, #tpu.memory_space<vmem>> -> memref<128xi32, #tpu.memory_space<vmem>>
      %dma_wait3A_112 = arith.constant 0 : i32
      %dma_wait3A_113 = arith.constant 0 : i32
      %dma_wait3A_114 = tpu.memref_slice %arg2[%dma_wait3A_112, %dma_wait3A_113] : memref<10000x128xf32, #tpu.memory_space<hbm>> -> memref<10000x128xf32, #tpu.memory_space<hbm>>
      tpu.wait_indirect_dma semaphore(%arg15 : memref<!tpu.dma_semaphore, #tpu.memory_space<semaphore_mem>>) src(%dma_wait3A_114 : memref<10000x128xf32, #tpu.memory_space<hbm>>) dst(%arg9 : memref<128x128xf32, #tpu.memory_space<vmem>>)
      %dma_wait3A_115 = arith.constant 0 : i32
      %dma_wait3A_116 = arith.constant 0 : i32
      %dma_wait3A_117 = tpu.memref_slice %arg3[%add3A_38, %dma_wait3A_115, %dma_wait3A_116] : memref<2500x128x128xf32, #tpu.memory_space<hbm>> -> memref<1x128x128xf32, #tpu.memory_space<hbm>>
      %dma_wait3A_118 = tpu.memref_squeeze %dma_wait3A_117 : memref<1x128x128xf32, #tpu.memory_space<hbm>> -> memref<128x128xf32, #tpu.memory_space<hbm>>
      %dma_wait3A_119 = arith.constant 0 : i32
      %dma_wait3A_120 = arith.constant 0 : i32
      %dma_wait3A_121 = tpu.memref_slice %arg3[%add3A_38, %dma_wait3A_119, %dma_wait3A_120] : memref<2500x128x128xf32, #tpu.memory_space<hbm>> -> memref<1x128x128xf32, #tpu.memory_space<hbm>>
      %dma_wait3A_122 = tpu.memref_squeeze %dma_wait3A_121 : memref<1x128x128xf32, #tpu.memory_space<hbm>> -> memref<128x128xf32, #tpu.memory_space<hbm>>
      tpu.wait_dma2 semaphore(%arg16 : memref<!tpu.dma_semaphore, #tpu.memory_space<semaphore_mem>>) src(%dma_wait3A_122 : memref<128x128xf32, #tpu.memory_space<hbm>>) dst(%arg10 : memref<128x128xf32, #tpu.memory_space<vmem>>)
      %scan3A_123 = arith.constant 0 : i32
      %scan3A_124 = arith.constant 128 : i32
      %scan3A_125 = arith.addi %scan3A_123, %scan3A_124 : i32
      %scan3A_126 = arith.constant 1 : i32
      scf.for %scan3A_129 = %scan3A_123 to %scan3A_125 step %scan3A_126  : i32 {
        %mul3A_130 = arith.constant 1 : i32
        %mul3A_131 = arith.muli %scan3A_129, %mul3A_130 : i32
        %add3A_132 = arith.constant 0 : i32
        %add3A_133 = arith.addi %add3A_132, %mul3A_131 : i32
        %get3A = arith.index_cast %add3A_133 : i32 to index
        %get3A_134 = arith.constant 0 : index
        %get3A_135 = tpu.vector_load %arg9[%get3A, %get3A_134] {strides = array<i32>} : memref<128x128xf32, #tpu.memory_space<vmem>>, vector<16xf32>,
        %get3A_136 = arith.index_cast %add3A_133 : i32 to index
        %get3A_137 = arith.constant 0 : index
        %get3A_138 = tpu.vector_load %arg10[%get3A_136, %get3A_137] {strides = array<i32>} : memref<128x128xf32, #tpu.memory_space<vmem>>, vector<16xf32>,
        %add3A_139 = arith.addf %get3A_135, %get3A_138 : vector<16xf32>
        %max3A = arith.constant 0.000000e+00 : f32
        %max3A_140 = vector.broadcast %max3A : f32 to vector<16xf32>
        %max3A_141 = arith.maximumf %add3A_139, %max3A_140 : vector<16xf32>
        %swap3A = arith.index_cast %add3A_133 : i32 to index
        %swap3A_142 = arith.constant 0 : index
        %swap3A_143 = tpu.vector_load %arg9[%swap3A, %swap3A_142] {strides = array<i32>} : memref<128x128xf32, #tpu.memory_space<vmem>>, vector<16xf32>,
        tpu.vector_store %arg9[%swap3A, %swap3A_142], %max3A_141 {strides = array<i32>} : memref<128x128xf32, #tpu.memory_space<vmem>>, vector<16xf32>,
        %get3A_144 = arith.index_cast %add3A_133 : i32 to index
        %get3A_145 = arith.constant 16 : index
        %get3A_146 = tpu.vector_load %arg9[%get3A_144, %get3A_145] {strides = array<i32>} : memref<128x128xf32, #tpu.memory_space<vmem>>, vector<16xf32>,
        %get3A_147 = arith.index_cast %add3A_133 : i32 to index
        %get3A_148 = arith.constant 16 : index
        %get3A_149 = tpu.vector_load %arg10[%get3A_147, %get3A_148] {strides = array<i32>} : memref<128x128xf32, #tpu.memory_space<vmem>>, vector<16xf32>,
        %add3A_150 = arith.addf %get3A_146, %get3A_149 : vector<16xf32>
        %max3A_151 = arith.constant 0.000000e+00 : f32
        %max3A_152 = vector.broadcast %max3A_151 : f32 to vector<16xf32>
        %max3A_153 = arith.maximumf %add3A_150, %max3A_152 : vector<16xf32>
        %swap3A_154 = arith.index_cast %add3A_133 : i32 to index
        %swap3A_155 = arith.constant 16 : index
        %swap3A_156 = tpu.vector_load %arg9[%swap3A_154, %swap3A_155] {strides = array<i32>} : memref<128x128xf32, #tpu.memory_space<vmem>>, vector<16xf32>,
        tpu.vector_store %arg9[%swap3A_154, %swap3A_155], %max3A_153 {strides = array<i32>} : memref<128x128xf32, #tpu.memory_space<vmem>>, vector<16xf32>,
        %get3A_157 = arith.index_cast %add3A_133 : i32 to index
        %get3A_158 = arith.constant 32 : index
        %get3A_159 = tpu.vector_load %arg9[%get3A_157, %get3A_158] {strides = array<i32>} : memref<128x128xf32, #tpu.memory_space<vmem>>, vector<16xf32>,
        %get3A_160 = arith.index_cast %add3A_133 : i32 to index
        %get3A_161 = arith.constant 32 : index
        %get3A_162 = tpu.vector_load %arg10[%get3A_160, %get3A_161] {strides = array<i32>} : memref<128x128xf32, #tpu.memory_space<vmem>>, vector<16xf32>,
        %add3A_163 = arith.addf %get3A_159, %get3A_162 : vector<16xf32>
        %max3A_164 = arith.constant 0.000000e+00 : f32
        %max3A_165 = vector.broadcast %max3A_164 : f32 to vector<16xf32>
        %max3A_166 = arith.maximumf %add3A_163, %max3A_165 : vector<16xf32>
        %swap3A_167 = arith.index_cast %add3A_133 : i32 to index
        %swap3A_168 = arith.constant 32 : index
        %swap3A_169 = tpu.vector_load %arg9[%swap3A_167, %swap3A_168] {strides = array<i32>} : memref<128x128xf32, #tpu.memory_space<vmem>>, vector<16xf32>,
        tpu.vector_store %arg9[%swap3A_167, %swap3A_168], %max3A_166 {strides = array<i32>} : memref<128x128xf32, #tpu.memory_space<vmem>>, vector<16xf32>,
        %get3A_170 = arith.index_cast %add3A_133 : i32 to index
        %get3A_171 = arith.constant 48 : index
        %get3A_172 = tpu.vector_load %arg9[%get3A_170, %get3A_171] {strides = array<i32>} : memref<128x128xf32, #tpu.memory_space<vmem>>, vector<16xf32>,
        %get3A_173 = arith.index_cast %add3A_133 : i32 to index
        %get3A_174 = arith.constant 48 : index
        %get3A_175 = tpu.vector_load %arg10[%get3A_173, %get3A_174] {strides = array<i32>} : memref<128x128xf32, #tpu.memory_space<vmem>>, vector<16xf32>,
        %add3A_176 = arith.addf %get3A_172, %get3A_175 : vector<16xf32>
        %max3A_177 = arith.constant 0.000000e+00 : f32
        %max3A_178 = vector.broadcast %max3A_177 : f32 to vector<16xf32>
        %max3A_179 = arith.maximumf %add3A_176, %max3A_178 : vector<16xf32>
        %swap3A_180 = arith.index_cast %add3A_133 : i32 to index
        %swap3A_181 = arith.constant 48 : index
        %swap3A_182 = tpu.vector_load %arg9[%swap3A_180, %swap3A_181] {strides = array<i32>} : memref<128x128xf32, #tpu.memory_space<vmem>>, vector<16xf32>,
        tpu.vector_store %arg9[%swap3A_180, %swap3A_181], %max3A_179 {strides = array<i32>} : memref<128x128xf32, #tpu.memory_space<vmem>>, vector<16xf32>,
        %get3A_183 = arith.index_cast %add3A_133 : i32 to index
        %get3A_184 = arith.constant 64 : index
        %get3A_185 = tpu.vector_load %arg9[%get3A_183, %get3A_184] {strides = array<i32>} : memref<128x128xf32, #tpu.memory_space<vmem>>, vector<16xf32>,
        %get3A_186 = arith.index_cast %add3A_133 : i32 to index
        %get3A_187 = arith.constant 64 : index
        %get3A_188 = tpu.vector_load %arg10[%get3A_186, %get3A_187] {strides = array<i32>} : memref<128x128xf32, #tpu.memory_space<vmem>>, vector<16xf32>,
        %add3A_189 = arith.addf %get3A_185, %get3A_188 : vector<16xf32>
        %max3A_190 = arith.constant 0.000000e+00 : f32
        %max3A_191 = vector.broadcast %max3A_190 : f32 to vector<16xf32>
        %max3A_192 = arith.maximumf %add3A_189, %max3A_191 : vector<16xf32>
        %swap3A_193 = arith.index_cast %add3A_133 : i32 to index
        %swap3A_194 = arith.constant 64 : index
        %swap3A_195 = tpu.vector_load %arg9[%swap3A_193, %swap3A_194] {strides = array<i32>} : memref<128x128xf32, #tpu.memory_space<vmem>>, vector<16xf32>,
        tpu.vector_store %arg9[%swap3A_193, %swap3A_194], %max3A_192 {strides = array<i32>} : memref<128x128xf32, #tpu.memory_space<vmem>>, vector<16xf32>,
        %get3A_196 = arith.index_cast %add3A_133 : i32 to index
        %get3A_197 = arith.constant 80 : index
        %get3A_198 = tpu.vector_load %arg9[%get3A_196, %get3A_197] {strides = array<i32>} : memref<128x128xf32, #tpu.memory_space<vmem>>, vector<16xf32>,
        %get3A_199 = arith.index_cast %add3A_133 : i32 to index
        %get3A_200 = arith.constant 80 : index
        %get3A_201 = tpu.vector_load %arg10[%get3A_199, %get3A_200] {strides = array<i32>} : memref<128x128xf32, #tpu.memory_space<vmem>>, vector<16xf32>,
        %add3A_202 = arith.addf %get3A_198, %get3A_201 : vector<16xf32>
        %max3A_203 = arith.constant 0.000000e+00 : f32
        %max3A_204 = vector.broadcast %max3A_203 : f32 to vector<16xf32>
        %max3A_205 = arith.maximumf %add3A_202, %max3A_204 : vector<16xf32>
        %swap3A_206 = arith.index_cast %add3A_133 : i32 to index
        %swap3A_207 = arith.constant 80 : index
        %swap3A_208 = tpu.vector_load %arg9[%swap3A_206, %swap3A_207] {strides = array<i32>} : memref<128x128xf32, #tpu.memory_space<vmem>>, vector<16xf32>,
        tpu.vector_store %arg9[%swap3A_206, %swap3A_207], %max3A_205 {strides = array<i32>} : memref<128x128xf32, #tpu.memory_space<vmem>>, vector<16xf32>,
        %get3A_209 = arith.index_cast %add3A_133 : i32 to index
        %get3A_210 = arith.constant 96 : index
        %get3A_211 = tpu.vector_load %arg9[%get3A_209, %get3A_210] {strides = array<i32>} : memref<128x128xf32, #tpu.memory_space<vmem>>, vector<16xf32>,
        %get3A_212 = arith.index_cast %add3A_133 : i32 to index
        %get3A_213 = arith.constant 96 : index
        %get3A_214 = tpu.vector_load %arg10[%get3A_212, %get3A_213] {strides = array<i32>} : memref<128x128xf32, #tpu.memory_space<vmem>>, vector<16xf32>,
        %add3A_215 = arith.addf %get3A_211, %get3A_214 : vector<16xf32>
        %max3A_216 = arith.constant 0.000000e+00 : f32
        %max3A_217 = vector.broadcast %max3A_216 : f32 to vector<16xf32>
        %max3A_218 = arith.maximumf %add3A_215, %max3A_217 : vector<16xf32>
        %swap3A_219 = arith.index_cast %add3A_133 : i32 to index
        %swap3A_220 = arith.constant 96 : index
        %swap3A_221 = tpu.vector_load %arg9[%swap3A_219, %swap3A_220] {strides = array<i32>} : memref<128x128xf32, #tpu.memory_space<vmem>>, vector<16xf32>,
        tpu.vector_store %arg9[%swap3A_219, %swap3A_220], %max3A_218 {strides = array<i32>} : memref<128x128xf32, #tpu.memory_space<vmem>>, vector<16xf32>,
        %get3A_222 = arith.index_cast %add3A_133 : i32 to index
        %get3A_223 = arith.constant 112 : index
        %get3A_224 = tpu.vector_load %arg9[%get3A_222, %get3A_223] {strides = array<i32>} : memref<128x128xf32, #tpu.memory_space<vmem>>, vector<16xf32>,
        %get3A_225 = arith.index_cast %add3A_133 : i32 to index
        %get3A_226 = arith.constant 112 : index
        %get3A_227 = tpu.vector_load %arg10[%get3A_225, %get3A_226] {strides = array<i32>} : memref<128x128xf32, #tpu.memory_space<vmem>>, vector<16xf32>,
        %add3A_228 = arith.addf %get3A_224, %get3A_227 : vector<16xf32>
        %max3A_229 = arith.constant 0.000000e+00 : f32
        %max3A_230 = vector.broadcast %max3A_229 : f32 to vector<16xf32>
        %max3A_231 = arith.maximumf %add3A_228, %max3A_230 : vector<16xf32>
        %swap3A_232 = arith.index_cast %add3A_133 : i32 to index
        %swap3A_233 = arith.constant 112 : index
        %swap3A_234 = tpu.vector_load %arg9[%swap3A_232, %swap3A_233] {strides = array<i32>} : memref<128x128xf32, #tpu.memory_space<vmem>>, vector<16xf32>,
        tpu.vector_store %arg9[%swap3A_232, %swap3A_233], %max3A_231 {strides = array<i32>} : memref<128x128xf32, #tpu.memory_space<vmem>>, vector<16xf32>,
      }
      %scan3A_127 = arith.constant 128 : i32
      %run_scoped3A_128 = arith.constant 1 : i32
      "tpu.region"() ({
        %run_scoped3A_129 = tpu.sem_alloc : memref<!tpu.dma_semaphore, #tpu.memory_space<semaphore_mem>>
        %dma_start3A_130 = arith.constant 0 : i32
        %dma_start3A_131 = tpu.memref_slice %arg7[%run_scoped3A_128, %dma_start3A_130] : memref<2x128xi32, #tpu.memory_space<vmem>> -> memref<1x128xi32, #tpu.memory_space<vmem>>
        %dma_start3A_132 = tpu.memref_squeeze %dma_start3A_131 : memref<1x128xi32, #tpu.memory_space<vmem>> -> memref<128xi32, #tpu.memory_space<vmem>>
        %dma_start3A_133 = arith.constant 0 : i32
        %dma_start3A_134 = arith.constant 0 : i32
        %dma_start3A_135 = tpu.memref_slice %arg11[%dma_start3A_133, %dma_start3A_134] : memref<10112x128xf32, #tpu.memory_space<vmem_shared>> -> memref<10112x128xf32, #tpu.memory_space<vmem_shared>>
        tpu.enqueue_indirect_dma source(%arg9 : memref<128x128xf32, #tpu.memory_space<vmem>>) target(%dma_start3A_135 : memref<10112x128xf32, #tpu.memory_space<vmem_shared>>) offsets(%dma_start3A_132 : memref<128xi32, #tpu.memory_space<vmem>>) semaphore(%run_scoped3A_129 : memref<!tpu.dma_semaphore, #tpu.memory_space<semaphore_mem>>) {add = true}
        %dma_wait3A_136 = arith.constant 0 : i32
        %dma_wait3A_137 = tpu.memref_slice %arg7[%run_scoped3A_128, %dma_wait3A_136] : memref<2x128xi32, #tpu.memory_space<vmem>> -> memref<1x128xi32, #tpu.memory_space<vmem>>
        %dma_wait3A_138 = tpu.memref_squeeze %dma_wait3A_137 : memref<1x128xi32, #tpu.memory_space<vmem>> -> memref<128xi32, #tpu.memory_space<vmem>>
        %dma_wait3A_139 = arith.constant 0 : i32
        %dma_wait3A_140 = arith.constant 0 : i32
        %dma_wait3A_141 = tpu.memref_slice %arg11[%dma_wait3A_139, %dma_wait3A_140] : memref<10112x128xf32, #tpu.memory_space<vmem_shared>> -> memref<10112x128xf32, #tpu.memory_space<vmem_shared>>
        tpu.wait_indirect_dma semaphore(%run_scoped3A_129 : memref<!tpu.dma_semaphore, #tpu.memory_space<semaphore_mem>>) src(%arg9 : memref<128x128xf32, #tpu.memory_space<vmem>>) dst(%dma_wait3A_141 : memref<10112x128xf32, #tpu.memory_space<vmem_shared>>)
        tpu.yield
      }) : () -> ()
    }
    %scan3A_21 = arith.constant 39 : i32
    %add3A_22 = arith.constant 2496 : i32
    %add3A_23 = arith.addi %add3A_22, %add3A : i32
    %lt3A = arith.constant 2500 : i32
    %lt3A_24 = arith.cmpi slt, %add3A_23, %lt3A : i32
    %convert_element_type3A = arith.extui %lt3A_24 : i1 to i32
    %cond3A = arith.constant 0 : i32
    %cond3A_25 = arith.cmpi ne, %convert_element_type3A, %cond3A : i32
    scf.if %cond3A_25 {
      %add3A_27 = arith.constant 2496 : i32
      %add3A_28 = arith.addi %add3A_27, %add3A : i32
      %mul3A_29 = arith.constant 128 : i32
      %mul3A_30 = arith.muli %add3A_28, %mul3A_29 : i32
      %multiple_of3A = tpu.assume_multiple %mul3A_30, 128 : i32
      "tpu.region"() ({
        %run_scoped3A_64 = tpu.sem_alloc : memref<!tpu.dma_semaphore, #tpu.memory_space<semaphore_mem>>
        %dma_start3A_65 = arith.constant 0 : i32
        %dma_start3A_66 = tpu.memref_slice %arg4[%dma_start3A_65, %multiple_of3A] : memref<2x320000xi32, #tpu.memory_space<hbm>> -> memref<2x128xi32, #tpu.memory_space<hbm>>
        %dma_start3A_67 = arith.constant 0 : i32
        %dma_start3A_68 = tpu.memref_slice %arg4[%dma_start3A_67, %multiple_of3A] : memref<2x320000xi32, #tpu.memory_space<hbm>> -> memref<2x128xi32, #tpu.memory_space<hbm>>
        tpu.enqueue_dma source(%dma_start3A_68 : memref<2x128xi32, #tpu.memory_space<hbm>>) target(%arg6 : memref<2x128xi32, #tpu.memory_space<vmem>>) target_semaphore(%run_scoped3A_64 : memref<!tpu.dma_semaphore, #tpu.memory_space<semaphore_mem>>)
        %dma_wait3A_69 = arith.constant 0 : i32
        %dma_wait3A_70 = tpu.memref_slice %arg4[%dma_wait3A_69, %multiple_of3A] : memref<2x320000xi32, #tpu.memory_space<hbm>> -> memref<2x128xi32, #tpu.memory_space<hbm>>
        %dma_wait3A_71 = arith.constant 0 : i32
        %dma_wait3A_72 = tpu.memref_slice %arg4[%dma_wait3A_71, %multiple_of3A] : memref<2x320000xi32, #tpu.memory_space<hbm>> -> memref<2x128xi32, #tpu.memory_space<hbm>>
        tpu.wait_dma2 semaphore(%run_scoped3A_64 : memref<!tpu.dma_semaphore, #tpu.memory_space<semaphore_mem>>) src(%dma_wait3A_72 : memref<2x128xi32, #tpu.memory_space<hbm>>) dst(%arg6 : memref<2x128xi32, #tpu.memory_space<vmem>>)
        tpu.yield
      }) : () -> ()
      %dma_start3A = arith.constant 0 : i32
      %dma_start3A_31 = arith.constant 0 : i32
      %dma_start3A_32 = tpu.memref_slice %arg6[%dma_start3A, %dma_start3A_31] : memref<2x128xi32, #tpu.memory_space<vmem>> -> memref<1x128xi32, #tpu.memory_space<vmem>>
      %dma_start3A_33 = tpu.memref_squeeze %dma_start3A_32 : memref<1x128xi32, #tpu.memory_space<vmem>> -> memref<128xi32, #tpu.memory_space<vmem>>
      %dma_start3A_34 = arith.constant 0 : i32
      %dma_start3A_35 = arith.constant 0 : i32
      %dma_start3A_36 = tpu.memref_slice %arg2[%dma_start3A_34, %dma_start3A_35] : memref<10000x128xf32, #tpu.memory_space<hbm>> -> memref<10000x128xf32, #tpu.memory_space<hbm>>
      tpu.enqueue_indirect_dma source(%dma_start3A_36 : memref<10000x128xf32, #tpu.memory_space<hbm>>) target(%arg8 : memref<128x128xf32, #tpu.memory_space<vmem>>) offsets(%dma_start3A_33 : memref<128xi32, #tpu.memory_space<vmem>>) semaphore(%arg14 : memref<!tpu.dma_semaphore, #tpu.memory_space<semaphore_mem>>)
      %dma_start3A_37 = arith.constant 0 : i32
      %dma_start3A_38 = arith.constant 0 : i32
      %dma_start3A_39 = tpu.memref_slice %arg3[%add3A_28, %dma_start3A_37, %dma_start3A_38] : memref<2500x128x128xf32, #tpu.memory_space<hbm>> -> memref<1x128x128xf32, #tpu.memory_space<hbm>>
      %dma_start3A_40 = tpu.memref_squeeze %dma_start3A_39 : memref<1x128x128xf32, #tpu.memory_space<hbm>> -> memref<128x128xf32, #tpu.memory_space<hbm>>
      %dma_start3A_41 = arith.constant 0 : i32
      %dma_start3A_42 = arith.constant 0 : i32
      %dma_start3A_43 = tpu.memref_slice %arg3[%add3A_28, %dma_start3A_41, %dma_start3A_42] : memref<2500x128x128xf32, #tpu.memory_space<hbm>> -> memref<1x128x128xf32, #tpu.memory_space<hbm>>
      %dma_start3A_44 = tpu.memref_squeeze %dma_start3A_43 : memref<1x128x128xf32, #tpu.memory_space<hbm>> -> memref<128x128xf32, #tpu.memory_space<hbm>>
      tpu.enqueue_dma source(%dma_start3A_44 : memref<128x128xf32, #tpu.memory_space<hbm>>) target(%arg10 : memref<128x128xf32, #tpu.memory_space<vmem>>) target_semaphore(%arg16 : memref<!tpu.dma_semaphore, #tpu.memory_space<semaphore_mem>>)
      %dma_wait3A = arith.constant 0 : i32
      %dma_wait3A_45 = arith.constant 0 : i32
      %dma_wait3A_46 = tpu.memref_slice %arg6[%dma_wait3A, %dma_wait3A_45] : memref<2x128xi32, #tpu.memory_space<vmem>> -> memref<1x128xi32, #tpu.memory_space<vmem>>
      %dma_wait3A_47 = tpu.memref_squeeze %dma_wait3A_46 : memref<1x128xi32, #tpu.memory_space<vmem>> -> memref<128xi32, #tpu.memory_space<vmem>>
      %dma_wait3A_48 = arith.constant 0 : i32
      %dma_wait3A_49 = arith.constant 0 : i32
      %dma_wait3A_50 = tpu.memref_slice %arg2[%dma_wait3A_48, %dma_wait3A_49] : memref<10000x128xf32, #tpu.memory_space<hbm>> -> memref<10000x128xf32, #tpu.memory_space<hbm>>
      tpu.wait_indirect_dma semaphore(%arg14 : memref<!tpu.dma_semaphore, #tpu.memory_space<semaphore_mem>>) src(%dma_wait3A_50 : memref<10000x128xf32, #tpu.memory_space<hbm>>) dst(%arg8 : memref<128x128xf32, #tpu.memory_space<vmem>>)
      %dma_wait3A_51 = arith.constant 0 : i32
      %dma_wait3A_52 = arith.constant 0 : i32
      %dma_wait3A_53 = tpu.memref_slice %arg3[%add3A_28, %dma_wait3A_51, %dma_wait3A_52] : memref<2500x128x128xf32, #tpu.memory_space<hbm>> -> memref<1x128x128xf32, #tpu.memory_space<hbm>>
      %dma_wait3A_54 = tpu.memref_squeeze %dma_wait3A_53 : memref<1x128x128xf32, #tpu.memory_space<hbm>> -> memref<128x128xf32, #tpu.memory_space<hbm>>
      %dma_wait3A_55 = arith.constant 0 : i32
      %dma_wait3A_56 = arith.constant 0 : i32
      %dma_wait3A_57 = tpu.memref_slice %arg3[%add3A_28, %dma_wait3A_55, %dma_wait3A_56] : memref<2500x128x128xf32, #tpu.memory_space<hbm>> -> memref<1x128x128xf32, #tpu.memory_space<hbm>>
      %dma_wait3A_58 = tpu.memref_squeeze %dma_wait3A_57 : memref<1x128x128xf32, #tpu.memory_space<hbm>> -> memref<128x128xf32, #tpu.memory_space<hbm>>
      tpu.wait_dma2 semaphore(%arg16 : memref<!tpu.dma_semaphore, #tpu.memory_space<semaphore_mem>>) src(%dma_wait3A_58 : memref<128x128xf32, #tpu.memory_space<hbm>>) dst(%arg10 : memref<128x128xf32, #tpu.memory_space<vmem>>)
      %scan3A_59 = arith.constant 0 : i32
      %scan3A_60 = arith.constant 128 : i32
      %scan3A_61 = arith.addi %scan3A_59, %scan3A_60 : i32
      %scan3A_62 = arith.constant 1 : i32
      scf.for %scan3A_64 = %scan3A_59 to %scan3A_61 step %scan3A_62  : i32 {
        %mul3A_65 = arith.constant 1 : i32
        %mul3A_66 = arith.muli %scan3A_64, %mul3A_65 : i32
        %add3A_67 = arith.constant 0 : i32
        %add3A_68 = arith.addi %add3A_67, %mul3A_66 : i32
        %get3A = arith.index_cast %add3A_68 : i32 to index
        %get3A_69 = arith.constant 0 : index
        %get3A_70 = tpu.vector_load %arg8[%get3A, %get3A_69] {strides = array<i32>} : memref<128x128xf32, #tpu.memory_space<vmem>>, vector<16xf32>,
        %get3A_71 = arith.index_cast %add3A_68 : i32 to index
        %get3A_72 = arith.constant 0 : index
        %get3A_73 = tpu.vector_load %arg10[%get3A_71, %get3A_72] {strides = array<i32>} : memref<128x128xf32, #tpu.memory_space<vmem>>, vector<16xf32>,
        %add3A_74 = arith.addf %get3A_70, %get3A_73 : vector<16xf32>
        %max3A = arith.constant 0.000000e+00 : f32
        %max3A_75 = vector.broadcast %max3A : f32 to vector<16xf32>
        %max3A_76 = arith.maximumf %add3A_74, %max3A_75 : vector<16xf32>
        %swap3A = arith.index_cast %add3A_68 : i32 to index
        %swap3A_77 = arith.constant 0 : index
        %swap3A_78 = tpu.vector_load %arg8[%swap3A, %swap3A_77] {strides = array<i32>} : memref<128x128xf32, #tpu.memory_space<vmem>>, vector<16xf32>,
        tpu.vector_store %arg8[%swap3A, %swap3A_77], %max3A_76 {strides = array<i32>} : memref<128x128xf32, #tpu.memory_space<vmem>>, vector<16xf32>,
        %get3A_79 = arith.index_cast %add3A_68 : i32 to index
        %get3A_80 = arith.constant 16 : index
        %get3A_81 = tpu.vector_load %arg8[%get3A_79, %get3A_80] {strides = array<i32>} : memref<128x128xf32, #tpu.memory_space<vmem>>, vector<16xf32>,
        %get3A_82 = arith.index_cast %add3A_68 : i32 to index
        %get3A_83 = arith.constant 16 : index
        %get3A_84 = tpu.vector_load %arg10[%get3A_82, %get3A_83] {strides = array<i32>} : memref<128x128xf32, #tpu.memory_space<vmem>>, vector<16xf32>,
        %add3A_85 = arith.addf %get3A_81, %get3A_84 : vector<16xf32>
        %max3A_86 = arith.constant 0.000000e+00 : f32
        %max3A_87 = vector.broadcast %max3A_86 : f32 to vector<16xf32>
        %max3A_88 = arith.maximumf %add3A_85, %max3A_87 : vector<16xf32>
        %swap3A_89 = arith.index_cast %add3A_68 : i32 to index
        %swap3A_90 = arith.constant 16 : index
        %swap3A_91 = tpu.vector_load %arg8[%swap3A_89, %swap3A_90] {strides = array<i32>} : memref<128x128xf32, #tpu.memory_space<vmem>>, vector<16xf32>,
        tpu.vector_store %arg8[%swap3A_89, %swap3A_90], %max3A_88 {strides = array<i32>} : memref<128x128xf32, #tpu.memory_space<vmem>>, vector<16xf32>,
        %get3A_92 = arith.index_cast %add3A_68 : i32 to index
        %get3A_93 = arith.constant 32 : index
        %get3A_94 = tpu.vector_load %arg8[%get3A_92, %get3A_93] {strides = array<i32>} : memref<128x128xf32, #tpu.memory_space<vmem>>, vector<16xf32>,
        %get3A_95 = arith.index_cast %add3A_68 : i32 to index
        %get3A_96 = arith.constant 32 : index
        %get3A_97 = tpu.vector_load %arg10[%get3A_95, %get3A_96] {strides = array<i32>} : memref<128x128xf32, #tpu.memory_space<vmem>>, vector<16xf32>,
        %add3A_98 = arith.addf %get3A_94, %get3A_97 : vector<16xf32>
        %max3A_99 = arith.constant 0.000000e+00 : f32
        %max3A_100 = vector.broadcast %max3A_99 : f32 to vector<16xf32>
        %max3A_101 = arith.maximumf %add3A_98, %max3A_100 : vector<16xf32>
        %swap3A_102 = arith.index_cast %add3A_68 : i32 to index
        %swap3A_103 = arith.constant 32 : index
        %swap3A_104 = tpu.vector_load %arg8[%swap3A_102, %swap3A_103] {strides = array<i32>} : memref<128x128xf32, #tpu.memory_space<vmem>>, vector<16xf32>,
        tpu.vector_store %arg8[%swap3A_102, %swap3A_103], %max3A_101 {strides = array<i32>} : memref<128x128xf32, #tpu.memory_space<vmem>>, vector<16xf32>,
        %get3A_105 = arith.index_cast %add3A_68 : i32 to index
        %get3A_106 = arith.constant 48 : index
        %get3A_107 = tpu.vector_load %arg8[%get3A_105, %get3A_106] {strides = array<i32>} : memref<128x128xf32, #tpu.memory_space<vmem>>, vector<16xf32>,
        %get3A_108 = arith.index_cast %add3A_68 : i32 to index
        %get3A_109 = arith.constant 48 : index
        %get3A_110 = tpu.vector_load %arg10[%get3A_108, %get3A_109] {strides = array<i32>} : memref<128x128xf32, #tpu.memory_space<vmem>>, vector<16xf32>,
        %add3A_111 = arith.addf %get3A_107, %get3A_110 : vector<16xf32>
        %max3A_112 = arith.constant 0.000000e+00 : f32
        %max3A_113 = vector.broadcast %max3A_112 : f32 to vector<16xf32>
        %max3A_114 = arith.maximumf %add3A_111, %max3A_113 : vector<16xf32>
        %swap3A_115 = arith.index_cast %add3A_68 : i32 to index
        %swap3A_116 = arith.constant 48 : index
        %swap3A_117 = tpu.vector_load %arg8[%swap3A_115, %swap3A_116] {strides = array<i32>} : memref<128x128xf32, #tpu.memory_space<vmem>>, vector<16xf32>,
        tpu.vector_store %arg8[%swap3A_115, %swap3A_116], %max3A_114 {strides = array<i32>} : memref<128x128xf32, #tpu.memory_space<vmem>>, vector<16xf32>,
        %get3A_118 = arith.index_cast %add3A_68 : i32 to index
        %get3A_119 = arith.constant 64 : index
        %get3A_120 = tpu.vector_load %arg8[%get3A_118, %get3A_119] {strides = array<i32>} : memref<128x128xf32, #tpu.memory_space<vmem>>, vector<16xf32>,
        %get3A_121 = arith.index_cast %add3A_68 : i32 to index
        %get3A_122 = arith.constant 64 : index
        %get3A_123 = tpu.vector_load %arg10[%get3A_121, %get3A_122] {strides = array<i32>} : memref<128x128xf32, #tpu.memory_space<vmem>>, vector<16xf32>,
        %add3A_124 = arith.addf %get3A_120, %get3A_123 : vector<16xf32>
        %max3A_125 = arith.constant 0.000000e+00 : f32
        %max3A_126 = vector.broadcast %max3A_125 : f32 to vector<16xf32>
        %max3A_127 = arith.maximumf %add3A_124, %max3A_126 : vector<16xf32>
        %swap3A_128 = arith.index_cast %add3A_68 : i32 to index
        %swap3A_129 = arith.constant 64 : index
        %swap3A_130 = tpu.vector_load %arg8[%swap3A_128, %swap3A_129] {strides = array<i32>} : memref<128x128xf32, #tpu.memory_space<vmem>>, vector<16xf32>,
        tpu.vector_store %arg8[%swap3A_128, %swap3A_129], %max3A_127 {strides = array<i32>} : memref<128x128xf32, #tpu.memory_space<vmem>>, vector<16xf32>,
        %get3A_131 = arith.index_cast %add3A_68 : i32 to index
        %get3A_132 = arith.constant 80 : index
        %get3A_133 = tpu.vector_load %arg8[%get3A_131, %get3A_132] {strides = array<i32>} : memref<128x128xf32, #tpu.memory_space<vmem>>, vector<16xf32>,
        %get3A_134 = arith.index_cast %add3A_68 : i32 to index
        %get3A_135 = arith.constant 80 : index
        %get3A_136 = tpu.vector_load %arg10[%get3A_134, %get3A_135] {strides = array<i32>} : memref<128x128xf32, #tpu.memory_space<vmem>>, vector<16xf32>,
        %add3A_137 = arith.addf %get3A_133, %get3A_136 : vector<16xf32>
        %max3A_138 = arith.constant 0.000000e+00 : f32
        %max3A_139 = vector.broadcast %max3A_138 : f32 to vector<16xf32>
        %max3A_140 = arith.maximumf %add3A_137, %max3A_139 : vector<16xf32>
        %swap3A_141 = arith.index_cast %add3A_68 : i32 to index
        %swap3A_142 = arith.constant 80 : index
        %swap3A_143 = tpu.vector_load %arg8[%swap3A_141, %swap3A_142] {strides = array<i32>} : memref<128x128xf32, #tpu.memory_space<vmem>>, vector<16xf32>,
        tpu.vector_store %arg8[%swap3A_141, %swap3A_142], %max3A_140 {strides = array<i32>} : memref<128x128xf32, #tpu.memory_space<vmem>>, vector<16xf32>,
        %get3A_144 = arith.index_cast %add3A_68 : i32 to index
        %get3A_145 = arith.constant 96 : index
        %get3A_146 = tpu.vector_load %arg8[%get3A_144, %get3A_145] {strides = array<i32>} : memref<128x128xf32, #tpu.memory_space<vmem>>, vector<16xf32>,
        %get3A_147 = arith.index_cast %add3A_68 : i32 to index
        %get3A_148 = arith.constant 96 : index
        %get3A_149 = tpu.vector_load %arg10[%get3A_147, %get3A_148] {strides = array<i32>} : memref<128x128xf32, #tpu.memory_space<vmem>>, vector<16xf32>,
        %add3A_150 = arith.addf %get3A_146, %get3A_149 : vector<16xf32>
        %max3A_151 = arith.constant 0.000000e+00 : f32
        %max3A_152 = vector.broadcast %max3A_151 : f32 to vector<16xf32>
        %max3A_153 = arith.maximumf %add3A_150, %max3A_152 : vector<16xf32>
        %swap3A_154 = arith.index_cast %add3A_68 : i32 to index
        %swap3A_155 = arith.constant 96 : index
        %swap3A_156 = tpu.vector_load %arg8[%swap3A_154, %swap3A_155] {strides = array<i32>} : memref<128x128xf32, #tpu.memory_space<vmem>>, vector<16xf32>,
        tpu.vector_store %arg8[%swap3A_154, %swap3A_155], %max3A_153 {strides = array<i32>} : memref<128x128xf32, #tpu.memory_space<vmem>>, vector<16xf32>,
        %get3A_157 = arith.index_cast %add3A_68 : i32 to index
        %get3A_158 = arith.constant 112 : index
        %get3A_159 = tpu.vector_load %arg8[%get3A_157, %get3A_158] {strides = array<i32>} : memref<128x128xf32, #tpu.memory_space<vmem>>, vector<16xf32>,
        %get3A_160 = arith.index_cast %add3A_68 : i32 to index
        %get3A_161 = arith.constant 112 : index
        %get3A_162 = tpu.vector_load %arg10[%get3A_160, %get3A_161] {strides = array<i32>} : memref<128x128xf32, #tpu.memory_space<vmem>>, vector<16xf32>,
        %add3A_163 = arith.addf %get3A_159, %get3A_162 : vector<16xf32>
        %max3A_164 = arith.constant 0.000000e+00 : f32
        %max3A_165 = vector.broadcast %max3A_164 : f32 to vector<16xf32>
        %max3A_166 = arith.maximumf %add3A_163, %max3A_165 : vector<16xf32>
        %swap3A_167 = arith.index_cast %add3A_68 : i32 to index
        %swap3A_168 = arith.constant 112 : index
        %swap3A_169 = tpu.vector_load %arg8[%swap3A_167, %swap3A_168] {strides = array<i32>} : memref<128x128xf32, #tpu.memory_space<vmem>>, vector<16xf32>,
        tpu.vector_store %arg8[%swap3A_167, %swap3A_168], %max3A_166 {strides = array<i32>} : memref<128x128xf32, #tpu.memory_space<vmem>>, vector<16xf32>,
      }
      %scan3A_63 = arith.constant 128 : i32
      %run_scoped3A = arith.constant 1 : i32
      "tpu.region"() ({
        %run_scoped3A_64 = tpu.sem_alloc : memref<!tpu.dma_semaphore, #tpu.memory_space<semaphore_mem>>
        %dma_start3A_65 = arith.constant 0 : i32
        %dma_start3A_66 = tpu.memref_slice %arg6[%run_scoped3A, %dma_start3A_65] : memref<2x128xi32, #tpu.memory_space<vmem>> -> memref<1x128xi32, #tpu.memory_space<vmem>>
        %dma_start3A_67 = tpu.memref_squeeze %dma_start3A_66 : memref<1x128xi32, #tpu.memory_space<vmem>> -> memref<128xi32, #tpu.memory_space<vmem>>
        %dma_start3A_68 = arith.constant 0 : i32
        %dma_start3A_69 = arith.constant 0 : i32
        %dma_start3A_70 = tpu.memref_slice %arg11[%dma_start3A_68, %dma_start3A_69] : memref<10112x128xf32, #tpu.memory_space<vmem_shared>> -> memref<10112x128xf32, #tpu.memory_space<vmem_shared>>
        tpu.enqueue_indirect_dma source(%arg8 : memref<128x128xf32, #tpu.memory_space<vmem>>) target(%dma_start3A_70 : memref<10112x128xf32, #tpu.memory_space<vmem_shared>>) offsets(%dma_start3A_67 : memref<128xi32, #tpu.memory_space<vmem>>) semaphore(%run_scoped3A_64 : memref<!tpu.dma_semaphore, #tpu.memory_space<semaphore_mem>>) {add = true}
        %dma_wait3A_71 = arith.constant 0 : i32
        %dma_wait3A_72 = tpu.memref_slice %arg6[%run_scoped3A, %dma_wait3A_71] : memref<2x128xi32, #tpu.memory_space<vmem>> -> memref<1x128xi32, #tpu.memory_space<vmem>>
        %dma_wait3A_73 = tpu.memref_squeeze %dma_wait3A_72 : memref<1x128xi32, #tpu.memory_space<vmem>> -> memref<128xi32, #tpu.memory_space<vmem>>
        %dma_wait3A_74 = arith.constant 0 : i32
        %dma_wait3A_75 = arith.constant 0 : i32
        %dma_wait3A_76 = tpu.memref_slice %arg11[%dma_wait3A_74, %dma_wait3A_75] : memref<10112x128xf32, #tpu.memory_space<vmem_shared>> -> memref<10112x128xf32, #tpu.memory_space<vmem_shared>>
        tpu.wait_indirect_dma semaphore(%run_scoped3A_64 : memref<!tpu.dma_semaphore, #tpu.memory_space<semaphore_mem>>) src(%arg8 : memref<128x128xf32, #tpu.memory_space<vmem>>) dst(%dma_wait3A_76 : memref<10112x128xf32, #tpu.memory_space<vmem_shared>>)
        tpu.yield
      }) : () -> ()
    } else {
    }
    %barrier3A_26 = arith.constant 0 : index
    tpu.barrier barrier_id(%barrier3A_26)
    "tpu.region"() ({
      %run_scoped3A = tpu.sem_alloc : memref<!tpu.dma_semaphore, #tpu.memory_space<semaphore_mem>>
      %dma_start3A = arith.constant 0 : i32
      %dma_start3A_27 = tpu.memref_slice %arg5[%arg0, %mul3A_2, %dma_start3A] : memref<2x10112x128xf32, #tpu.memory_space<hbm>> -> memref<1x632x128xf32, #tpu.memory_space<hbm>>
      %dma_start3A_28 = tpu.memref_squeeze %dma_start3A_27 : memref<1x632x128xf32, #tpu.memory_space<hbm>> -> memref<632x128xf32, #tpu.memory_space<hbm>>
      %dma_start3A_29 = arith.constant 0 : i32
      %dma_start3A_30 = tpu.memref_slice %arg11[%mul3A_2, %dma_start3A_29] : memref<10112x128xf32, #tpu.memory_space<vmem_shared>> -> memref<632x128xf32, #tpu.memory_space<vmem_shared>>
      tpu.enqueue_dma source(%dma_start3A_30 : memref<632x128xf32, #tpu.memory_space<vmem_shared>>) target(%dma_start3A_28 : memref<632x128xf32, #tpu.memory_space<hbm>>) target_semaphore(%run_scoped3A : memref<!tpu.dma_semaphore, #tpu.memory_space<semaphore_mem>>)
      %dma_wait3A = arith.constant 0 : i32
      %dma_wait3A_31 = tpu.memref_slice %arg5[%arg0, %mul3A_2, %dma_wait3A] : memref<2x10112x128xf32, #tpu.memory_space<hbm>> -> memref<1x632x128xf32, #tpu.memory_space<hbm>>
      %dma_wait3A_32 = tpu.memref_squeeze %dma_wait3A_31 : memref<1x632x128xf32, #tpu.memory_space<hbm>> -> memref<632x128xf32, #tpu.memory_space<hbm>>
      %dma_wait3A_33 = arith.constant 0 : i32
      %dma_wait3A_34 = tpu.memref_slice %arg11[%mul3A_2, %dma_wait3A_33] : memref<10112x128xf32, #tpu.memory_space<vmem_shared>> -> memref<632x128xf32, #tpu.memory_space<vmem_shared>>
      tpu.wait_dma2 semaphore(%run_scoped3A : memref<!tpu.dma_semaphore, #tpu.memory_space<semaphore_mem>>) src(%dma_wait3A_34 : memref<632x128xf32, #tpu.memory_space<vmem_shared>>) dst(%dma_wait3A_32 : memref<632x128xf32, #tpu.memory_space<hbm>>)
      tpu.yield
    }) : () -> ()
    return
  }
}

module attributes {stable_mosaic.version = 14 : i64} {
  func.func @_gcn_prep_body(%arg0: i32, %arg1: memref<2048x128xf32, #tpu.memory_space<vmem>>, %arg2: memref<2x2048x128xf32, #tpu.memory_space<vmem>>, %arg3: memref<32x2048xf32, #tpu.memory_space<vmem>>, %arg4: memref<128x128xf32, #tpu.memory_space<vmem>>, %arg5: memref<1x128xf32, #tpu.memory_space<vmem>>, %arg6: memref<128x128xf32, #tpu.memory_space<vmem>>, %arg7: memref<2048x128xf32, #tpu.memory_space<vmem>>, %arg8: memref<2048x128xf32, #tpu.memory_space<vmem>>, %arg9: memref<2048x1xf32, #tpu.memory_space<vmem>>) attributes {dimension_semantics = [#tpu.dimension_semantics<arbitrary>], iteration_bounds = array<i64: 5>, scalar_prefetch = 0 : i64, scratch_operands = 0 : i64, tpu.core_type = #tpu.core_type<tc>, window_params = [{transform_indices = @transform_0, window_bounds = array<i64: 2048, 128>}, {transform_indices = @transform_1, window_bounds = array<i64: 2, 2048, 128>}, {transform_indices = @transform_2, window_bounds = array<i64: 32, 2048>}, {pipeline_mode = #tpu.pipeline_mode<synchronous>, transform_indices = @transform_3, window_bounds = array<i64: 128, 128>}, {pipeline_mode = #tpu.pipeline_mode<synchronous>, transform_indices = @transform_4, window_bounds = array<i64: 1, 128>}, {pipeline_mode = #tpu.pipeline_mode<synchronous>, transform_indices = @transform_5, window_bounds = array<i64: 128, 128>}, {transform_indices = @transform_6, window_bounds = array<i64: 2048, 128>}, {transform_indices = @transform_7, window_bounds = array<i64: 2048, 128>}, {transform_indices = @transform_8, window_bounds = array<i64: 2048, 1>}]} {
    %get3A = arith.constant 0 : index
    %get3A_0 = arith.constant 0 : index
    %get3A_1 = vector.load %arg1[%get3A, %get3A_0] : memref<2048x128xf32, #tpu.memory_space<vmem>>, vector<2048x128xf32>
    %get3A_2 = arith.constant 0 : index
    %get3A_3 = arith.constant 0 : index
    %get3A_4 = arith.constant 0 : index
    %get3A_5 = vector.load %arg2[%get3A_2, %get3A_3, %get3A_4] : memref<2x2048x128xf32, #tpu.memory_space<vmem>>, vector<1x2048x128xf32>
    %get3A_6 = vector.shape_cast %get3A_5 : vector<1x2048x128xf32> to vector<2048x128xf32>
    %get3A_7 = arith.constant 1 : index
    %get3A_8 = arith.constant 0 : index
    %get3A_9 = arith.constant 0 : index
    %get3A_10 = vector.load %arg2[%get3A_7, %get3A_8, %get3A_9] : memref<2x2048x128xf32, #tpu.memory_space<vmem>>, vector<1x2048x128xf32>
    %get3A_11 = vector.shape_cast %get3A_10 : vector<1x2048x128xf32> to vector<2048x128xf32>
    %add3A = arith.addf %get3A_6, %get3A_11 : vector<2048x128xf32>
    %add3A_12 = arith.addf %get3A_1, %add3A : vector<2048x128xf32>
    %get3A_13 = arith.constant 0 : index
    %get3A_14 = arith.constant 0 : index
    %get3A_15 = vector.load %arg4[%get3A_13, %get3A_14] : memref<128x128xf32, #tpu.memory_space<vmem>>, vector<128x128xf32>
    %dot_general3A = arith.constant dense<0.000000e+00> : vector<2048x128xf32>
    %dot_general3A_16 = tpu.matmul %add3A_12, %get3A_15, %dot_general3A {dimension_numbers = #tpu.dot_dimension_numbers<[1], [0], [0], [1], [0, 0, 1, 1], [], []>, precision = #tpu.contract_precision<fp32>, transpose_lhs_hint = false} : vector<2048x128xf32>, vector<128x128xf32>, vector<2048x128xf32> -> vector<2048x128xf32>
    %get3A_17 = arith.constant 0 : index
    %get3A_18 = arith.constant 0 : index
    %get3A_19 = vector.load %arg5[%get3A_17, %get3A_18] : memref<1x128xf32, #tpu.memory_space<vmem>>, vector<1x128xf32>
    %add3A_20 = vector.broadcast %get3A_19 : vector<1x128xf32> to vector<2048x128xf32>
    %add3A_21 = arith.addf %dot_general3A_16, %add3A_20 : vector<2048x128xf32>
    %max3A = arith.constant 0.000000e+00 : f32
    %max3A_22 = vector.broadcast %max3A : f32 to vector<2048x128xf32>
    %max3A_23 = arith.maximumf %add3A_21, %max3A_22 : vector<2048x128xf32>
    %get3A_24 = arith.constant 0 : index
    %get3A_25 = arith.constant 0 : index
    %get3A_26 = vector.load %arg3[%get3A_24, %get3A_25] : memref<32x2048xf32, #tpu.memory_space<vmem>>, vector<32x2048xf32>
    %reduce_sum3A = arith.constant dense<0.000000e+00> : vector<2048xf32>
    %reduce_sum3A_27 = vector.multi_reduction <add>, %get3A_26, %reduce_sum3A [0] : vector<32x2048xf32> to vector<2048xf32>
    %add3A_28 = arith.constant 1.000000e+00 : f32
    %add3A_29 = vector.broadcast %add3A_28 : f32 to vector<2048xf32>
    %add3A_30 = arith.addf %reduce_sum3A_27, %add3A_29 : vector<2048xf32>
    %rsqrt3A = math.rsqrt %add3A_30 : vector<2048xf32>
    %broadcast_in_dim3A = vector.shape_cast %rsqrt3A : vector<2048xf32> to vector<2048x1xf32>
    %get3A_31 = arith.constant 0 : index
    %get3A_32 = arith.constant 0 : index
    %get3A_33 = vector.load %arg6[%get3A_31, %get3A_32] : memref<128x128xf32, #tpu.memory_space<vmem>>, vector<128x128xf32>
    %dot_general3A_34 = arith.constant dense<0.000000e+00> : vector<2048x128xf32>
    %dot_general3A_35 = tpu.matmul %max3A_23, %get3A_33, %dot_general3A_34 {dimension_numbers = #tpu.dot_dimension_numbers<[1], [0], [0], [1], [0, 0, 1, 1], [], []>, precision = #tpu.contract_precision<fp32>, transpose_lhs_hint = false} : vector<2048x128xf32>, vector<128x128xf32>, vector<2048x128xf32> -> vector<2048x128xf32>
    %swap3A = arith.constant 0 : index
    %swap3A_36 = arith.constant 0 : index
    %swap3A_37 = vector.load %arg7[%swap3A, %swap3A_36] : memref<2048x128xf32, #tpu.memory_space<vmem>>, vector<2048x128xf32>
    tpu.vector_store %arg7[%swap3A, %swap3A_36], %dot_general3A_35 {strides = array<i32>} : memref<2048x128xf32, #tpu.memory_space<vmem>>, vector<2048x128xf32>,
    %mul3A = vector.broadcast %broadcast_in_dim3A : vector<2048x1xf32> to vector<2048x128xf32>
    %mul3A_38 = arith.mulf %dot_general3A_35, %mul3A : vector<2048x128xf32>
    %swap3A_39 = arith.constant 0 : index
    %swap3A_40 = arith.constant 0 : index
    %swap3A_41 = vector.load %arg8[%swap3A_39, %swap3A_40] : memref<2048x128xf32, #tpu.memory_space<vmem>>, vector<2048x128xf32>
    tpu.vector_store %arg8[%swap3A_39, %swap3A_40], %mul3A_38 {strides = array<i32>} : memref<2048x128xf32, #tpu.memory_space<vmem>>, vector<2048x128xf32>,
    %swap3A_42 = arith.constant 0 : index
    %swap3A_43 = arith.constant 0 : index
    %swap3A_44 = vector.load %arg9[%swap3A_42, %swap3A_43] : memref<2048x1xf32, #tpu.memory_space<vmem>>, vector<2048x1xf32>
    tpu.vector_store %arg9[%swap3A_42, %swap3A_43], %broadcast_in_dim3A {strides = array<i32>} : memref<2048x1xf32, #tpu.memory_space<vmem>>, vector<2048x1xf32>,
    return
  }
  func.func @transform_0(%arg0: i32) -> (i32, i32) {
    %c0_i32 = arith.constant 0 : i32
    %c0_i32_0 = arith.constant 0 : i32
    return %arg0, %c0_i32 : i32, i32
  }
  func.func @transform_1(%arg0: i32) -> (i32, i32, i32) {
    %c0_i32 = arith.constant 0 : i32
    %c0_i32_0 = arith.constant 0 : i32
    %c0_i32_1 = arith.constant 0 : i32
    return %c0_i32, %arg0, %c0_i32_0 : i32, i32, i32
  }
  func.func @transform_2(%arg0: i32) -> (i32, i32) {
    %c0_i32 = arith.constant 0 : i32
    %c0_i32_0 = arith.constant 0 : i32
    return %c0_i32, %arg0 : i32, i32
  }
  func.func @transform_3(%arg0: i32) -> (i32, i32) {
    %c0_i32 = arith.constant 0 : i32
    %c0_i32_0 = arith.constant 0 : i32
    %c0_i32_1 = arith.constant 0 : i32
    return %c0_i32, %c0_i32_0 : i32, i32
  }
  func.func @transform_4(%arg0: i32) -> (i32, i32) {
    %c0_i32 = arith.constant 0 : i32
    %c0_i32_0 = arith.constant 0 : i32
    %c0_i32_1 = arith.constant 0 : i32
    return %c0_i32, %c0_i32_0 : i32, i32
  }
  func.func @transform_5(%arg0: i32) -> (i32, i32) {
    %c0_i32 = arith.constant 0 : i32
    %c0_i32_0 = arith.constant 0 : i32
    %c0_i32_1 = arith.constant 0 : i32
    return %c0_i32, %c0_i32_0 : i32, i32
  }
  func.func @transform_6(%arg0: i32) -> (i32, i32) {
    %c0_i32 = arith.constant 0 : i32
    %c0_i32_0 = arith.constant 0 : i32
    return %arg0, %c0_i32 : i32, i32
  }
  func.func @transform_7(%arg0: i32) -> (i32, i32) {
    %c0_i32 = arith.constant 0 : i32
    %c0_i32_0 = arith.constant 0 : i32
    return %arg0, %c0_i32 : i32, i32
  }
  func.func @transform_8(%arg0: i32) -> (i32, i32) {
    %c0_i32 = arith.constant 0 : i32
    %c0_i32_0 = arith.constant 0 : i32
    return %arg0, %c0_i32 : i32, i32
  }
}

module attributes {stable_mosaic.version = 14 : i64} {
  func.func @_edge_mm_body(%arg0: i32, %arg1: memref<4000x16xf32, #tpu.memory_space<vmem>>, %arg2: memref<16x128xf32, #tpu.memory_space<vmem>>, %arg3: memref<1x128xf32, #tpu.memory_space<vmem>>, %arg4: memref<4000x128xf32, #tpu.memory_space<vmem>>) attributes {dimension_semantics = [#tpu.dimension_semantics<arbitrary>], iteration_bounds = array<i64: 80>, scalar_prefetch = 0 : i64, scratch_operands = 0 : i64, tpu.core_type = #tpu.core_type<tc>, window_params = [{transform_indices = @transform_0, window_bounds = array<i64: 4000, 16>}, {pipeline_mode = #tpu.pipeline_mode<synchronous>, transform_indices = @transform_1, window_bounds = array<i64: 16, 128>}, {pipeline_mode = #tpu.pipeline_mode<synchronous>, transform_indices = @transform_2, window_bounds = array<i64: 1, 128>}, {transform_indices = @transform_3, window_bounds = array<i64: 4000, 128>}]} {
    %get3A = arith.constant 0 : index
    %get3A_0 = arith.constant 0 : index
    %get3A_1 = vector.load %arg1[%get3A, %get3A_0] : memref<4000x16xf32, #tpu.memory_space<vmem>>, vector<4000x16xf32>
    %get3A_2 = arith.constant 0 : index
    %get3A_3 = arith.constant 0 : index
    %get3A_4 = vector.load %arg2[%get3A_2, %get3A_3] : memref<16x128xf32, #tpu.memory_space<vmem>>, vector<16x128xf32>
    %dot_general3A = arith.constant dense<0.000000e+00> : vector<4000x128xf32>
    %dot_general3A_5 = tpu.matmul %get3A_1, %get3A_4, %dot_general3A {dimension_numbers = #tpu.dot_dimension_numbers<[1], [0], [0], [1], [0, 0, 1, 1], [], []>, precision = #tpu.contract_precision<fp32>, transpose_lhs_hint = false} : vector<4000x16xf32>, vector<16x128xf32>, vector<4000x128xf32> -> vector<4000x128xf32>
    %get3A_6 = arith.constant 0 : index
    %get3A_7 = arith.constant 0 : index
    %get3A_8 = vector.load %arg3[%get3A_6, %get3A_7] : memref<1x128xf32, #tpu.memory_space<vmem>>, vector<1x128xf32>
    %add3A = vector.broadcast %get3A_8 : vector<1x128xf32> to vector<4000x128xf32>
    %add3A_9 = arith.addf %dot_general3A_5, %add3A : vector<4000x128xf32>
    %swap3A = arith.constant 0 : index
    %swap3A_10 = arith.constant 0 : index
    %swap3A_11 = vector.load %arg4[%swap3A, %swap3A_10] : memref<4000x128xf32, #tpu.memory_space<vmem>>, vector<4000x128xf32>
    tpu.vector_store %arg4[%swap3A, %swap3A_10], %add3A_9 {strides = array<i32>} : memref<4000x128xf32, #tpu.memory_space<vmem>>, vector<4000x128xf32>,
    return
  }
  func.func @transform_0(%arg0: i32) -> (i32, i32) {
    %c0_i32 = arith.constant 0 : i32
    %c0_i32_0 = arith.constant 0 : i32
    return %arg0, %c0_i32 : i32, i32
  }
  func.func @transform_1(%arg0: i32) -> (i32, i32) {
    %c0_i32 = arith.constant 0 : i32
    %c0_i32_0 = arith.constant 0 : i32
    %c0_i32_1 = arith.constant 0 : i32
    return %c0_i32, %c0_i32_0 : i32, i32
  }
  func.func @transform_2(%arg0: i32) -> (i32, i32) {
    %c0_i32 = arith.constant 0 : i32
    %c0_i32_0 = arith.constant 0 : i32
    %c0_i32_1 = arith.constant 0 : i32
    return %c0_i32, %c0_i32_0 : i32, i32
  }
  func.func @transform_3(%arg0: i32) -> (i32, i32) {
    %c0_i32 = arith.constant 0 : i32
    %c0_i32_0 = arith.constant 0 : i32
    return %arg0, %c0_i32 : i32, i32
  }
}

module attributes {stable_mosaic.version = 14 : i64} {
  func.func @_gine_node_body(%arg0: i32, %arg1: memref<2048x128xf32, #tpu.memory_space<vmem>>, %arg2: memref<2x2048x128xf32, #tpu.memory_space<vmem>>, %arg3: memref<128x128xf32, #tpu.memory_space<vmem>>, %arg4: memref<1x128xf32, #tpu.memory_space<vmem>>, %arg5: memref<2048x128xf32, #tpu.memory_space<vmem>>) attributes {dimension_semantics = [#tpu.dimension_semantics<arbitrary>], iteration_bounds = array<i64: 5>, scalar_prefetch = 0 : i64, scratch_operands = 0 : i64, tpu.core_type = #tpu.core_type<tc>, window_params = [{transform_indices = @transform_0, window_bounds = array<i64: 2048, 128>}, {transform_indices = @transform_1, window_bounds = array<i64: 2, 2048, 128>}, {pipeline_mode = #tpu.pipeline_mode<synchronous>, transform_indices = @transform_2, window_bounds = array<i64: 128, 128>}, {pipeline_mode = #tpu.pipeline_mode<synchronous>, transform_indices = @transform_3, window_bounds = array<i64: 1, 128>}, {transform_indices = @transform_4, window_bounds = array<i64: 2048, 128>}]} {
    %get3A = arith.constant 0 : index
    %get3A_0 = arith.constant 0 : index
    %get3A_1 = vector.load %arg1[%get3A, %get3A_0] : memref<2048x128xf32, #tpu.memory_space<vmem>>, vector<2048x128xf32>
    %get3A_2 = arith.constant 0 : index
    %get3A_3 = arith.constant 0 : index
    %get3A_4 = arith.constant 0 : index
    %get3A_5 = vector.load %arg2[%get3A_2, %get3A_3, %get3A_4] : memref<2x2048x128xf32, #tpu.memory_space<vmem>>, vector<1x2048x128xf32>
    %get3A_6 = vector.shape_cast %get3A_5 : vector<1x2048x128xf32> to vector<2048x128xf32>
    %get3A_7 = arith.constant 1 : index
    %get3A_8 = arith.constant 0 : index
    %get3A_9 = arith.constant 0 : index
    %get3A_10 = vector.load %arg2[%get3A_7, %get3A_8, %get3A_9] : memref<2x2048x128xf32, #tpu.memory_space<vmem>>, vector<1x2048x128xf32>
    %get3A_11 = vector.shape_cast %get3A_10 : vector<1x2048x128xf32> to vector<2048x128xf32>
    %add3A = arith.addf %get3A_6, %get3A_11 : vector<2048x128xf32>
    %add3A_12 = arith.addf %get3A_1, %add3A : vector<2048x128xf32>
    %get3A_13 = arith.constant 0 : index
    %get3A_14 = arith.constant 0 : index
    %get3A_15 = vector.load %arg3[%get3A_13, %get3A_14] : memref<128x128xf32, #tpu.memory_space<vmem>>, vector<128x128xf32>
    %dot_general3A = arith.constant dense<0.000000e+00> : vector<2048x128xf32>
    %dot_general3A_16 = tpu.matmul %add3A_12, %get3A_15, %dot_general3A {dimension_numbers = #tpu.dot_dimension_numbers<[1], [0], [0], [1], [0, 0, 1, 1], [], []>, precision = #tpu.contract_precision<fp32>, transpose_lhs_hint = false} : vector<2048x128xf32>, vector<128x128xf32>, vector<2048x128xf32> -> vector<2048x128xf32>
    %get3A_17 = arith.constant 0 : index
    %get3A_18 = arith.constant 0 : index
    %get3A_19 = vector.load %arg4[%get3A_17, %get3A_18] : memref<1x128xf32, #tpu.memory_space<vmem>>, vector<1x128xf32>
    %add3A_20 = vector.broadcast %get3A_19 : vector<1x128xf32> to vector<2048x128xf32>
    %add3A_21 = arith.addf %dot_general3A_16, %add3A_20 : vector<2048x128xf32>
    %max3A = arith.constant 0.000000e+00 : f32
    %max3A_22 = vector.broadcast %max3A : f32 to vector<2048x128xf32>
    %max3A_23 = arith.maximumf %add3A_21, %max3A_22 : vector<2048x128xf32>
    %swap3A = arith.constant 0 : index
    %swap3A_24 = arith.constant 0 : index
    %swap3A_25 = vector.load %arg5[%swap3A, %swap3A_24] : memref<2048x128xf32, #tpu.memory_space<vmem>>, vector<2048x128xf32>
    tpu.vector_store %arg5[%swap3A, %swap3A_24], %max3A_23 {strides = array<i32>} : memref<2048x128xf32, #tpu.memory_space<vmem>>, vector<2048x128xf32>,
    return
  }
  func.func @transform_0(%arg0: i32) -> (i32, i32) {
    %c0_i32 = arith.constant 0 : i32
    %c0_i32_0 = arith.constant 0 : i32
    return %arg0, %c0_i32 : i32, i32
  }
  func.func @transform_1(%arg0: i32) -> (i32, i32, i32) {
    %c0_i32 = arith.constant 0 : i32
    %c0_i32_0 = arith.constant 0 : i32
    %c0_i32_1 = arith.constant 0 : i32
    return %c0_i32, %arg0, %c0_i32_0 : i32, i32, i32
  }
  func.func @transform_2(%arg0: i32) -> (i32, i32) {
    %c0_i32 = arith.constant 0 : i32
    %c0_i32_0 = arith.constant 0 : i32
    %c0_i32_1 = arith.constant 0 : i32
    return %c0_i32, %c0_i32_0 : i32, i32
  }
  func.func @transform_3(%arg0: i32) -> (i32, i32) {
    %c0_i32 = arith.constant 0 : i32
    %c0_i32_0 = arith.constant 0 : i32
    %c0_i32_1 = arith.constant 0 : i32
    return %c0_i32, %c0_i32_0 : i32, i32
  }
  func.func @transform_4(%arg0: i32) -> (i32, i32) {
    %c0_i32 = arith.constant 0 : i32
    %c0_i32_0 = arith.constant 0 : i32
    return %arg0, %c0_i32 : i32, i32
  }
}

module attributes {stable_mosaic.version = 14 : i64} {
  func.func @_final_body(%arg0: i32, %arg1: memref<2x2048x128xf32, #tpu.memory_space<vmem>>, %arg2: memref<2048x128xf32, #tpu.memory_space<vmem>>, %arg3: memref<2048x1xf32, #tpu.memory_space<vmem>>, %arg4: memref<1x128xf32, #tpu.memory_space<vmem>>, %arg5: memref<128x128xf32, #tpu.memory_space<vmem>>, %arg6: memref<1x128xf32, #tpu.memory_space<vmem>>, %arg7: memref<2048x40xf32, #tpu.memory_space<vmem>>) attributes {dimension_semantics = [#tpu.dimension_semantics<arbitrary>], iteration_bounds = array<i64: 5>, scalar_prefetch = 0 : i64, scratch_operands = 0 : i64, tpu.core_type = #tpu.core_type<tc>, window_params = [{transform_indices = @transform_0, window_bounds = array<i64: 2, 2048, 128>}, {transform_indices = @transform_1, window_bounds = array<i64: 2048, 128>}, {transform_indices = @transform_2, window_bounds = array<i64: 2048, 1>}, {pipeline_mode = #tpu.pipeline_mode<synchronous>, transform_indices = @transform_3, window_bounds = array<i64: 1, 128>}, {pipeline_mode = #tpu.pipeline_mode<synchronous>, transform_indices = @transform_4, window_bounds = array<i64: 128, 128>}, {pipeline_mode = #tpu.pipeline_mode<synchronous>, transform_indices = @transform_5, window_bounds = array<i64: 1, 128>}, {transform_indices = @transform_6, window_bounds = array<i64: 2048, 40>}]} {
    %get3A = arith.constant 0 : index
    %get3A_0 = arith.constant 0 : index
    %get3A_1 = vector.load %arg3[%get3A, %get3A_0] : memref<2048x1xf32, #tpu.memory_space<vmem>>, vector<2048x1xf32>
    %get3A_2 = arith.constant 0 : index
    %get3A_3 = arith.constant 0 : index
    %get3A_4 = arith.constant 0 : index
    %get3A_5 = vector.load %arg1[%get3A_2, %get3A_3, %get3A_4] : memref<2x2048x128xf32, #tpu.memory_space<vmem>>, vector<1x2048x128xf32>
    %get3A_6 = vector.shape_cast %get3A_5 : vector<1x2048x128xf32> to vector<2048x128xf32>
    %get3A_7 = arith.constant 1 : index
    %get3A_8 = arith.constant 0 : index
    %get3A_9 = arith.constant 0 : index
    %get3A_10 = vector.load %arg1[%get3A_7, %get3A_8, %get3A_9] : memref<2x2048x128xf32, #tpu.memory_space<vmem>>, vector<1x2048x128xf32>
    %get3A_11 = vector.shape_cast %get3A_10 : vector<1x2048x128xf32> to vector<2048x128xf32>
    %add3A = arith.addf %get3A_6, %get3A_11 : vector<2048x128xf32>
    %mul3A = vector.broadcast %get3A_1 : vector<2048x1xf32> to vector<2048x128xf32>
    %mul3A_12 = arith.mulf %mul3A, %add3A : vector<2048x128xf32>
    %mul3A_13 = arith.mulf %get3A_1, %get3A_1 : vector<2048x1xf32>
    %get3A_14 = arith.constant 0 : index
    %get3A_15 = arith.constant 0 : index
    %get3A_16 = vector.load %arg2[%get3A_14, %get3A_15] : memref<2048x128xf32, #tpu.memory_space<vmem>>, vector<2048x128xf32>
    %mul3A_17 = vector.broadcast %mul3A_13 : vector<2048x1xf32> to vector<2048x128xf32>
    %mul3A_18 = arith.mulf %mul3A_17, %get3A_16 : vector<2048x128xf32>
    %add3A_19 = arith.addf %mul3A_12, %mul3A_18 : vector<2048x128xf32>
    %get3A_20 = arith.constant 0 : index
    %get3A_21 = arith.constant 0 : index
    %get3A_22 = vector.load %arg4[%get3A_20, %get3A_21] : memref<1x128xf32, #tpu.memory_space<vmem>>, vector<1x128xf32>
    %add3A_23 = vector.broadcast %get3A_22 : vector<1x128xf32> to vector<2048x128xf32>
    %add3A_24 = arith.addf %add3A_19, %add3A_23 : vector<2048x128xf32>
    %max3A = arith.constant 0.000000e+00 : f32
    %max3A_25 = vector.broadcast %max3A : f32 to vector<2048x128xf32>
    %max3A_26 = arith.maximumf %add3A_24, %max3A_25 : vector<2048x128xf32>
    %get3A_27 = arith.constant 0 : index
    %get3A_28 = arith.constant 0 : index
    %get3A_29 = vector.load %arg5[%get3A_27, %get3A_28] : memref<128x128xf32, #tpu.memory_space<vmem>>, vector<128x128xf32>
    %dot_general3A = arith.constant dense<0.000000e+00> : vector<2048x128xf32>
    %dot_general3A_30 = tpu.matmul %max3A_26, %get3A_29, %dot_general3A {dimension_numbers = #tpu.dot_dimension_numbers<[1], [0], [0], [1], [0, 0, 1, 1], [], []>, precision = #tpu.contract_precision<fp32>, transpose_lhs_hint = false} : vector<2048x128xf32>, vector<128x128xf32>, vector<2048x128xf32> -> vector<2048x128xf32>
    %get3A_31 = arith.constant 0 : index
    %get3A_32 = arith.constant 0 : index
    %get3A_33 = vector.load %arg6[%get3A_31, %get3A_32] : memref<1x128xf32, #tpu.memory_space<vmem>>, vector<1x128xf32>
    %add3A_34 = vector.broadcast %get3A_33 : vector<1x128xf32> to vector<2048x128xf32>
    %add3A_35 = arith.addf %dot_general3A_30, %add3A_34 : vector<2048x128xf32>
    %reduce_max3A = arith.constant dense<0xFF800000> : vector<2048xf32>
    %reduce_max3A_36 = vector.multi_reduction <maximumf>, %add3A_35, %reduce_max3A [1] : vector<2048x128xf32> to vector<2048xf32>
    %broadcast_in_dim3A = vector.shape_cast %reduce_max3A_36 : vector<2048xf32> to vector<2048x1xf32>
    %sub3A = vector.broadcast %broadcast_in_dim3A : vector<2048x1xf32> to vector<2048x128xf32>
    %sub3A_37 = arith.subf %add3A_35, %sub3A : vector<2048x128xf32>
    %exp3A = math.exp %sub3A_37 : vector<2048x128xf32>
    %reduce_sum3A = arith.constant dense<0.000000e+00> : vector<2048xf32>
    %reduce_sum3A_38 = vector.multi_reduction <add>, %exp3A, %reduce_sum3A [1] : vector<2048x128xf32> to vector<2048xf32>
    %broadcast_in_dim3A_39 = vector.shape_cast %reduce_sum3A_38 : vector<2048xf32> to vector<2048x1xf32>
    %log3A = math.log %broadcast_in_dim3A_39 : vector<2048x1xf32>
    %add3A_40 = arith.addf %broadcast_in_dim3A, %log3A : vector<2048x1xf32>
    %sub3A_41 = vector.broadcast %add3A_40 : vector<2048x1xf32> to vector<2048x128xf32>
    %sub3A_42 = arith.subf %add3A_35, %sub3A_41 : vector<2048x128xf32>
    %slice3A = vector.extract_strided_slice %sub3A_42 {offsets = [0, 0], sizes = [2048, 40], strides = [1, 1]} : vector<2048x128xf32> to vector<2048x40xf32>
    %swap3A = arith.constant 0 : index
    %swap3A_43 = arith.constant 0 : index
    %swap3A_44 = vector.load %arg7[%swap3A, %swap3A_43] : memref<2048x40xf32, #tpu.memory_space<vmem>>, vector<2048x40xf32>
    tpu.vector_store %arg7[%swap3A, %swap3A_43], %slice3A {strides = array<i32>} : memref<2048x40xf32, #tpu.memory_space<vmem>>, vector<2048x40xf32>,
    return
  }
  func.func @transform_0(%arg0: i32) -> (i32, i32, i32) {
    %c0_i32 = arith.constant 0 : i32
    %c0_i32_0 = arith.constant 0 : i32
    %c0_i32_1 = arith.constant 0 : i32
    return %c0_i32, %arg0, %c0_i32_0 : i32, i32, i32
  }
  func.func @transform_1(%arg0: i32) -> (i32, i32) {
    %c0_i32 = arith.constant 0 : i32
    %c0_i32_0 = arith.constant 0 : i32
    return %arg0, %c0_i32 : i32, i32
  }
  func.func @transform_2(%arg0: i32) -> (i32, i32) {
    %c0_i32 = arith.constant 0 : i32
    %c0_i32_0 = arith.constant 0 : i32
    return %arg0, %c0_i32 : i32, i32
  }
  func.func @transform_3(%arg0: i32) -> (i32, i32) {
    %c0_i32 = arith.constant 0 : i32
    %c0_i32_0 = arith.constant 0 : i32
    %c0_i32_1 = arith.constant 0 : i32
    return %c0_i32, %c0_i32_0 : i32, i32
  }
  func.func @transform_4(%arg0: i32) -> (i32, i32) {
    %c0_i32 = arith.constant 0 : i32
    %c0_i32_0 = arith.constant 0 : i32
    %c0_i32_1 = arith.constant 0 : i32
    return %c0_i32, %c0_i32_0 : i32, i32
  }
  func.func @transform_5(%arg0: i32) -> (i32, i32) {
    %c0_i32 = arith.constant 0 : i32
    %c0_i32_0 = arith.constant 0 : i32
    %c0_i32_1 = arith.constant 0 : i32
    return %c0_i32, %c0_i32_0 : i32, i32
  }
  func.func @transform_6(%arg0: i32) -> (i32, i32) {
    %c0_i32 = arith.constant 0 : i32
    %c0_i32_0 = arith.constant 0 : i32
    return %arg0, %c0_i32 : i32, i32
  }
}

</mosaic_0001>

<sc_bundles>
// kernel: kernel.10.cloned.1.call-start
scs
__scs_entry_jumppad:
0x0: {  	(pc) =	sbr.rel $0x88, $3  }
0x1: {  	(tag) =	ssettag $0x0;
	lr =	simm.s32 $0x1  }
0x2: {  	[smem:$0x3F92] =	sst lr;
	_ =	strace $0xD0000000  }
0x3: {  	_ = 	snop  }
0x4: {  	_ = 	snop  }
0x5: {  	_ = 	snop  }
0x6: {  	_ = 	snop  }
0x7: {  	_ = 	snop  }
__scs_overlays_trampoline_lowered:
0x8: {  	[smem:$0x3FA1] =	sst s0  }
0x9: {  	[smem:$0x3FA2] =	sst s1  }
0xa: {  	[smem:$0x3FA3] =	sst s2  }
0xb: {  	[smem:$0x3FA4] =	sst s3  }
0xc: {  	[smem:$0x3FA5] =	sst s4  }
0xd: {  	[smem:$0x3FA6] =	sst s5  }
0xe: {  	[smem:$0x3FA7] =	sst s6  }
0xf: {  	[smem:$0x3FA8] =	sst s7  }
0x10: {  	[smem:$0x3FA9] =	sst s8  }
0x11: {  	[smem:$0x3FAA] =	sst s9;
	s0 =	simm.s32 @!p0 $0x0  }
0x12: {  	s1 =	sld [smem:$0x3F90];
	s0 =	simm.s32 @p0 $0x1  }
0x13: {  	[smem:$0x3FAB] =	sst s0;
	s0 =	simm.s32 @!p1 $0x0  }
0x14: {  	s2 =	sld [smem:$0x3F8F];
	s0 =	simm.s32 @p1 $0x1  }
0x15: {  	[smem:$0x3FAC] =	sst s0;
	s0 =	simm.s32 @!p2 $0x0  }
0x16: {  	s3 =	sld [smem:$0x3FDB];
	s0 =	simm.s32 @p2 $0x1  }
0x17: {  	s4 =	simm.s32 $0x1BF5;
	[smem:$0x3FAE] =	sst s0  }
0x18: {  	s0 =	sld [smem:$0x3F91];
	_ =	swait.ge [sflag:s4], $0x0  }
0x19: {  	s7 =	sld [smem:$0x3F92]  }
0x1a: {  	s8 =	sadd.s32 $0xFFFFE003, lr  }
0x1b: {  	s9 =	sadd.s32 $0xFFFFFEF7, lr;
	s5 =	simm.s32 $0xFFFFFFFF;
	p2 =	slt.u32 s8, $0xFFFFF086  }
0x1c: {  	p1 =	slt.u32 s9, $0xF7A;
	s5 =	simm.s32 @!p2 $0x0  }
0x1d: {  	s5 =	simm.s32 @p1 $0x1;
	p0 =	seq.s32 s7, s2  }
0x1e: {  	s7 =	smul.u32 @!p0 $0xF7A, s2;
	p2 =	seq.s32 @!p0 s5, $0x0  }
0x1f: {  	s9 =	smul.u32 $0xF7A, s1;
	s8 =	simm.s32 @!p0 $0x1BF5;
	p2 =	por !p2, p0  }
0x20: {  	[sflag:s8] =	ssyncset.s32 @!p0 $0xFFFFF086;
	s6 =	sadd.s32 @!p0 s3, s7;
	s7 =	simm.s32 @!p0 $0x108  }
0x21: {  	s3 =	sadd.s32 s3, s9;
	s6 =	sadd.s32 @!p0 $0x88, s6;
	s7 =	simm.s32 @p2 $0x1082  }
0x22: {  	[simem:s7], [sflag:s8] =	dma.local @!p0 [hbm:s6], $0xF7A  }
0x23: {  	s9 =	sor.u32 $0xD0000000, s2;
	s6 =	simm.s32 $0x108;
	_ =	swait.ge @!p0 [sflag:s8], $0x0  }
0x24: {  	s3 =	sadd.s32 $0x88, s3;
	s6 =	simm.s32 @!p1 $0x1082;
	[sflag:s4] =	ssyncset.s32 $0xFFFFF086  }
0x25: {  	[simem:s6], [sflag:s4] =	dma.local [hbm:s3], $0xF7A  }
0x26: {  	[smem:$0x3F92] =	sst s1;
	(tag) =	ssettag s2;
	_ =	strace s9  }
0x27: {  	s1 =	sld [smem:$0x3FA2]  }
0x28: {  	s2 =	sld [smem:$0x3FA3]  }
0x29: {  	s4 =	sld [smem:$0x3FA5]  }
0x2a: {  	p0 =	seq.s32 s5, $0x0;
	s5 =	sld [smem:$0x3FA6]  }
0x2b: {  	s6 =	sld [smem:$0x3FA7]  }
0x2c: {  	s7 =	sld [smem:$0x3FA8]  }
0x2d: {  	s3 =	simm.s32 $0x108;
	s8 =	sld [smem:$0x3FA9]  }
0x2e: {  	s3 =	simm.s32 @!p0 $0x1082;
	s9 =	sld [smem:$0x3FAA]  }
0x2f: {  	lr =	sadd.s32 s0, s3;
	s0 =	sld [smem:$0x3FA1]  }
0x30: {  	s3 =	sld [smem:$0x3FA4]  }
0x31: {  	[smem:$0x3FAD] =	sst s10  }
0x32: {  	s10 =	sld [smem:$0x3FAB];
	_ =	sdelay $0x3  }
0x33: {  	p0 =	seq.s32 s10, $0x1;
	s10 =	sld [smem:$0x3FAD];
	_ =	sdelay $0x3  }
0x34: {  	[smem:$0x3FAD] =	sst s10  }
0x35: {  	s10 =	sld [smem:$0x3FAC];
	_ =	sdelay $0x3  }
0x36: {  	p1 =	seq.s32 s10, $0x1;
	s10 =	sld [smem:$0x3FAD];
	_ =	sdelay $0x3  }
0x37: {  	[smem:$0x3FAD] =	sst s10  }
0x38: {  	s10 =	sld [smem:$0x3FAE]  }
0x39: {  	_ = 	snop;
	(pc) =	sbr.ind lr, $3  }
0x3a: {  	_ = 	snop  }
0x3b: {  	_ = 	snop  }
0x3c: {  	p2 =	seq.s32 s10, $0x1;
	s10 =	sld [smem:$0x3FAD]  }
0x3d: {  	_ =	shalt  }
0x3e: {  	_ =	shalt  }
0x3f: {  	_ =	shalt  }
0x40: {  	_ =	shalt  }
0x41: {  	_ =	shalt  }
0x42: {  	_ =	shalt  }
0x43: {  	_ =	shalt  }
0x44: {  	_ =	shalt  }
0x45: {  	_ =	shalt  }
0x46: {  	_ =	shalt  }
0x47: {  	_ =	shalt  }
0x48: {  	_ =	shalt  }
0x49: {  	_ =	shalt  }
0x4a: {  	_ =	shalt  }
0x4b: {  	_ =	shalt  }
0x4c: {  	_ =	shalt  }
0x4d: {  	_ =	shalt  }
0x4e: {  	_ =	shalt  }
0x4f: {  	_ =	shalt  }
0x50: {  	_ =	shalt  }
0x51: {  	_ =	shalt  }
0x52: {  	_ =	shalt  }
0x53: {  	_ =	shalt  }
0x54: {  	_ =	shalt  }
0x55: {  	_ =	shalt  }
0x56: {  	_ =	shalt  }
0x57: {  	_ =	shalt  }
0x58: {  	_ =	shalt  }
0x59: {  	_ =	shalt  }
0x5a: {  	_ =	shalt  }
0x5b: {  	_ =	shalt  }
0x5c: {  	_ =	shalt  }
0x5d: {  	_ =	shalt  }
0x5e: {  	_ =	shalt  }
0x5f: {  	_ =	shalt  }
0x60: {  	_ =	shalt  }
0x61: {  	_ =	shalt  }
0x62: {  	_ =	shalt  }
0x63: {  	_ =	shalt  }
0x64: {  	_ =	shalt  }
0x65: {  	_ =	shalt  }
0x66: {  	_ =	shalt  }
0x67: {  	_ =	shalt  }
0x68: {  	_ =	shalt  }
0x69: {  	_ =	shalt  }
0x6a: {  	_ =	shalt  }
0x6b: {  	_ =	shalt  }
0x6c: {  	_ =	shalt  }
0x6d: {  	_ =	shalt  }
0x6e: {  	_ =	shalt  }
0x6f: {  	_ =	shalt  }
0x70: {  	_ =	shalt  }
0x71: {  	_ =	shalt  }
0x72: {  	_ =	shalt  }
0x73: {  	_ =	shalt  }
0x74: {  	_ =	shalt  }
0x75: {  	_ =	shalt  }
0x76: {  	_ =	shalt  }
0x77: {  	_ =	shalt  }
0x78: {  	_ =	shalt  }
0x79: {  	_ =	shalt  }
0x7a: {  	_ =	shalt  }
0x7b: {  	_ =	shalt  }
0x7c: {  	_ =	shalt  }
0x7d: {  	_ =	shalt  }
0x7e: {  	_ =	shalt  }
0x7f: {  	_ =	shalt  }
0x80: {  	_ =	shalt  }
0x81: {  	_ =	shalt  }
0x82: {  	_ =	shalt  }
0x83: {  	_ =	shalt  }
0x84: {  	_ =	shalt  }
0x85: {  	_ =	shalt  }
0x86: {  	_ =	shalt  }
0x87: {  	_ =	shalt  }
.Lfunc_end0:
.L_simem_size_0:
called_computation_lowered:
.L_overlay_start_0:
0x88: {  	s2 =	sld [smem:$0x3FD9]  }
0x89: {  	s3 =	sld [smem:$0x3FFE];
	_ =	sdelay $0x1  }
0x8a: {  	s1 =	srdreg.scid  }
0x8b: {  	s0 =	sand.u32 $0x1, s1  }
0x8c: {  	s17 =	sshll.u32 s0, $0xA;
	s2 =	sadd.s32 s3, s2  }
0x8d: {  	s2 =	sadd.s32 s2, s17  }
0x8e: {  	[smem:$0x3FB9] =	sst s2  }
0x8f: {  	_ = 	snop  }
0x90: {  	s2 =	sld [smem:$0x3FC9]  }
0x91: {  	s18 =	sld [smem:$0x3FC8]  }
0x92: {  	s4 =	sld [smem:$0x3FD0];
	(tm) =	ssettm $0x1  }
0x93: {  	s5 =	sld [smem:$0x3FFB];
	_ =	sdelay $0x3  }
0x94: {  	_ =	strace s5  }
0x95: {  	s5 =	sld [smem:$0x3FFC];
	_ =	sdelay $0x3  }
0x96: {  	_ =	strace s5  }
0x97: {  	s5 =	sld [smem:$0x3FFD];
	_ =	sdelay $0x3  }
0x98: {  	_ =	strace s5  }
0x99: {  	_ =	strace $0x8FFFFFFF  }
0x9a: {  	s19 =	sld [smem:$0x3FDB];
	_ =	sdelay $0x1  }
0x9b: {  	s6 =	simm.s32 $_scs_section_size  }
0x9c: {  	s7 =	simm.s32 $_size__tile_overlayer_lowered;
	s8 =	simm.s32 $_tile_overlayer_lowered  }
0x9d: {  	s22 =	simm.s32 $0x1BFF;
	s21 =	sshll.u32 s8, $0x1;
	s5 =	sadd.s32 s6, s19  }
0x9e: {  	s9 =	simm.s32 $0x0;
	s20 =	sshll.u32 s7, $0x1;
	s7 =	sadd.s32 s21, s5  }
0x9f: {  	[timem:s9], [sflag:s22] =	dma.local [hbm:s7], s20  }
0xa0: {  	_ =	swait.ge [sflag:s22], s20  }
0xa1: {  	s6 =	ssub.s32 $0x0, s20;
	[sflag:s22] =	ssyncset.done $0x0  }
0xa2: {  	[sflag:s22] =	ssyncadd.s32 s6;
	_ =	sdelay $0x1  }
0xa3: {  	s23 =	simm.s32 $0x1B8B  }
0xa4: {  	_ =	swait.ge [sflag:s23], $0x1  }
0xa5: {  	[sflag:s23] =	ssyncset.done $0x0  }
0xa6: {  	s25 =	simm.s32 $0x1B8E;
	s24 =	sld [smem:$0x3FFE];
	[sflag:s23] =	ssyncadd.s32 $0xFFFFFFFF  }
0xa7: {  	s26 =	simm.s32 $execute0_lowered;
	[smem:$0x3FD2] =	sst s25  }
0xa8: {  	s7 =	sshll.u32 s26, $0x1;
	_ =	strace $0x80000046;
	[dreg:$0x1] =	wrdreg $0xFFFFFFFF  }
0xa9: {  	s28 =	simm.s32 $_size_execute0_lowered;
	s5 =	sadd.s32 s5, s7;
	[dreg:$0x0] =	wrdreg $0x0  }
0xaa: {  	s7 =	sshll.u32 s28, $0x1;
	[dreg:$0x2] =	wrdreg s5  }
0xab: {  	[dreg:$0x3] =	wrdreg s7  }
0xac: {  	[dreg:$0x4] =	wrdreg $0xC0  }
0xad: {  	_ =	task [dreg:s9], $0x5FFFF  }
0xae: {  	[dreg:$0x1] =	wrdreg $0xFFFFFFFF  }
0xaf: {  	[dreg:$0x0] =	wrdreg $0x60  }
0xb0: {  	[dreg:$0x2] =	wrdreg s2  }
0xb1: {  	[dreg:$0x3] =	wrdreg s24  }
0xb2: {  	[dreg:$0x4] =	wrdreg s18  }
0xb3: {  	[dreg:$0x5] =	wrdreg s4  }
0xb4: {  	[dreg:$0x6] =	wrdreg $0xAC800  }
0xb5: {  	[dreg:$0x7] =	wrdreg $0x9  }
0xb6: {  	_ =	task.clear_ibuf [dreg:s9], $0x8FFFF;
	_ =	strace $0x90000046  }
0xb7: {  	s29 =	simm.s32 $0x9;
	_ =	strace $0x80000048  }
0xb8: {  	_ =	swait.ge [sflag:s29], $0x1  }
0xb9: {  	[sflag:s29] =	ssyncadd.s32 $0xFFFFFFFF  }
0xba: {  	_ =	strace $0x90000048  }
0xbb: {  	_ =	sfence  }
0xbc: {  	s30 =	sld [smem:$0x0];
	_ =	sdelay $0x2  }
0xbd: {  	s31 =	sshll.u32 s1, $0xD;
	s1 =	sshrl.u32 s1, $0x2  }
0xbe: {  	s3 =	sand.u32 $0x4000, s31;
	s1 =	sadd.s32 s1, s30  }
0xbf: {  	s0 =	sor.u32 s3, s0;
	s1 =	sshll.u32 s1, $0x11  }
0xc0: {  	s0 =	sor.u32 s1, s0  }
0xc1: {  	s0 =	sadd.s32 $0x8F2B, s0  }
0xc2: {  	[sflag:s0] =	ssyncadd.remote.s32 $0x1  }
0xc3: {  	_ =	sfence.sel $0xFFFF  }
0xc4: {  	[dreg:$0x0] =	wrdreg $0xFFFFFFFF;
	(pc) =	sbr.abs _section_cstart, $3  }
0xc5: {  	[dreg:$0x1] =	wrdreg $0xFFFFFFFF  }
0xc6: {  	_ =	task.clear_ibuf [dreg:s9], $0x2FFFF;
	_ =	strace $0x9FFFFFFF  }
0xc7: {  	(tm) =	ssettm $0x7FFFFFFF  }
tec
execute0_lowered:
.L_overlay_start_1:
0x0: {  	(tag) =	ssettag $0x1  }
0x1: {  	s1 =	rddreg [dreg:$0x0]  }
0x2: {  	s8 =	rddreg [dreg:$0x1]  }
0x3: {  	s2 =	rddreg [dreg:$0x2]  }
0x4: {  	s10 =	rddreg [dreg:$0x3]  }
0x5: {  	s3 =	rddreg [dreg:$0x4];
	s4 =	srdreg.scid  }
0x6: {  	s0 =	rddreg [dreg:$0x5];
	s5 =	simm.s32 $0x0;
	s15 =	simm.s32 $0x100  }
0x7: {  	s16 =	simm.s32 $0x4100;
	s17 =	simm.s32 $0x1;
	s18 =	simm.s32 $0x2  }
0x8: {  	s19 =	simm.s32 $0x8500;
	s9 =	sand.u32 $0x1, s4;
	s4 =	stileid.u32  }
0x9: {  	s20 =	simm.s32 $0x400;
	[smem:$0x7FF] =	sst s5;
	s11 =	smul.u32 $0x13C000, s9  }
0xa: {  	s6 =	sadd.s32 $0x4E5600, s8;
	s12 =	smul.u32 $0x13C00, s4;
	s7 =	sshll.u32 s9, $0x4  }
0xb: {  	_ =	strace $0x80000047;
	s25 =	smul.u32 $0x4F000, s4;
	s7 =	sor.u32 s4, s7  }
0xc: {  	s14 =	sshll.u32 s4, $0x7;
	s26 =	ssub.s32 $0x2, s9;
	s13 =	sshrl.u32 s7, $0x3  }
0xd: {  	s28 =	sand.u32 $0x380, s14;
	s29 =	sshrl.u32 s26, $0x1;
	s13 =	smul.u32 $0x13C00, s13  }
.Ltmp0:
0xe: {  	s14 =	simm.s32 $0x80;
	s11 =	sadd.s32 s12, s11;
	(pc) =	sbr.rel .LBB2_1-.Ltmp0, $4  }
0xf: {  	s12 =	sshrl.u32 s25, $0x2;
	s30 =	ssub.s32 s26, s29;
	s11 =	sshrl.u32 s11, $0x3  }
0x10: {  	s11 =	sadd.s32 s11, s8;
	s8 =	sadd.s32 s12, s3;
	s9 =	sor.u32 s28, s13  }
0x11: {  	s12 =	simm.s32 $0x8100;
	s13 =	simm.s32 $0x3;
	s31 =	sshrl.u32 s9, $0x3  }
0x12: {  	v0 =	vimm.f32 $0.0e+00;
	v1 =	vimm.f32 $1.000000000e+00;
	s9 =	sadd.s32 $0x9C7600, s11;
	s11 =	smax.u32 s30, $0x1;
	s10 =	sadd.s32 s10, s31  }
.LBB2_11:
0x13: {  	s21 =	sshll.u32 s4, $0x6  }
0x14: {  	[bflag:$0x0] =	sbarrier.arrive $0xFFFF;
	s22 =	sshrl.u32 s8, $0x3;
	s21 =	sor.u32 $0x1C03, s21  }
0x15: {  	[hbm:s9], [sflag:s21] =	dma.local [spmem:s22], $0x2780  }
0x16: {  	s5 =	sadd.s32 $0x1, s5;
	_ =	swait.ge [sflag:s13], $0x2780  }
0x17: {  	p0 =	sne.s32 s5, s11;
	[sflag:s13] =	ssyncset.done $0x0  }
.Ltmp1:
0x18: {  	[sflag:s13] =	ssyncadd.s32 $0xFFFFD880;
	(pc) =	sbr.rel @!p0 .LBB2_12-.Ltmp1, $4  }
0x19: {  	[hbm4b:s10+s14] =	stream.strided.scatter [tilespmem:s19], [sflag:$0x3], $0x2780, s20, s14, $0x38;
	[tilespmem:$0x1E880] =	vst v63  }
0x1a: {  	_ =	swait.ge [sflag:s13], $0x2780  }
0x1b: {  	[sflag:s13] =	ssyncset.done $0x0  }
0x1c: {  	[sflag:s13] =	ssyncadd.s32 $0xFFFFD880  }
.LBB2_1:
0x1d: {  	[tilespmem:$0x8100] =	vst v0  }
0x1e: {  	[tilespmem:$0x8110] =	vst v0  }
0x1f: {  	[tilespmem:$0x8120] =	vst v0  }
0x20: {  	[tilespmem:$0x8130] =	vst v0  }
0x21: {  	[tilespmem:$0x8140] =	vst v0  }
0x22: {  	[tilespmem:$0x8150] =	vst v0  }
0x23: {  	[tilespmem:$0x8160] =	vst v0  }
0x24: {  	[tilespmem:$0x8170] =	vst v0  }
0x25: {  	[tilespmem:$0x8180] =	vst v0  }
0x26: {  	[tilespmem:$0x8190] =	vst v0  }
0x27: {  	[tilespmem:$0x81A0] =	vst v0  }
0x28: {  	[tilespmem:$0x81B0] =	vst v0  }
0x29: {  	[tilespmem:$0x81C0] =	vst v0  }
0x2a: {  	[tilespmem:$0x81D0] =	vst v0  }
0x2b: {  	[tilespmem:$0x81E0] =	vst v0  }
0x2c: {  	[tilespmem:$0x81F0] =	vst v0  }
0x2d: {  	[tilespmem:$0x8200] =	vst v0  }
0x2e: {  	[tilespmem:$0x8210] =	vst v0  }
0x2f: {  	[tilespmem:$0x8220] =	vst v0  }
0x30: {  	[tilespmem:$0x8230] =	vst v0  }
0x31: {  	[tilespmem:$0x8240] =	vst v0  }
0x32: {  	[tilespmem:$0x8250] =	vst v0  }
0x33: {  	[tilespmem:$0x8260] =	vst v0  }
0x34: {  	[tilespmem:$0x8270] =	vst v0  }
0x35: {  	[tilespmem:$0x8280] =	vst v0  }
0x36: {  	[tilespmem:$0x8290] =	vst v0  }
0x37: {  	[tilespmem:$0x82A0] =	vst v0  }
0x38: {  	[tilespmem:$0x82B0] =	vst v0  }
0x39: {  	[tilespmem:$0x82C0] =	vst v0  }
0x3a: {  	[tilespmem:$0x82D0] =	vst v0  }
0x3b: {  	[tilespmem:$0x82E0] =	vst v0  }
0x3c: {  	[tilespmem:$0x82F0] =	vst v0  }
0x3d: {  	[tilespmem:$0x8300] =	vst v0  }
0x3e: {  	[tilespmem:$0x8310] =	vst v0  }
0x3f: {  	[tilespmem:$0x8320] =	vst v0  }
0x40: {  	[tilespmem:$0x8330] =	vst v0  }
0x41: {  	[tilespmem:$0x8340] =	vst v0  }
0x42: {  	[tilespmem:$0x8350] =	vst v0  }
0x43: {  	[tilespmem:$0x8360] =	vst v0  }
0x44: {  	[tilespmem:$0x8370] =	vst v0  }
0x45: {  	[tilespmem:$0x8380] =	vst v0  }
0x46: {  	[tilespmem:$0x8390] =	vst v0  }
0x47: {  	[tilespmem:$0x83A0] =	vst v0  }
0x48: {  	[tilespmem:$0x83B0] =	vst v0  }
0x49: {  	[tilespmem:$0x83C0] =	vst v0  }
0x4a: {  	[tilespmem:$0x83D0] =	vst v0  }
0x4b: {  	[tilespmem:$0x83E0] =	vst v0  }
0x4c: {  	[tilespmem:$0x83F0] =	vst v0  }
0x4d: {  	[tilespmem:$0x8400] =	vst v0  }
0x4e: {  	[tilespmem:$0x8410] =	vst v0  }
0x4f: {  	[tilespmem:$0x8420] =	vst v0  }
0x50: {  	[tilespmem:$0x8430] =	vst v0  }
0x51: {  	[tilespmem:$0x8440] =	vst v0  }
0x52: {  	[tilespmem:$0x8450] =	vst v0  }
0x53: {  	[tilespmem:$0x8460] =	vst v0  }
0x54: {  	[tilespmem:$0x8470] =	vst v0  }
0x55: {  	[tilespmem:$0x8480] =	vst v0  }
0x56: {  	[tilespmem:$0x8490] =	vst v0  }
0x57: {  	[tilespmem:$0x84A0] =	vst v0  }
0x58: {  	[tilespmem:$0x84B0] =	vst v0  }
0x59: {  	[tilespmem:$0x84C0] =	vst v0  }
0x5a: {  	[tilespmem:$0x84D0] =	vst v0  }
0x5b: {  	[tilespmem:$0x84E0] =	vst v0  }
0x5c: {  	[tilespmem:$0x84F0] =	vst v0;
	s21 =	simm.s32 $0x0  }
.LBB2_2:
0x5d: {  	p0 =	sne.s32 s21, $0x9DC0  }
.Ltmp2:
0x5e: {  	_ = 	snop;
	(pc) =	sbr.rel @p0 .LBB2_2-.Ltmp2, $3  }
0x5f: {  	_ =	sdelay $0x1  }
0x60: {  	s22 =	sshra.s32 s21, $0x2  }
0x61: {  	s21 =	sadd.s32 $0x40, s21;
	[tilespmem:s22+$0x8500] =	vst v0  }
0x62: {  	s21 =	sadd.s32 $0x0, s8  }
0x63: {  	[spmem:s21] =	stream.linear.scatter [tilespmem:s12], [sflag:$0x3], $0x400, $0x38;
	[tilespmem:$0x1E880] =	vst v63  }
0x64: {  	s21 =	simm.s32 $0x1000;
	_ =	swait.ge [sflag:s13], $0x400  }
.LBB2_4:
0x65: {  	s22 =	sshra.s32 s21, $0x2;
	[sflag:s13] =	ssyncset.done $0x0;
	p0 =	sne.s32 s21, $0x4E000  }
.Ltmp3:
0x66: {  	s22 =	sadd.s32 s22, s8;
	[sflag:s13] =	ssyncadd.s32 $0xFFFFFC00;
	(pc) =	sbr.rel @p0 .LBB2_4-.Ltmp3, $3  }
0x67: {  	[spmem:s22] =	stream.linear.scatter [tilespmem:s12], [sflag:$0x3], $0x400, $0x38;
	[tilespmem:$0x1E880] =	vst v63  }
0x68: {  	s21 =	sadd.s32 $0x1000, s21;
	_ =	sdelay $0x1  }
0x69: {  	_ =	swait.ge [sflag:s13], $0x400  }
.Ltmp4:
0x6a: {  	(pc) =	sbr.rel .LBB2_6-.Ltmp4, $4  }
0x6b: {  	[sflag:s13] =	ssyncset.done $0x0  }
0x6c: {  	[sflag:s13] =	ssyncadd.s32 $0xFFFFFC00  }
0x6d: {  	[bflag:$0x0] =	sbarrier.arrive $0xFFFF  }
0x6e: {  	s21 =	simm.s32 $0x0  }
.LBB2_10:
0x6f: {  	s21 =	sadd.s32 $0x1, s21  }
0x70: {  	p0 =	sne.s32 s21, $0x4F  }
.Ltmp5:
0x71: {  	_ = 	snop;
	(pc) =	sbr.rel @!p0 .LBB2_11-.Ltmp5, $1  }
0x72: {  	_ =	sdelay $0x3  }
.LBB2_6:
0x73: {  	s22 =	sshll.u32 s21, $0x5  }
0x74: {  	s22 =	sor.u32 s7, s22  }
0x75: {  	p0 =	sgt.u32 s22, $0x9C3  }
.Ltmp6:
0x76: {  	_ = 	snop;
	(pc) =	sbr.rel @p0 .LBB2_10-.Ltmp6, $1  }
0x77: {  	_ =	sdelay $0x3  }
0x78: {  	s23 =	sshll.u32 s22, $0x5  }
0x79: {  	s24 =	simm.s32 $0x0;
	s23 =	sadd.s32 s2, s23  }
0x7a: {  	[tilespmem:s24], [sflag:$0x3] =	stream.linear.gather [hbm4b:s23+s24], $0x100, $0x38;
	[tilespmem:$0x1E880] =	vst v63  }
0x7b: {  	_ =	swait.ge [sflag:s13], $0x100  }
0x7c: {  	[sflag:s13] =	ssyncset.done $0x0  }
0x7d: {  	s31 =	sshll.u32 s22, $0xB;
	[sflag:s13] =	ssyncadd.s32 $0xFFFFFF00  }
0x7e: {  	[tilespmem:s15], [sflag:$0x1] =	stream.indirect.gather [hbm4b:s1+s14], $0x80, s24, s14, $0xb8;
	[tilespmem:$0x1E880] =	vst v63  }
0x7f: {  	s22 =	sadd.s32 s6, s31  }
0x80: {  	[tilespmem:s16], [sflag:$0x2] =	stream.linear.gather [hbm4b:s22+s24], $0x4000, $0x38;
	[tilespmem:$0x1E880] =	vst v63  }
0x81: {  	_ =	swait.ge [sflag:s17], $0x4000  }
0x82: {  	[sflag:s17] =	ssyncset.done $0x0  }
0x83: {  	[sflag:s17] =	ssyncadd.s32 $0xFFFFC000  }
0x84: {  	_ =	swait.ge [sflag:s18], $0x4000  }
0x85: {  	[sflag:s18] =	ssyncset.done $0x0  }
0x86: {  	s22 =	simm.s32 $0x0;
	[sflag:s18] =	ssyncadd.s32 $0xFFFFC000  }
0x87: {  	v8 =	vld [tilespmem:s22+$0x4100]  }
0x88: {  	v13 =	vld [tilespmem:s22+$0x4110]  }
0x89: {  	v7 =	vld [tilespmem:s22+$0x4120]  }
0x8a: {  	v6 =	vld [tilespmem:s22+$0x4130]  }
0x8b: {  	v5 =	vld [tilespmem:s22+$0x4140]  }
0x8c: {  	v4 =	vld [tilespmem:s22+$0x4150]  }
0x8d: {  	v3 =	vld [tilespmem:s22+$0x4160]  }
0x8e: {  	v2 =	vld [tilespmem:s22+$0x4170]  }
0x8f: {  	v14 =	vld [tilespmem:s22+$0x100]  }
0x90: {  	v15 =	vld [tilespmem:s22+$0x110]  }
0x91: {  	v12 =	vld [tilespmem:s22+$0x120]  }
0x92: {  	v11 =	vld [tilespmem:s22+$0x130]  }
0x93: {  	v10 =	vld [tilespmem:s22+$0x140]  }
0x94: {  	v9 =	vld [tilespmem:s22+$0x150];
	v14 =	vadd.f32 v8, v14  }
0x95: {  	s23 =	simm.s32 $0x200;
	v13 =	vadd.f32 v13, v15;
	v8 =	vld [tilespmem:s22+$0x160]  }
.LBB2_8:
0x96: {  	s24 =	sshra.s32 s23, $0x2;
	p0 =	sne.s32 s23, $0xFE00;
	v14 =	vmax.f32 v14, $0.0e+00;
	v7 =	vadd.f32 v7, v12;
	v12 =	vld [tilespmem:s22+$0x170]  }
0x97: {  	v15 =	vld [tilespmem:s24+$0x4100];
	[tilespmem:s22+$0x100] =	vst v14;
	v13 =	vmax.f32 v13, $0.0e+00;
	v6 =	vadd.f32 v6, v11  }
0x98: {  	v16 =	vld [tilespmem:s24+$0x4110];
	[tilespmem:s22+$0x110] =	vst v13;
	v11 =	vmax.f32 v7, $0.0e+00;
	v5 =	vadd.f32 v5, v10  }
0x99: {  	v7 =	vld [tilespmem:s24+$0x4120];
	[tilespmem:s22+$0x120] =	vst v11;
	v10 =	vmax.f32 v6, $0.0e+00;
	v4 =	vadd.f32 v4, v9  }
0x9a: {  	v6 =	vld [tilespmem:s24+$0x4130];
	[tilespmem:s22+$0x130] =	vst v10;
	v9 =	vmax.f32 v5, $0.0e+00;
	v3 =	vadd.f32 v3, v8  }
0x9b: {  	v5 =	vld [tilespmem:s24+$0x4140];
	[tilespmem:s22+$0x140] =	vst v9;
	v8 =	vmax.f32 v4, $0.0e+00;
	v2 =	vadd.f32 v2, v12  }
0x9c: {  	v4 =	vld [tilespmem:s24+$0x4150];
	[tilespmem:s22+$0x150] =	vst v8;
	v8 =	vmax.f32 v3, $0.0e+00  }
0x9d: {  	v3 =	vld [tilespmem:s24+$0x4160];
	[tilespmem:s22+$0x160] =	vst v8;
	v8 =	vmax.f32 v2, $0.0e+00  }
0x9e: {  	v2 =	vld [tilespmem:s24+$0x4170];
	[tilespmem:s22+$0x170] =	vst v8;
	s22 =	smov.u32 s24  }
0x9f: {  	v8 =	vld [tilespmem:s22+$0x100]  }
0xa0: {  	v13 =	vld [tilespmem:s22+$0x110]  }
.Ltmp7:
0xa1: {  	v12 =	vld [tilespmem:s22+$0x120];
	(pc) =	sbr.rel @p0 .LBB2_8-.Ltmp7, $4  }
0xa2: {  	v11 =	vld [tilespmem:s22+$0x130]  }
0xa3: {  	v10 =	vld [tilespmem:s22+$0x140]  }
0xa4: {  	v14 =	vadd.f32 v15, v8;
	v9 =	vld [tilespmem:s22+$0x150]  }
0xa5: {  	s23 =	sadd.s32 $0x200, s23;
	v13 =	vadd.f32 v16, v13;
	v8 =	vld [tilespmem:s22+$0x160]  }
0xa6: {  	v14 =	vmax.f32 v14, $0.0e+00;
	v7 =	vadd.f32 v7, v12;
	v63 =	vld [tilespmem:s22+$0x170]  }
0xa7: {  	[tilespmem:s22+$0x100] =	vst v14;
	v13 =	vmax.f32 v13, $0.0e+00;
	v6 =	vadd.f32 v6, v11  }
0xa8: {  	[tilespmem:s22+$0x110] =	vst v13;
	v7 =	vmax.f32 v7, $0.0e+00;
	v5 =	vadd.f32 v5, v10  }
0xa9: {  	[tilespmem:s22+$0x120] =	vst v7;
	v6 =	vmax.f32 v6, $0.0e+00;
	v4 =	vadd.f32 v4, v9  }
0xaa: {  	[tilespmem:s22+$0x130] =	vst v6;
	v5 =	vmax.f32 v5, $0.0e+00;
	v3 =	vadd.f32 v3, v8  }
0xab: {  	[tilespmem:s22+$0x140] =	vst v5;
	v4 =	vmax.f32 v4, $0.0e+00;
	v2 =	vadd.f32 v2, v63  }
0xac: {  	[tilespmem:s22+$0x150] =	vst v4;
	v3 =	vmax.f32 v3, $0.0e+00  }
0xad: {  	[tilespmem:s22+$0x160] =	vst v3;
	v2 =	vmax.f32 v2, $0.0e+00  }
0xae: {  	[tilespmem:s22+$0x170] =	vst v2  }
0xaf: {  	[spmem:s3] =	stream.indirect.scatter.add.f32 [tilespmem:s15], [sflag:$0x3], $0x80, s14, s14, $0xb8;
	[tilespmem:$0x1E880] =	vst v63  }
0xb0: {  	_ =	swait.ge [sflag:s13], $0x4000  }
0xb1: {  	[sflag:s13] =	ssyncset.done $0x0  }
0xb2: {  	[sflag:s13] =	ssyncadd.s32 $0xFFFFC000  }
0xb3: {  	v2 =	vld [tilespmem:$0x80];
	_ =	sdelay $0x7  }
0xb4: {  	[tilespmem:v2+s19+$0x0] =	vst.idx.add.f32.msk $0xffff, v1  }
0xb5: {  	v2 =	vld [tilespmem:$0x90];
	_ =	sdelay $0x7  }
0xb6: {  	[tilespmem:v2+s19+$0x0] =	vst.idx.add.f32.msk $0xffff, v1  }
0xb7: {  	v2 =	vld [tilespmem:$0xA0];
	_ =	sdelay $0x7  }
0xb8: {  	[tilespmem:v2+s19+$0x0] =	vst.idx.add.f32.msk $0xffff, v1  }
0xb9: {  	v2 =	vld [tilespmem:$0xB0];
	_ =	sdelay $0x7  }
0xba: {  	[tilespmem:v2+s19+$0x0] =	vst.idx.add.f32.msk $0xffff, v1  }
0xbb: {  	v2 =	vld [tilespmem:$0xC0];
	_ =	sdelay $0x7  }
0xbc: {  	[tilespmem:v2+s19+$0x0] =	vst.idx.add.f32.msk $0xffff, v1  }
0xbd: {  	v2 =	vld [tilespmem:$0xD0];
	_ =	sdelay $0x7  }
0xbe: {  	[tilespmem:v2+s19+$0x0] =	vst.idx.add.f32.msk $0xffff, v1  }
0xbf: {  	v2 =	vld [tilespmem:$0xE0];
	_ =	sdelay $0x7  }
0xc0: {  	[tilespmem:v2+s19+$0x0] =	vst.idx.add.f32.msk $0xffff, v1  }
0xc1: {  	v2 =	vld [tilespmem:$0xF0];
	_ =	sdelay $0x3  }
.Ltmp8:
0xc2: {  	_ = 	snop;
	(pc) =	sbr.rel .LBB2_10-.Ltmp8, $2  }
0xc3: {  	_ =	sdelay $0x2  }
0xc4: {  	[tilespmem:v2+s19+$0x0] =	vst.idx.add.f32.msk $0xffff, v1  }
.LBB2_12:
0xc5: {  	_ =	sfence.sel $0x180000  }
0xc6: {  	[bflag:$0x0] =	sbarrier.arrive $0xFFFF  }
0xc7: {  	p0 =	sne.s32 s4, $0x0;
	_ =	strace $0x90000047  }
0xc8: {  	s0 =	sadd.s32 @!p0 $0x100000, s0;
	[bflag:$0x2] =	sbarrier.arrive $0xFFFF  }
0xc9: {  	[sflag:s0] =	ssyncadd.tile.s32 @!p0 $0x1;
	_ =	shalt  }
.Lfunc_end2:
_tile_overlayer_lowered:
.L_overlay_start_2:
0xca: {  	(tag) =	ssettag $0x2  }
0xcb: {  	s0 =	rddreg [dreg:$0x0];
	s2 =	stileid.u32  }
0xcc: {  	s1 =	rddreg [dreg:$0x1];
	p0 =	sne.s32 s2, $0x0  }
0xcd: {  	s3 =	rddreg [dreg:$0x2];
	[bflag:$0x3] =	sbarrier.arrive $0xFFFF;
	s2 =	simm.s32 @!p0 $0x1C03  }
0xce: {  	[timem:s3], [sflag:s2] =	dma.local @!p0 [hbm:s0], s1  }
0xcf: {  	s0 =	simm.s32 @!p0 $0x3  }
0xd0: {  	_ =	swait.ge @!p0 [sflag:s0], s1  }
0xd1: {  	s1 =	ssub.s32 @!p0 $0x0, s1;
	[sflag:s0] =	ssyncset.done @!p0 $0x0  }
0xd2: {  	[sflag:s0] =	ssyncadd.s32 @!p0 s1  }
0xd3: {  	[bflag:$0x3] =	sbarrier.arrive $0xFFFF  }
0xd4: {  	_ =	shalt  }

// kernel: kernel.13.cloned.1.call-start
scs
__scs_entry_jumppad:
0x0: {  	(pc) =	sbr.rel $0x88, $3  }
0x1: {  	(tag) =	ssettag $0x0;
	lr =	simm.s32 $0x1  }
0x2: {  	[smem:$0x3F92] =	sst lr;
	_ =	strace $0xD0000000  }
0x3: {  	_ = 	snop  }
0x4: {  	_ = 	snop  }
0x5: {  	_ = 	snop  }
0x6: {  	_ = 	snop  }
0x7: {  	_ = 	snop  }
__scs_overlays_trampoline_lowered:
0x8: {  	[smem:$0x3FA1] =	sst s0  }
0x9: {  	[smem:$0x3FA2] =	sst s1  }
0xa: {  	[smem:$0x3FA3] =	sst s2  }
0xb: {  	[smem:$0x3FA4] =	sst s3  }
0xc: {  	[smem:$0x3FA5] =	sst s4  }
0xd: {  	[smem:$0x3FA6] =	sst s5  }
0xe: {  	[smem:$0x3FA7] =	sst s6  }
0xf: {  	[smem:$0x3FA8] =	sst s7  }
0x10: {  	[smem:$0x3FA9] =	sst s8  }
0x11: {  	[smem:$0x3FAA] =	sst s9;
	s0 =	simm.s32 @!p0 $0x0  }
0x12: {  	s1 =	sld [smem:$0x3F90];
	s0 =	simm.s32 @p0 $0x1  }
0x13: {  	[smem:$0x3FAB] =	sst s0;
	s0 =	simm.s32 @!p1 $0x0  }
0x14: {  	s2 =	sld [smem:$0x3F8F];
	s0 =	simm.s32 @p1 $0x1  }
0x15: {  	[smem:$0x3FAC] =	sst s0;
	s0 =	simm.s32 @!p2 $0x0  }
0x16: {  	s3 =	sld [smem:$0x3FDB];
	s0 =	simm.s32 @p2 $0x1  }
0x17: {  	s4 =	simm.s32 $0x1BF5;
	[smem:$0x3FAE] =	sst s0  }
0x18: {  	s0 =	sld [smem:$0x3F91];
	_ =	swait.ge [sflag:s4], $0x0  }
0x19: {  	s7 =	sld [smem:$0x3F92]  }
0x1a: {  	s8 =	sadd.s32 $0xFFFFE003, lr  }
0x1b: {  	s9 =	sadd.s32 $0xFFFFFEF7, lr;
	s5 =	simm.s32 $0xFFFFFFFF;
	p2 =	slt.u32 s8, $0xFFFFF086  }
0x1c: {  	p1 =	slt.u32 s9, $0xF7A;
	s5 =	simm.s32 @!p2 $0x0  }
0x1d: {  	s5 =	simm.s32 @p1 $0x1;
	p0 =	seq.s32 s7, s2  }
0x1e: {  	s7 =	smul.u32 @!p0 $0xF7A, s2;
	p2 =	seq.s32 @!p0 s5, $0x0  }
0x1f: {  	s9 =	smul.u32 $0xF7A, s1;
	s8 =	simm.s32 @!p0 $0x1BF5;
	p2 =	por !p2, p0  }
0x20: {  	[sflag:s8] =	ssyncset.s32 @!p0 $0xFFFFF086;
	s6 =	sadd.s32 @!p0 s3, s7;
	s7 =	simm.s32 @!p0 $0x108  }
0x21: {  	s3 =	sadd.s32 s3, s9;
	s6 =	sadd.s32 @!p0 $0x88, s6;
	s7 =	simm.s32 @p2 $0x1082  }
0x22: {  	[simem:s7], [sflag:s8] =	dma.local @!p0 [hbm:s6], $0xF7A  }
0x23: {  	s9 =	sor.u32 $0xD0000000, s2;
	s6 =	simm.s32 $0x108;
	_ =	swait.ge @!p0 [sflag:s8], $0x0  }
0x24: {  	s3 =	sadd.s32 $0x88, s3;
	s6 =	simm.s32 @!p1 $0x1082;
	[sflag:s4] =	ssyncset.s32 $0xFFFFF086  }
0x25: {  	[simem:s6], [sflag:s4] =	dma.local [hbm:s3], $0xF7A  }
0x26: {  	[smem:$0x3F92] =	sst s1;
	(tag) =	ssettag s2;
	_ =	strace s9  }
0x27: {  	s1 =	sld [smem:$0x3FA2]  }
0x28: {  	s2 =	sld [smem:$0x3FA3]  }
0x29: {  	s4 =	sld [smem:$0x3FA5]  }
0x2a: {  	p0 =	seq.s32 s5, $0x0;
	s5 =	sld [smem:$0x3FA6]  }
0x2b: {  	s6 =	sld [smem:$0x3FA7]  }
0x2c: {  	s7 =	sld [smem:$0x3FA8]  }
0x2d: {  	s3 =	simm.s32 $0x108;
	s8 =	sld [smem:$0x3FA9]  }
0x2e: {  	s3 =	simm.s32 @!p0 $0x1082;
	s9 =	sld [smem:$0x3FAA]  }
0x2f: {  	lr =	sadd.s32 s0, s3;
	s0 =	sld [smem:$0x3FA1]  }
0x30: {  	s3 =	sld [smem:$0x3FA4]  }
0x31: {  	[smem:$0x3FAD] =	sst s10  }
0x32: {  	s10 =	sld [smem:$0x3FAB];
	_ =	sdelay $0x3  }
0x33: {  	p0 =	seq.s32 s10, $0x1;
	s10 =	sld [smem:$0x3FAD];
	_ =	sdelay $0x3  }
0x34: {  	[smem:$0x3FAD] =	sst s10  }
0x35: {  	s10 =	sld [smem:$0x3FAC];
	_ =	sdelay $0x3  }
0x36: {  	p1 =	seq.s32 s10, $0x1;
	s10 =	sld [smem:$0x3FAD];
	_ =	sdelay $0x3  }
0x37: {  	[smem:$0x3FAD] =	sst s10  }
0x38: {  	s10 =	sld [smem:$0x3FAE]  }
0x39: {  	_ = 	snop;
	(pc) =	sbr.ind lr, $3  }
0x3a: {  	_ = 	snop  }
0x3b: {  	_ = 	snop  }
0x3c: {  	p2 =	seq.s32 s10, $0x1;
	s10 =	sld [smem:$0x3FAD]  }
0x3d: {  	_ =	shalt  }
0x3e: {  	_ =	shalt  }
0x3f: {  	_ =	shalt  }
0x40: {  	_ =	shalt  }
0x41: {  	_ =	shalt  }
0x42: {  	_ =	shalt  }
0x43: {  	_ =	shalt  }
0x44: {  	_ =	shalt  }
0x45: {  	_ =	shalt  }
0x46: {  	_ =	shalt  }
0x47: {  	_ =	shalt  }
0x48: {  	_ =	shalt  }
0x49: {  	_ =	shalt  }
0x4a: {  	_ =	shalt  }
0x4b: {  	_ =	shalt  }
0x4c: {  	_ =	shalt  }
0x4d: {  	_ =	shalt  }
0x4e: {  	_ =	shalt  }
0x4f: {  	_ =	shalt  }
0x50: {  	_ =	shalt  }
0x51: {  	_ =	shalt  }
0x52: {  	_ =	shalt  }
0x53: {  	_ =	shalt  }
0x54: {  	_ =	shalt  }
0x55: {  	_ =	shalt  }
0x56: {  	_ =	shalt  }
0x57: {  	_ =	shalt  }
0x58: {  	_ =	shalt  }
0x59: {  	_ =	shalt  }
0x5a: {  	_ =	shalt  }
0x5b: {  	_ =	shalt  }
0x5c: {  	_ =	shalt  }
0x5d: {  	_ =	shalt  }
0x5e: {  	_ =	shalt  }
0x5f: {  	_ =	shalt  }
0x60: {  	_ =	shalt  }
0x61: {  	_ =	shalt  }
0x62: {  	_ =	shalt  }
0x63: {  	_ =	shalt  }
0x64: {  	_ =	shalt  }
0x65: {  	_ =	shalt  }
0x66: {  	_ =	shalt  }
0x67: {  	_ =	shalt  }
0x68: {  	_ =	shalt  }
0x69: {  	_ =	shalt  }
0x6a: {  	_ =	shalt  }
0x6b: {  	_ =	shalt  }
0x6c: {  	_ =	shalt  }
0x6d: {  	_ =	shalt  }
0x6e: {  	_ =	shalt  }
0x6f: {  	_ =	shalt  }
0x70: {  	_ =	shalt  }
0x71: {  	_ =	shalt  }
0x72: {  	_ =	shalt  }
0x73: {  	_ =	shalt  }
0x74: {  	_ =	shalt  }
0x75: {  	_ =	shalt  }
0x76: {  	_ =	shalt  }
0x77: {  	_ =	shalt  }
0x78: {  	_ =	shalt  }
0x79: {  	_ =	shalt  }
0x7a: {  	_ =	shalt  }
0x7b: {  	_ =	shalt  }
0x7c: {  	_ =	shalt  }
0x7d: {  	_ =	shalt  }
0x7e: {  	_ =	shalt  }
0x7f: {  	_ =	shalt  }
0x80: {  	_ =	shalt  }
0x81: {  	_ =	shalt  }
0x82: {  	_ =	shalt  }
0x83: {  	_ =	shalt  }
0x84: {  	_ =	shalt  }
0x85: {  	_ =	shalt  }
0x86: {  	_ =	shalt  }
0x87: {  	_ =	shalt  }
.Lfunc_end0:
.L_simem_size_0:
called_computation.1_lowered:
.L_overlay_start_0:
0x88: {  	s2 =	sld [smem:$0x3FD9]  }
0x89: {  	s3 =	sld [smem:$0x3FFE];
	_ =	sdelay $0x1  }
0x8a: {  	s1 =	srdreg.scid  }
0x8b: {  	s0 =	sand.u32 $0x1, s1  }
0x8c: {  	s17 =	sshll.u32 s0, $0xA;
	s2 =	sadd.s32 s3, s2  }
0x8d: {  	s2 =	sadd.s32 s2, s17  }
0x8e: {  	[smem:$0x3FB9] =	sst s2  }
0x8f: {  	_ = 	snop  }
0x90: {  	s2 =	sld [smem:$0x3FC8];
	(tm) =	ssettm $0x1  }
0x91: {  	s18 =	sld [smem:$0x3FFB];
	_ =	sdelay $0x3  }
0x92: {  	_ =	strace s18  }
0x93: {  	s3 =	sld [smem:$0x3FFC];
	_ =	sdelay $0x3  }
0x94: {  	_ =	strace s3  }
0x95: {  	s3 =	sld [smem:$0x3FFD];
	_ =	sdelay $0x3  }
0x96: {  	_ =	strace s3  }
0x97: {  	_ =	strace $0x8FFFFFFF  }
0x98: {  	s19 =	sld [smem:$0x3FDB];
	_ =	sdelay $0x1  }
0x99: {  	s4 =	simm.s32 $_scs_section_size  }
0x9a: {  	s5 =	simm.s32 $_size__tile_overlayer_lowered;
	s6 =	simm.s32 $_tile_overlayer_lowered  }
0x9b: {  	s22 =	simm.s32 $0x1BFF;
	s21 =	sshll.u32 s6, $0x1;
	s3 =	sadd.s32 s4, s19  }
0x9c: {  	s7 =	simm.s32 $0x0;
	s20 =	sshll.u32 s5, $0x1;
	s5 =	sadd.s32 s21, s3  }
0x9d: {  	[timem:s7], [sflag:s22] =	dma.local [hbm:s5], s20  }
0x9e: {  	_ =	swait.ge [sflag:s22], s20  }
0x9f: {  	s4 =	ssub.s32 $0x0, s20;
	[sflag:s22] =	ssyncset.done $0x0  }
0xa0: {  	[sflag:s22] =	ssyncadd.s32 s4;
	_ =	sdelay $0x1  }
0xa1: {  	s23 =	simm.s32 $0x1B8B  }
0xa2: {  	_ =	swait.ge [sflag:s23], $0x1  }
0xa3: {  	[sflag:s23] =	ssyncset.done $0x0  }
0xa4: {  	s25 =	simm.s32 $0x1B8E;
	s24 =	sld [smem:$0x3FFE];
	[sflag:s23] =	ssyncadd.s32 $0xFFFFFFFF  }
0xa5: {  	s26 =	simm.s32 $execute0_lowered;
	[smem:$0x3FD2] =	sst s25  }
0xa6: {  	s5 =	sshll.u32 s26, $0x1;
	_ =	strace $0x80000049;
	[dreg:$0x1] =	wrdreg $0xFFFFFFFF  }
0xa7: {  	s28 =	simm.s32 $_size_execute0_lowered;
	s3 =	sadd.s32 s3, s5;
	[dreg:$0x0] =	wrdreg $0x0  }
0xa8: {  	s5 =	sshll.u32 s28, $0x1;
	[dreg:$0x2] =	wrdreg s3  }
0xa9: {  	[dreg:$0x3] =	wrdreg s5  }
0xaa: {  	[dreg:$0x4] =	wrdreg $0xC0  }
0xab: {  	_ =	task [dreg:s7], $0x5FFFF  }
0xac: {  	[dreg:$0x1] =	wrdreg $0xFFFFFFFF  }
0xad: {  	[dreg:$0x0] =	wrdreg $0x60  }
0xae: {  	[dreg:$0x2] =	wrdreg s24  }
0xaf: {  	[dreg:$0x3] =	wrdreg s2  }
0xb0: {  	[dreg:$0x4] =	wrdreg $0xC2000  }
0xb1: {  	[dreg:$0x5] =	wrdreg $0x9  }
0xb2: {  	_ =	task.clear_ibuf [dreg:s7], $0x6FFFF;
	_ =	strace $0x90000049  }
0xb3: {  	s29 =	simm.s32 $0x9;
	_ =	strace $0x8000004B  }
0xb4: {  	_ =	swait.ge [sflag:s29], $0x1  }
0xb5: {  	[sflag:s29] =	ssyncadd.s32 $0xFFFFFFFF  }
0xb6: {  	_ =	strace $0x9000004B  }
0xb7: {  	_ =	sfence  }
0xb8: {  	s30 =	sld [smem:$0x0];
	_ =	sdelay $0x2  }
0xb9: {  	s31 =	sshll.u32 s1, $0xD;
	s1 =	sshrl.u32 s1, $0x2  }
0xba: {  	s3 =	sand.u32 $0x4000, s31;
	s1 =	sadd.s32 s1, s30  }
0xbb: {  	s0 =	sor.u32 s3, s0;
	s1 =	sshll.u32 s1, $0x11  }
0xbc: {  	s0 =	sor.u32 s1, s0  }
0xbd: {  	s0 =	sadd.s32 $0x8F2B, s0  }
0xbe: {  	[sflag:s0] =	ssyncadd.remote.s32 $0x1  }
0xbf: {  	_ =	sfence.sel $0xFFFF  }
0xc0: {  	[dreg:$0x0] =	wrdreg $0xFFFFFFFF;
	(pc) =	sbr.abs _section_cstart, $3  }
0xc1: {  	[dreg:$0x1] =	wrdreg $0xFFFFFFFF  }
0xc2: {  	_ =	task.clear_ibuf [dreg:s7], $0x2FFFF;
	_ =	strace $0x9FFFFFFF  }
0xc3: {  	(tm) =	ssettm $0x7FFFFFFF  }
tec
execute0_lowered:
.L_overlay_start_1:
0x0: {  	(tag) =	ssettag $0x1  }
0x1: {  	s0 =	rddreg [dreg:$0x0]  }
0x2: {  	s2 =	rddreg [dreg:$0x1]  }
0x3: {  	s1 =	srdreg.scid;
	s3 =	rddreg [dreg:$0x2]  }
0x4: {  	s24 =	stileid.u32;
	s4 =	simm.s32 $0x0;
	s17 =	simm.s32 $0x200  }
0x5: {  	s18 =	simm.s32 $0x6;
	s19 =	simm.s32 $0x100;
	s20 =	simm.s32 $0x8200  }
0x6: {  	s21 =	simm.s32 $0x1;
	s22 =	simm.s32 $0x80;
	s23 =	simm.s32 $0x2  }
0x7: {  	s28 =	simm.s32 $0x4;
	s29 =	simm.s32 $0x180;
	s6 =	smul.u32 $0x13C00, s24  }
0x8: {  	s30 =	simm.s32 $0x0;
	s7 =	sand.u32 $0x1, s1;
	s9 =	smul.u32 $0x4F000, s24  }
0x9: {  	[smem:$0x7FF] =	sst s4;
	s5 =	smul.u32 $0x13C000, s7;
	s25 =	ssub.s32 $0x2, s7  }
0xa: {  	_ =	strace $0x8000004A;
	s7 =	sshll.u32 s7, $0x4;
	s10 =	sshrl.u32 s25, $0x1  }
0xb: {  	s9 =	sshrl.u32 s9, $0x2;
	s7 =	sor.u32 s24, s7;
	s24 =	simm.s32 $0x4200  }
0xc: {  	s6 =	sadd.s32 s6, s5;
	s5 =	sadd.s32 $0x3600, s0;
	s13 =	ssub.s32 s25, s10  }
0xd: {  	s12 =	sor.u32 $0x9C0, s7;
	s25 =	simm.s32 $0x3;
	p0 =	sgt.u32 s7, $0x3  }
0xe: {  	s8 =	sshrl.u32 s6, $0x3;
	s6 =	sadd.s32 $0xA16600, s0;
	s14 =	sshll.u32 s12, $0x5  }
.Ltmp0:
0xf: {  	s15 =	sshll.u32 s12, $0xB;
	s16 =	smax.u32 s13, $0x1;
	(pc) =	sbr.rel .LBB2_1-.Ltmp0, $4  }
0x10: {  	s0 =	sadd.s32 s8, s0;
	s8 =	sadd.s32 s9, s3;
	s26 =	sadd.s32 s2, s14  }
0x11: {  	s31 =	sadd.s32 s6, s15;
	s9 =	sadd.s32 $0x4000, s8;
	s10 =	sadd.s32 $0x8000, s8  }
0x12: {  	s11 =	sadd.s32 $0xC000, s8;
	s12 =	sadd.s32 $0x10000, s8;
	[dreg:$0x4] =	wrdreg s26  }
0x13: {  	v0 =	vimm.f32 $0.0e+00;
	[dreg:$0x5] =	wrdreg s31;
	s15 =	sadd.s32 $0x2A800, s0;
	s26 =	simm.s32 $0x5  }
.LBB2_13:
0x14: {  	s0 =	stileid.u32;
	s4 =	sadd.s32 $0x1, s4  }
0x15: {  	[bflag:$0x0] =	sbarrier.arrive $0xFFFF;
	s0 =	sshll.u32 s0, $0x6;
	p1 =	sne.s32 s4, s16  }
.Ltmp1:
0x16: {  	s1 =	sshrl.u32 s8, $0x3;
	s0 =	sor.u32 $0x1C06, s0;
	(pc) =	sbr.rel @!p1 .LBB2_14-.Ltmp1, $4  }
0x17: {  	[hbm:s15], [sflag:s0] =	dma.local [spmem:s1], $0x2780  }
0x18: {  	_ =	swait.ge [sflag:s18], $0x2780  }
0x19: {  	[sflag:s18] =	ssyncset.done $0x0  }
0x1a: {  	[sflag:s18] =	ssyncadd.s32 $0xFFFFD880  }
.LBB2_1:
0x1b: {  	s0 =	simm.s32 $0x0;
	s13 =	simm.s32 $0x200  }
.LBB2_2:
0x1c: {  	p1 =	sne.s32 s13, $0xFE00;
	[tilespmem:s0+$0x270] =	vst v0  }
0x1d: {  	[tilespmem:s0+$0x200] =	vst v0  }
0x1e: {  	[tilespmem:s0+$0x210] =	vst v0  }
.Ltmp2:
0x1f: {  	[tilespmem:s0+$0x220] =	vst v0;
	(pc) =	sbr.rel @p1 .LBB2_2-.Ltmp2, $4  }
0x20: {  	[tilespmem:s0+$0x230] =	vst v0  }
0x21: {  	[tilespmem:s0+$0x240] =	vst v0  }
0x22: {  	[tilespmem:s0+$0x250] =	vst v0  }
0x23: {  	[tilespmem:s0+$0x260] =	vst v0;
	s0 =	sshra.s32 s13, $0x2;
	s13 =	sadd.s32 $0x200, s13  }
0x24: {  	[tilespmem:s0+$0x270] =	vst v0  }
0x25: {  	[tilespmem:s0+$0x200] =	vst v0  }
0x26: {  	[tilespmem:s0+$0x210] =	vst v0  }
0x27: {  	[tilespmem:s0+$0x220] =	vst v0  }
0x28: {  	[tilespmem:s0+$0x230] =	vst v0  }
0x29: {  	[tilespmem:s0+$0x240] =	vst v0  }
0x2a: {  	[tilespmem:s0+$0x250] =	vst v0  }
0x2b: {  	[tilespmem:s0+$0x260] =	vst v0  }
0x2c: {  	[spmem:s8] =	stream.linear.scatter [tilespmem:s17], [sflag:$0x6], $0x4000, $0x38;
	[tilespmem:$0x1FE00] =	vst v63  }
0x2d: {  	_ =	swait.ge [sflag:s18], $0x4000  }
0x2e: {  	[sflag:s18] =	ssyncset.done $0x0  }
0x2f: {  	[sflag:s18] =	ssyncadd.s32 $0xFFFFC000  }
0x30: {  	[spmem:s9] =	stream.linear.scatter [tilespmem:s17], [sflag:$0x6], $0x4000, $0x38;
	[tilespmem:$0x1FE00] =	vst v63  }
0x31: {  	_ =	swait.ge [sflag:s18], $0x4000  }
0x32: {  	[sflag:s18] =	ssyncset.done $0x0  }
0x33: {  	[sflag:s18] =	ssyncadd.s32 $0xFFFFC000  }
0x34: {  	[spmem:s10] =	stream.linear.scatter [tilespmem:s17], [sflag:$0x6], $0x4000, $0x38;
	[tilespmem:$0x1FE00] =	vst v63  }
0x35: {  	_ =	swait.ge [sflag:s18], $0x4000  }
0x36: {  	[sflag:s18] =	ssyncset.done $0x0  }
0x37: {  	[sflag:s18] =	ssyncadd.s32 $0xFFFFC000  }
0x38: {  	[spmem:s11] =	stream.linear.scatter [tilespmem:s17], [sflag:$0x6], $0x4000, $0x38;
	[tilespmem:$0x1FE00] =	vst v63  }
0x39: {  	_ =	swait.ge [sflag:s18], $0x4000  }
0x3a: {  	[sflag:s18] =	ssyncset.done $0x0  }
0x3b: {  	[sflag:s18] =	ssyncadd.s32 $0xFFFFC000  }
0x3c: {  	[spmem:s12] =	stream.linear.scatter [tilespmem:s17], [sflag:$0x6], $0x3C00, $0x38;
	[tilespmem:$0x1FE00] =	vst v63  }
0x3d: {  	_ =	swait.ge [sflag:s18], $0x3C00  }
0x3e: {  	[sflag:s18] =	ssyncset.done $0x0  }
0x3f: {  	[sflag:s18] =	ssyncadd.s32 $0xFFFFC400  }
0x40: {  	s31 =	simm.s32 $0x0;
	[bflag:$0x0] =	sbarrier.arrive $0xFFFF  }
.LBB2_4:
0x41: {  	s0 =	sshll.u32 s31, $0x6  }
0x42: {  	s13 =	sor.u32 s7, s0  }
0x43: {  	s14 =	sshll.u32 s13, $0x5;
	s0 =	sor.u32 $0x20, s13  }
0x44: {  	s14 =	sadd.s32 s2, s14;
	s1 =	sshll.u32 s0, $0x5  }
0x45: {  	[tilespmem:s30], [sflag:$0x1] =	stream.linear.gather [hbm4b:s14+s30], $0x100, $0x38;
	[tilespmem:$0x1FE00] =	vst v63  }
0x46: {  	s14 =	sand.u32 $0x1FFFFFE0, s1  }
0x47: {  	s13 =	sshll.u32 s13, $0xB;
	s14 =	sadd.s32 s2, s14  }
0x48: {  	[tilespmem:s19], [sflag:$0x2] =	stream.linear.gather [hbm4b:s14+s30], $0x100, $0x38;
	[tilespmem:$0x1FE00] =	vst v63  }
0x49: {  	s13 =	sadd.s32 s6, s13  }
0x4a: {  	[tilespmem:s20], [sflag:$0x5] =	stream.linear.gather [hbm4b:s13+s30], $0x4000, $0x38;
	[tilespmem:$0x1FE00] =	vst v63  }
0x4b: {  	_ =	swait.ge [sflag:s21], $0x100  }
0x4c: {  	[sflag:s21] =	ssyncset.done $0x0  }
0x4d: {  	[sflag:s21] =	ssyncadd.s32 $0xFFFFFF00  }
0x4e: {  	[tilespmem:s17], [sflag:$0x3] =	stream.indirect.gather [hbm4b:s5+s22], $0x80, s30, s22, $0xb8;
	[tilespmem:$0x1FE00] =	vst v63  }
0x4f: {  	_ =	swait.ge [sflag:s23], $0x100  }
0x50: {  	[sflag:s23] =	ssyncset.done $0x0  }
0x51: {  	[sflag:s23] =	ssyncadd.s32 $0xFFFFFF00  }
0x52: {  	[tilespmem:s24], [sflag:$0x4] =	stream.indirect.gather [hbm4b:s5+s22], $0x80, s19, s22, $0xb8;
	[tilespmem:$0x1FE00] =	vst v63  }
0x53: {  	_ =	swait.ge [sflag:s25], $0x4000  }
0x54: {  	[sflag:s25] =	ssyncset.done $0x0  }
0x55: {  	[sflag:s25] =	ssyncadd.s32 $0xFFFFC000  }
0x56: {  	_ =	swait.ge [sflag:s26], $0x4000  }
0x57: {  	[sflag:s26] =	ssyncset.done $0x0  }
0x58: {  	s13 =	simm.s32 $0x0;
	[sflag:s26] =	ssyncadd.s32 $0xFFFFC000  }
0x59: {  	v7 =	vld [tilespmem:s13+$0x8200]  }
0x5a: {  	v12 =	vld [tilespmem:s13+$0x8210]  }
0x5b: {  	v6 =	vld [tilespmem:s13+$0x8220]  }
0x5c: {  	v5 =	vld [tilespmem:s13+$0x8230]  }
0x5d: {  	v4 =	vld [tilespmem:s13+$0x8240]  }
0x5e: {  	v3 =	vld [tilespmem:s13+$0x8250]  }
0x5f: {  	v2 =	vld [tilespmem:s13+$0x8260]  }
0x60: {  	v1 =	vld [tilespmem:s13+$0x8270]  }
0x61: {  	v13 =	vld [tilespmem:s13+$0x200]  }
0x62: {  	v14 =	vld [tilespmem:s13+$0x210]  }
0x63: {  	v11 =	vld [tilespmem:s13+$0x220]  }
0x64: {  	v10 =	vld [tilespmem:s13+$0x230]  }
0x65: {  	v9 =	vld [tilespmem:s13+$0x240]  }
0x66: {  	v8 =	vld [tilespmem:s13+$0x250];
	v13 =	vadd.f32 v7, v13  }
0x67: {  	s14 =	simm.s32 $0x200;
	v12 =	vadd.f32 v12, v14;
	v7 =	vld [tilespmem:s13+$0x260]  }
.LBB2_5:
0x68: {  	s1 =	sshra.s32 s14, $0x2;
	p1 =	sne.s32 s14, $0xFE00;
	v13 =	vmax.f32 v13, $0.0e+00;
	v6 =	vadd.f32 v6, v11;
	v11 =	vld [tilespmem:s13+$0x270]  }
0x69: {  	v14 =	vld [tilespmem:s1+$0x8200];
	[tilespmem:s13+$0x200] =	vst v13;
	v12 =	vmax.f32 v12, $0.0e+00;
	v5 =	vadd.f32 v5, v10  }
0x6a: {  	v15 =	vld [tilespmem:s1+$0x8210];
	[tilespmem:s13+$0x210] =	vst v12;
	v10 =	vmax.f32 v6, $0.0e+00;
	v4 =	vadd.f32 v4, v9  }
0x6b: {  	v6 =	vld [tilespmem:s1+$0x8220];
	[tilespmem:s13+$0x220] =	vst v10;
	v9 =	vmax.f32 v5, $0.0e+00;
	v3 =	vadd.f32 v3, v8  }
0x6c: {  	v5 =	vld [tilespmem:s1+$0x8230];
	[tilespmem:s13+$0x230] =	vst v9;
	v8 =	vmax.f32 v4, $0.0e+00;
	v2 =	vadd.f32 v2, v7  }
0x6d: {  	v4 =	vld [tilespmem:s1+$0x8240];
	[tilespmem:s13+$0x240] =	vst v8;
	v7 =	vmax.f32 v3, $0.0e+00;
	v1 =	vadd.f32 v1, v11  }
0x6e: {  	v3 =	vld [tilespmem:s1+$0x8250];
	[tilespmem:s13+$0x250] =	vst v7;
	v7 =	vmax.f32 v2, $0.0e+00  }
0x6f: {  	v2 =	vld [tilespmem:s1+$0x8260];
	[tilespmem:s13+$0x260] =	vst v7;
	v7 =	vmax.f32 v1, $0.0e+00  }
0x70: {  	v1 =	vld [tilespmem:s1+$0x8270];
	[tilespmem:s13+$0x270] =	vst v7;
	s13 =	smov.u32 s1  }
0x71: {  	v7 =	vld [tilespmem:s13+$0x200]  }
0x72: {  	v12 =	vld [tilespmem:s13+$0x210]  }
.Ltmp3:
0x73: {  	v11 =	vld [tilespmem:s13+$0x220];
	(pc) =	sbr.rel @p1 .LBB2_5-.Ltmp3, $4  }
0x74: {  	v10 =	vld [tilespmem:s13+$0x230]  }
0x75: {  	v9 =	vld [tilespmem:s13+$0x240]  }
0x76: {  	v13 =	vadd.f32 v14, v7;
	v8 =	vld [tilespmem:s13+$0x250]  }
0x77: {  	s14 =	sadd.s32 $0x200, s14;
	v12 =	vadd.f32 v15, v12;
	v7 =	vld [tilespmem:s13+$0x260]  }
0x78: {  	v13 =	vmax.f32 v13, $0.0e+00;
	v6 =	vadd.f32 v6, v11;
	v11 =	vld [tilespmem:s13+$0x270]  }
0x79: {  	[tilespmem:s13+$0x200] =	vst v13;
	v12 =	vmax.f32 v12, $0.0e+00;
	v5 =	vadd.f32 v5, v10  }
0x7a: {  	[tilespmem:s13+$0x210] =	vst v12;
	v6 =	vmax.f32 v6, $0.0e+00;
	v4 =	vadd.f32 v4, v9  }
0x7b: {  	[tilespmem:s13+$0x220] =	vst v6;
	v5 =	vmax.f32 v5, $0.0e+00;
	v3 =	vadd.f32 v3, v8  }
0x7c: {  	[tilespmem:s13+$0x230] =	vst v5;
	v4 =	vmax.f32 v4, $0.0e+00;
	v2 =	vadd.f32 v2, v7  }
0x7d: {  	[tilespmem:s13+$0x240] =	vst v4;
	v3 =	vmax.f32 v3, $0.0e+00;
	v1 =	vadd.f32 v1, v11  }
0x7e: {  	[tilespmem:s13+$0x250] =	vst v3;
	v2 =	vmax.f32 v2, $0.0e+00  }
0x7f: {  	[tilespmem:s13+$0x260] =	vst v2;
	v1 =	vmax.f32 v1, $0.0e+00  }
0x80: {  	[tilespmem:s13+$0x270] =	vst v1  }
0x81: {  	[spmem:s3] =	stream.indirect.scatter.add.f32 [tilespmem:s17], [sflag:$0x6], $0x80, s22, s22, $0xb8;
	[tilespmem:$0x1FE00] =	vst v63  }
0x82: {  	s0 =	sshll.u32 s0, $0xB;
	_ =	swait.ge [sflag:s18], $0x4000  }
0x83: {  	s0 =	sand.u32 $0x1FFFF800, s0;
	[sflag:s18] =	ssyncset.done $0x0  }
0x84: {  	s1 =	simm.s32 $0x0;
	s0 =	sadd.s32 s6, s0;
	[sflag:s18] =	ssyncadd.s32 $0xFFFFC000  }
0x85: {  	[tilespmem:s20], [sflag:$0x5] =	stream.linear.gather [hbm4b:s0+s1], $0x4000, $0x38;
	[tilespmem:$0x1FE00] =	vst v63  }
0x86: {  	_ =	swait.ge [sflag:s28], $0x4000  }
0x87: {  	[sflag:s28] =	ssyncset.done $0x0  }
0x88: {  	[sflag:s28] =	ssyncadd.s32 $0xFFFFC000  }
0x89: {  	_ =	swait.ge [sflag:s26], $0x4000  }
0x8a: {  	[sflag:s26] =	ssyncset.done $0x0  }
0x8b: {  	s0 =	simm.s32 $0x0;
	[sflag:s26] =	ssyncadd.s32 $0xFFFFC000  }
0x8c: {  	v7 =	vld [tilespmem:s0+$0x8200]  }
0x8d: {  	v12 =	vld [tilespmem:s0+$0x8210]  }
0x8e: {  	v6 =	vld [tilespmem:s0+$0x8220]  }
0x8f: {  	v5 =	vld [tilespmem:s0+$0x8230]  }
0x90: {  	v4 =	vld [tilespmem:s0+$0x8240]  }
0x91: {  	v3 =	vld [tilespmem:s0+$0x8250]  }
0x92: {  	v2 =	vld [tilespmem:s0+$0x8260]  }
0x93: {  	v1 =	vld [tilespmem:s0+$0x8270]  }
0x94: {  	v13 =	vld [tilespmem:s0+$0x4200]  }
0x95: {  	v14 =	vld [tilespmem:s0+$0x4210]  }
0x96: {  	v11 =	vld [tilespmem:s0+$0x4220]  }
0x97: {  	v10 =	vld [tilespmem:s0+$0x4230]  }
0x98: {  	v9 =	vld [tilespmem:s0+$0x4240]  }
0x99: {  	v8 =	vld [tilespmem:s0+$0x4250];
	v13 =	vadd.f32 v7, v13  }
0x9a: {  	s13 =	simm.s32 $0x200;
	v12 =	vadd.f32 v12, v14;
	v7 =	vld [tilespmem:s0+$0x4260]  }
.LBB2_7:
0x9b: {  	s1 =	sshra.s32 s13, $0x2;
	p1 =	sne.s32 s13, $0xFE00;
	v13 =	vmax.f32 v13, $0.0e+00;
	v6 =	vadd.f32 v6, v11;
	v11 =	vld [tilespmem:s0+$0x4270]  }
0x9c: {  	v14 =	vld [tilespmem:s1+$0x8200];
	[tilespmem:s0+$0x4200] =	vst v13;
	v12 =	vmax.f32 v12, $0.0e+00;
	v5 =	vadd.f32 v5, v10  }
0x9d: {  	v15 =	vld [tilespmem:s1+$0x8210];
	[tilespmem:s0+$0x4210] =	vst v12;
	v10 =	vmax.f32 v6, $0.0e+00;
	v4 =	vadd.f32 v4, v9  }
0x9e: {  	v6 =	vld [tilespmem:s1+$0x8220];
	[tilespmem:s0+$0x4220] =	vst v10;
	v9 =	vmax.f32 v5, $0.0e+00;
	v3 =	vadd.f32 v3, v8  }
0x9f: {  	v5 =	vld [tilespmem:s1+$0x8230];
	[tilespmem:s0+$0x4230] =	vst v9;
	v8 =	vmax.f32 v4, $0.0e+00;
	v2 =	vadd.f32 v2, v7  }
0xa0: {  	v4 =	vld [tilespmem:s1+$0x8240];
	[tilespmem:s0+$0x4240] =	vst v8;
	v7 =	vmax.f32 v3, $0.0e+00;
	v1 =	vadd.f32 v1, v11  }
0xa1: {  	v3 =	vld [tilespmem:s1+$0x8250];
	[tilespmem:s0+$0x4250] =	vst v7;
	v7 =	vmax.f32 v2, $0.0e+00  }
0xa2: {  	v2 =	vld [tilespmem:s1+$0x8260];
	[tilespmem:s0+$0x4260] =	vst v7;
	v7 =	vmax.f32 v1, $0.0e+00  }
0xa3: {  	v1 =	vld [tilespmem:s1+$0x8270];
	[tilespmem:s0+$0x4270] =	vst v7;
	s0 =	smov.u32 s1  }
0xa4: {  	v7 =	vld [tilespmem:s0+$0x4200]  }
0xa5: {  	v12 =	vld [tilespmem:s0+$0x4210]  }
.Ltmp4:
0xa6: {  	v11 =	vld [tilespmem:s0+$0x4220];
	(pc) =	sbr.rel @p1 .LBB2_7-.Ltmp4, $4  }
0xa7: {  	v10 =	vld [tilespmem:s0+$0x4230]  }
0xa8: {  	v9 =	vld [tilespmem:s0+$0x4240]  }
0xa9: {  	v13 =	vadd.f32 v14, v7;
	v8 =	vld [tilespmem:s0+$0x4250]  }
0xaa: {  	s13 =	sadd.s32 $0x200, s13;
	v12 =	vadd.f32 v15, v12;
	v7 =	vld [tilespmem:s0+$0x4260]  }
0xab: {  	v13 =	vmax.f32 v13, $0.0e+00;
	v6 =	vadd.f32 v6, v11;
	v63 =	vld [tilespmem:s0+$0x4270]  }
0xac: {  	[tilespmem:s0+$0x4200] =	vst v13;
	v12 =	vmax.f32 v12, $0.0e+00;
	v5 =	vadd.f32 v5, v10  }
0xad: {  	[tilespmem:s0+$0x4210] =	vst v12;
	v6 =	vmax.f32 v6, $0.0e+00;
	v4 =	vadd.f32 v4, v9  }
0xae: {  	[tilespmem:s0+$0x4220] =	vst v6;
	v5 =	vmax.f32 v5, $0.0e+00;
	v3 =	vadd.f32 v3, v8  }
0xaf: {  	[tilespmem:s0+$0x4230] =	vst v5;
	v4 =	vmax.f32 v4, $0.0e+00;
	v2 =	vadd.f32 v2, v7  }
0xb0: {  	[tilespmem:s0+$0x4240] =	vst v4;
	v3 =	vmax.f32 v3, $0.0e+00;
	v1 =	vadd.f32 v1, v63  }
0xb1: {  	s31 =	sadd.s32 $0x1, s31;
	[tilespmem:s0+$0x4250] =	vst v3;
	v2 =	vmax.f32 v2, $0.0e+00  }
0xb2: {  	p1 =	sne.s32 s31, $0x27;
	[tilespmem:s0+$0x4260] =	vst v2;
	v1 =	vmax.f32 v1, $0.0e+00  }
.Ltmp5:
0xb3: {  	[tilespmem:s0+$0x4270] =	vst v1;
	(pc) =	sbr.rel @p1 .LBB2_4-.Ltmp5, $4  }
0xb4: {  	[spmem:s3] =	stream.indirect.scatter.add.f32 [tilespmem:s24], [sflag:$0x6], $0x80, s29, s22, $0xb8;
	[tilespmem:$0x1FE00] =	vst v63  }
0xb5: {  	_ =	swait.ge [sflag:s18], $0x4000  }
0xb6: {  	[sflag:s18] =	ssyncset.done $0x0  }
0xb7: {  	[sflag:s18] =	ssyncadd.s32 $0xFFFFC000  }
.Ltmp6:
0xb8: {  	(pc) =	sbr.rel @p0 .LBB2_13-.Ltmp6, $1  }
0xb9: {  	_ =	sdelay $0x3  }
0xba: {  	s0 =	simm.s32 $0x0;
	s1 =	rddreg [dreg:$0x4]  }
0xbb: {  	[tilespmem:s0], [sflag:$0x6] =	stream.linear.gather [hbm4b:s1+s0], $0x100, $0x38;
	[tilespmem:$0x1FE00] =	vst v63  }
0xbc: {  	_ =	swait.ge [sflag:s18], $0x100  }
0xbd: {  	[sflag:s18] =	ssyncset.done $0x0  }
0xbe: {  	[sflag:s18] =	ssyncadd.s32 $0xFFFFFF00  }
0xbf: {  	[tilespmem:s17], [sflag:$0x3] =	stream.indirect.gather [hbm4b:s5+s22], $0x80, s0, s22, $0xb8;
	[tilespmem:$0x1FE00] =	vst v63  }
0xc0: {  	s31 =	rddreg [dreg:$0x5]  }
0xc1: {  	[tilespmem:s20], [sflag:$0x5] =	stream.linear.gather [hbm4b:s31+s0], $0x4000, $0x38;
	[tilespmem:$0x1FE00] =	vst v63  }
0xc2: {  	_ =	swait.ge [sflag:s25], $0x4000  }
0xc3: {  	[sflag:s25] =	ssyncset.done $0x0  }
0xc4: {  	[sflag:s25] =	ssyncadd.s32 $0xFFFFC000  }
0xc5: {  	_ =	swait.ge [sflag:s26], $0x4000  }
0xc6: {  	[sflag:s26] =	ssyncset.done $0x0  }
0xc7: {  	s0 =	simm.s32 $0x0;
	[sflag:s26] =	ssyncadd.s32 $0xFFFFC000  }
0xc8: {  	v7 =	vld [tilespmem:s0+$0x8200]  }
0xc9: {  	v12 =	vld [tilespmem:s0+$0x8210]  }
0xca: {  	v6 =	vld [tilespmem:s0+$0x8220]  }
0xcb: {  	v5 =	vld [tilespmem:s0+$0x8230]  }
0xcc: {  	v4 =	vld [tilespmem:s0+$0x8240]  }
0xcd: {  	v3 =	vld [tilespmem:s0+$0x8250]  }
0xce: {  	v2 =	vld [tilespmem:s0+$0x8260]  }
0xcf: {  	v1 =	vld [tilespmem:s0+$0x8270]  }
0xd0: {  	v13 =	vld [tilespmem:s0+$0x200]  }
0xd1: {  	v14 =	vld [tilespmem:s0+$0x210]  }
0xd2: {  	v11 =	vld [tilespmem:s0+$0x220]  }
0xd3: {  	v10 =	vld [tilespmem:s0+$0x230]  }
0xd4: {  	v9 =	vld [tilespmem:s0+$0x240]  }
0xd5: {  	v8 =	vld [tilespmem:s0+$0x250];
	v13 =	vadd.f32 v7, v13  }
0xd6: {  	s13 =	simm.s32 $0x200;
	v12 =	vadd.f32 v12, v14;
	v7 =	vld [tilespmem:s0+$0x260]  }
.LBB2_11:
0xd7: {  	s1 =	sshra.s32 s13, $0x2;
	p1 =	sne.s32 s13, $0xFE00;
	v13 =	vmax.f32 v13, $0.0e+00;
	v6 =	vadd.f32 v6, v11;
	v11 =	vld [tilespmem:s0+$0x270]  }
0xd8: {  	v14 =	vld [tilespmem:s1+$0x8200];
	[tilespmem:s0+$0x200] =	vst v13;
	v12 =	vmax.f32 v12, $0.0e+00;
	v5 =	vadd.f32 v5, v10  }
0xd9: {  	v15 =	vld [tilespmem:s1+$0x8210];
	[tilespmem:s0+$0x210] =	vst v12;
	v10 =	vmax.f32 v6, $0.0e+00;
	v4 =	vadd.f32 v4, v9  }
0xda: {  	v6 =	vld [tilespmem:s1+$0x8220];
	[tilespmem:s0+$0x220] =	vst v10;
	v9 =	vmax.f32 v5, $0.0e+00;
	v3 =	vadd.f32 v3, v8  }
0xdb: {  	v5 =	vld [tilespmem:s1+$0x8230];
	[tilespmem:s0+$0x230] =	vst v9;
	v8 =	vmax.f32 v4, $0.0e+00;
	v2 =	vadd.f32 v2, v7  }
0xdc: {  	v4 =	vld [tilespmem:s1+$0x8240];
	[tilespmem:s0+$0x240] =	vst v8;
	v7 =	vmax.f32 v3, $0.0e+00;
	v1 =	vadd.f32 v1, v11  }
0xdd: {  	v3 =	vld [tilespmem:s1+$0x8250];
	[tilespmem:s0+$0x250] =	vst v7;
	v7 =	vmax.f32 v2, $0.0e+00  }
0xde: {  	v2 =	vld [tilespmem:s1+$0x8260];
	[tilespmem:s0+$0x260] =	vst v7;
	v7 =	vmax.f32 v1, $0.0e+00  }
0xdf: {  	v1 =	vld [tilespmem:s1+$0x8270];
	[tilespmem:s0+$0x270] =	vst v7;
	s0 =	smov.u32 s1  }
0xe0: {  	v7 =	vld [tilespmem:s0+$0x200]  }
0xe1: {  	v12 =	vld [tilespmem:s0+$0x210]  }
.Ltmp7:
0xe2: {  	v11 =	vld [tilespmem:s0+$0x220];
	(pc) =	sbr.rel @p1 .LBB2_11-.Ltmp7, $4  }
0xe3: {  	v10 =	vld [tilespmem:s0+$0x230]  }
0xe4: {  	v9 =	vld [tilespmem:s0+$0x240]  }
0xe5: {  	v13 =	vadd.f32 v14, v7;
	v8 =	vld [tilespmem:s0+$0x250]  }
0xe6: {  	s13 =	sadd.s32 $0x200, s13;
	v12 =	vadd.f32 v15, v12;
	v7 =	vld [tilespmem:s0+$0x260]  }
0xe7: {  	v13 =	vmax.f32 v13, $0.0e+00;
	v6 =	vadd.f32 v6, v11;
	v63 =	vld [tilespmem:s0+$0x270]  }
0xe8: {  	[tilespmem:s0+$0x200] =	vst v13;
	v12 =	vmax.f32 v12, $0.0e+00;
	v5 =	vadd.f32 v5, v10  }
0xe9: {  	[tilespmem:s0+$0x210] =	vst v12;
	v6 =	vmax.f32 v6, $0.0e+00;
	v4 =	vadd.f32 v4, v9  }
0xea: {  	[tilespmem:s0+$0x220] =	vst v6;
	v5 =	vmax.f32 v5, $0.0e+00;
	v3 =	vadd.f32 v3, v8  }
0xeb: {  	[tilespmem:s0+$0x230] =	vst v5;
	v4 =	vmax.f32 v4, $0.0e+00;
	v2 =	vadd.f32 v2, v7  }
0xec: {  	[tilespmem:s0+$0x240] =	vst v4;
	v3 =	vmax.f32 v3, $0.0e+00;
	v1 =	vadd.f32 v1, v63  }
0xed: {  	[tilespmem:s0+$0x250] =	vst v3;
	v2 =	vmax.f32 v2, $0.0e+00  }
0xee: {  	[tilespmem:s0+$0x260] =	vst v2;
	v1 =	vmax.f32 v1, $0.0e+00  }
.Ltmp8:
0xef: {  	[tilespmem:s0+$0x270] =	vst v1;
	(pc) =	sbr.rel .LBB2_13-.Ltmp8, $4  }
0xf0: {  	[spmem:s3] =	stream.indirect.scatter.add.f32 [tilespmem:s17], [sflag:$0x6], $0x80, s22, s22, $0xb8;
	[tilespmem:$0x1FE00] =	vst v63  }
0xf1: {  	_ =	swait.ge [sflag:s18], $0x4000  }
0xf2: {  	[sflag:s18] =	ssyncset.done $0x0  }
0xf3: {  	[sflag:s18] =	ssyncadd.s32 $0xFFFFC000  }
.LBB2_14:
0xf4: {  	_ =	sfence.sel $0x180000  }
0xf5: {  	[bflag:$0x0] =	sbarrier.arrive $0xFFFF  }
0xf6: {  	_ =	strace $0x9000004A  }
0xf7: {  	s0 =	stileid.u32;
	[bflag:$0x2] =	sbarrier.arrive $0xFFFF  }
0xf8: {  	p0 =	sne.s32 s0, $0x0;
	s0 =	rddreg [dreg:$0x3]  }
0xf9: {  	s0 =	sadd.s32 @!p0 $0x100000, s0  }
0xfa: {  	[sflag:s0] =	ssyncadd.tile.s32 @!p0 $0x1;
	_ =	shalt  }
.Lfunc_end2:
_tile_overlayer_lowered:
.L_overlay_start_2:
0xfb: {  	(tag) =	ssettag $0x2  }
0xfc: {  	s0 =	rddreg [dreg:$0x0];
	s2 =	stileid.u32  }
0xfd: {  	s1 =	rddreg [dreg:$0x1];
	p0 =	sne.s32 s2, $0x0  }
0xfe: {  	s3 =	rddreg [dreg:$0x2];
	[bflag:$0x3] =	sbarrier.arrive $0xFFFF;
	s2 =	simm.s32 @!p0 $0x1C06  }
0xff: {  	[timem:s3], [sflag:s2] =	dma.local @!p0 [hbm:s0], s1  }
0x100: {  	s0 =	simm.s32 @!p0 $0x6  }
0x101: {  	_ =	swait.ge @!p0 [sflag:s0], s1  }
0x102: {  	s1 =	ssub.s32 @!p0 $0x0, s1;
	[sflag:s0] =	ssyncset.done @!p0 $0x0  }
0x103: {  	[sflag:s0] =	ssyncadd.s32 @!p0 s1  }
0x104: {  	[bflag:$0x3] =	sbarrier.arrive $0xFFFF  }
0x105: {  	_ =	shalt  }

// kernel: kernel.16.cloned.1.call-start
scs
__scs_entry_jumppad:
0x0: {  	(pc) =	sbr.rel $0x88, $3  }
0x1: {  	(tag) =	ssettag $0x0;
	lr =	simm.s32 $0x1  }
0x2: {  	[smem:$0x3F92] =	sst lr;
	_ =	strace $0xD0000000  }
0x3: {  	_ = 	snop  }
0x4: {  	_ = 	snop  }
0x5: {  	_ = 	snop  }
0x6: {  	_ = 	snop  }
0x7: {  	_ = 	snop  }
__scs_overlays_trampoline_lowered:
0x8: {  	[smem:$0x3FA1] =	sst s0  }
0x9: {  	[smem:$0x3FA2] =	sst s1  }
0xa: {  	[smem:$0x3FA3] =	sst s2  }
0xb: {  	[smem:$0x3FA4] =	sst s3  }
0xc: {  	[smem:$0x3FA5] =	sst s4  }
0xd: {  	[smem:$0x3FA6] =	sst s5  }
0xe: {  	[smem:$0x3FA7] =	sst s6  }
0xf: {  	[smem:$0x3FA8] =	sst s7  }
0x10: {  	[smem:$0x3FA9] =	sst s8  }
0x11: {  	[smem:$0x3FAA] =	sst s9;
	s0 =	simm.s32 @!p0 $0x0  }
0x12: {  	s1 =	sld [smem:$0x3F90];
	s0 =	simm.s32 @p0 $0x1  }
0x13: {  	[smem:$0x3FAB] =	sst s0;
	s0 =	simm.s32 @!p1 $0x0  }
0x14: {  	s2 =	sld [smem:$0x3F8F];
	s0 =	simm.s32 @p1 $0x1  }
0x15: {  	[smem:$0x3FAC] =	sst s0;
	s0 =	simm.s32 @!p2 $0x0  }
0x16: {  	s3 =	sld [smem:$0x3FDB];
	s0 =	simm.s32 @p2 $0x1  }
0x17: {  	s4 =	simm.s32 $0x1BF5;
	[smem:$0x3FAE] =	sst s0  }
0x18: {  	s0 =	sld [smem:$0x3F91];
	_ =	swait.ge [sflag:s4], $0x0  }
0x19: {  	s7 =	sld [smem:$0x3F92]  }
0x1a: {  	s8 =	sadd.s32 $0xFFFFE003, lr  }
0x1b: {  	s9 =	sadd.s32 $0xFFFFFEF7, lr;
	s5 =	simm.s32 $0xFFFFFFFF;
	p2 =	slt.u32 s8, $0xFFFFF086  }
0x1c: {  	p1 =	slt.u32 s9, $0xF7A;
	s5 =	simm.s32 @!p2 $0x0  }
0x1d: {  	s5 =	simm.s32 @p1 $0x1;
	p0 =	seq.s32 s7, s2  }
0x1e: {  	s7 =	smul.u32 @!p0 $0xF7A, s2;
	p2 =	seq.s32 @!p0 s5, $0x0  }
0x1f: {  	s9 =	smul.u32 $0xF7A, s1;
	s8 =	simm.s32 @!p0 $0x1BF5;
	p2 =	por !p2, p0  }
0x20: {  	[sflag:s8] =	ssyncset.s32 @!p0 $0xFFFFF086;
	s6 =	sadd.s32 @!p0 s3, s7;
	s7 =	simm.s32 @!p0 $0x108  }
0x21: {  	s3 =	sadd.s32 s3, s9;
	s6 =	sadd.s32 @!p0 $0x88, s6;
	s7 =	simm.s32 @p2 $0x1082  }
0x22: {  	[simem:s7], [sflag:s8] =	dma.local @!p0 [hbm:s6], $0xF7A  }
0x23: {  	s9 =	sor.u32 $0xD0000000, s2;
	s6 =	simm.s32 $0x108;
	_ =	swait.ge @!p0 [sflag:s8], $0x0  }
0x24: {  	s3 =	sadd.s32 $0x88, s3;
	s6 =	simm.s32 @!p1 $0x1082;
	[sflag:s4] =	ssyncset.s32 $0xFFFFF086  }
0x25: {  	[simem:s6], [sflag:s4] =	dma.local [hbm:s3], $0xF7A  }
0x26: {  	[smem:$0x3F92] =	sst s1;
	(tag) =	ssettag s2;
	_ =	strace s9  }
0x27: {  	s1 =	sld [smem:$0x3FA2]  }
0x28: {  	s2 =	sld [smem:$0x3FA3]  }
0x29: {  	s4 =	sld [smem:$0x3FA5]  }
0x2a: {  	p0 =	seq.s32 s5, $0x0;
	s5 =	sld [smem:$0x3FA6]  }
0x2b: {  	s6 =	sld [smem:$0x3FA7]  }
0x2c: {  	s7 =	sld [smem:$0x3FA8]  }
0x2d: {  	s3 =	simm.s32 $0x108;
	s8 =	sld [smem:$0x3FA9]  }
0x2e: {  	s3 =	simm.s32 @!p0 $0x1082;
	s9 =	sld [smem:$0x3FAA]  }
0x2f: {  	lr =	sadd.s32 s0, s3;
	s0 =	sld [smem:$0x3FA1]  }
0x30: {  	s3 =	sld [smem:$0x3FA4]  }
0x31: {  	[smem:$0x3FAD] =	sst s10  }
0x32: {  	s10 =	sld [smem:$0x3FAB];
	_ =	sdelay $0x3  }
0x33: {  	p0 =	seq.s32 s10, $0x1;
	s10 =	sld [smem:$0x3FAD];
	_ =	sdelay $0x3  }
0x34: {  	[smem:$0x3FAD] =	sst s10  }
0x35: {  	s10 =	sld [smem:$0x3FAC];
	_ =	sdelay $0x3  }
0x36: {  	p1 =	seq.s32 s10, $0x1;
	s10 =	sld [smem:$0x3FAD];
	_ =	sdelay $0x3  }
0x37: {  	[smem:$0x3FAD] =	sst s10  }
0x38: {  	s10 =	sld [smem:$0x3FAE]  }
0x39: {  	_ = 	snop;
	(pc) =	sbr.ind lr, $3  }
0x3a: {  	_ = 	snop  }
0x3b: {  	_ = 	snop  }
0x3c: {  	p2 =	seq.s32 s10, $0x1;
	s10 =	sld [smem:$0x3FAD]  }
0x3d: {  	_ =	shalt  }
0x3e: {  	_ =	shalt  }
0x3f: {  	_ =	shalt  }
0x40: {  	_ =	shalt  }
0x41: {  	_ =	shalt  }
0x42: {  	_ =	shalt  }
0x43: {  	_ =	shalt  }
0x44: {  	_ =	shalt  }
0x45: {  	_ =	shalt  }
0x46: {  	_ =	shalt  }
0x47: {  	_ =	shalt  }
0x48: {  	_ =	shalt  }
0x49: {  	_ =	shalt  }
0x4a: {  	_ =	shalt  }
0x4b: {  	_ =	shalt  }
0x4c: {  	_ =	shalt  }
0x4d: {  	_ =	shalt  }
0x4e: {  	_ =	shalt  }
0x4f: {  	_ =	shalt  }
0x50: {  	_ =	shalt  }
0x51: {  	_ =	shalt  }
0x52: {  	_ =	shalt  }
0x53: {  	_ =	shalt  }
0x54: {  	_ =	shalt  }
0x55: {  	_ =	shalt  }
0x56: {  	_ =	shalt  }
0x57: {  	_ =	shalt  }
0x58: {  	_ =	shalt  }
0x59: {  	_ =	shalt  }
0x5a: {  	_ =	shalt  }
0x5b: {  	_ =	shalt  }
0x5c: {  	_ =	shalt  }
0x5d: {  	_ =	shalt  }
0x5e: {  	_ =	shalt  }
0x5f: {  	_ =	shalt  }
0x60: {  	_ =	shalt  }
0x61: {  	_ =	shalt  }
0x62: {  	_ =	shalt  }
0x63: {  	_ =	shalt  }
0x64: {  	_ =	shalt  }
0x65: {  	_ =	shalt  }
0x66: {  	_ =	shalt  }
0x67: {  	_ =	shalt  }
0x68: {  	_ =	shalt  }
0x69: {  	_ =	shalt  }
0x6a: {  	_ =	shalt  }
0x6b: {  	_ =	shalt  }
0x6c: {  	_ =	shalt  }
0x6d: {  	_ =	shalt  }
0x6e: {  	_ =	shalt  }
0x6f: {  	_ =	shalt  }
0x70: {  	_ =	shalt  }
0x71: {  	_ =	shalt  }
0x72: {  	_ =	shalt  }
0x73: {  	_ =	shalt  }
0x74: {  	_ =	shalt  }
0x75: {  	_ =	shalt  }
0x76: {  	_ =	shalt  }
0x77: {  	_ =	shalt  }
0x78: {  	_ =	shalt  }
0x79: {  	_ =	shalt  }
0x7a: {  	_ =	shalt  }
0x7b: {  	_ =	shalt  }
0x7c: {  	_ =	shalt  }
0x7d: {  	_ =	shalt  }
0x7e: {  	_ =	shalt  }
0x7f: {  	_ =	shalt  }
0x80: {  	_ =	shalt  }
0x81: {  	_ =	shalt  }
0x82: {  	_ =	shalt  }
0x83: {  	_ =	shalt  }
0x84: {  	_ =	shalt  }
0x85: {  	_ =	shalt  }
0x86: {  	_ =	shalt  }
0x87: {  	_ =	shalt  }
.Lfunc_end0:
.L_simem_size_0:
called_computation.2_lowered:
.L_overlay_start_0:
0x88: {  	s2 =	sld [smem:$0x3FD9]  }
0x89: {  	s3 =	sld [smem:$0x3FFE];
	_ =	sdelay $0x1  }
0x8a: {  	s1 =	srdreg.scid  }
0x8b: {  	s0 =	sand.u32 $0x1, s1  }
0x8c: {  	s17 =	sshll.u32 s0, $0xA;
	s2 =	sadd.s32 s3, s2  }
0x8d: {  	s2 =	sadd.s32 s2, s17  }
0x8e: {  	[smem:$0x3FB9] =	sst s2  }
0x8f: {  	_ = 	snop  }
0x90: {  	s2 =	sld [smem:$0x3FC8];
	(tm) =	ssettm $0x1  }
0x91: {  	s18 =	sld [smem:$0x3FFB];
	_ =	sdelay $0x3  }
0x92: {  	_ =	strace s18  }
0x93: {  	s3 =	sld [smem:$0x3FFC];
	_ =	sdelay $0x3  }
0x94: {  	_ =	strace s3  }
0x95: {  	s3 =	sld [smem:$0x3FFD];
	_ =	sdelay $0x3  }
0x96: {  	_ =	strace s3  }
0x97: {  	_ =	strace $0x8FFFFFFF  }
0x98: {  	s19 =	sld [smem:$0x3FDB];
	_ =	sdelay $0x1  }
0x99: {  	s4 =	simm.s32 $_scs_section_size  }
0x9a: {  	s5 =	simm.s32 $_size__tile_overlayer_lowered;
	s6 =	simm.s32 $_tile_overlayer_lowered  }
0x9b: {  	s22 =	simm.s32 $0x1BFF;
	s21 =	sshll.u32 s6, $0x1;
	s3 =	sadd.s32 s4, s19  }
0x9c: {  	s7 =	simm.s32 $0x0;
	s20 =	sshll.u32 s5, $0x1;
	s5 =	sadd.s32 s21, s3  }
0x9d: {  	[timem:s7], [sflag:s22] =	dma.local [hbm:s5], s20  }
0x9e: {  	_ =	swait.ge [sflag:s22], s20  }
0x9f: {  	s4 =	ssub.s32 $0x0, s20;
	[sflag:s22] =	ssyncset.done $0x0  }
0xa0: {  	[sflag:s22] =	ssyncadd.s32 s4;
	_ =	sdelay $0x1  }
0xa1: {  	s23 =	simm.s32 $0x1B8B  }
0xa2: {  	_ =	swait.ge [sflag:s23], $0x1  }
0xa3: {  	[sflag:s23] =	ssyncset.done $0x0  }
0xa4: {  	s25 =	simm.s32 $0x1B8E;
	s24 =	sld [smem:$0x3FFE];
	[sflag:s23] =	ssyncadd.s32 $0xFFFFFFFF  }
0xa5: {  	s26 =	simm.s32 $execute0_lowered;
	[smem:$0x3FD2] =	sst s25  }
0xa6: {  	s5 =	sshll.u32 s26, $0x1;
	_ =	strace $0x8000004C;
	[dreg:$0x1] =	wrdreg $0xFFFFFFFF  }
0xa7: {  	s28 =	simm.s32 $_size_execute0_lowered;
	s3 =	sadd.s32 s3, s5;
	[dreg:$0x0] =	wrdreg $0x0  }
0xa8: {  	s5 =	sshll.u32 s28, $0x1;
	[dreg:$0x2] =	wrdreg s3  }
0xa9: {  	[dreg:$0x3] =	wrdreg s5  }
0xaa: {  	[dreg:$0x4] =	wrdreg $0xC0  }
0xab: {  	_ =	task [dreg:s7], $0x5FFFF  }
0xac: {  	[dreg:$0x1] =	wrdreg $0xFFFFFFFF  }
0xad: {  	[dreg:$0x0] =	wrdreg $0x60  }
0xae: {  	[dreg:$0x2] =	wrdreg s24  }
0xaf: {  	[dreg:$0x3] =	wrdreg s2  }
0xb0: {  	[dreg:$0x4] =	wrdreg $0x82000  }
0xb1: {  	[dreg:$0x5] =	wrdreg $0x9  }
0xb2: {  	_ =	task.clear_ibuf [dreg:s7], $0x6FFFF;
	_ =	strace $0x9000004C  }
0xb3: {  	s29 =	simm.s32 $0x9;
	_ =	strace $0x8000004E  }
0xb4: {  	_ =	swait.ge [sflag:s29], $0x1  }
0xb5: {  	[sflag:s29] =	ssyncadd.s32 $0xFFFFFFFF  }
0xb6: {  	_ =	strace $0x9000004E  }
0xb7: {  	_ =	sfence  }
0xb8: {  	s30 =	sld [smem:$0x0];
	_ =	sdelay $0x2  }
0xb9: {  	s31 =	sshll.u32 s1, $0xD;
	s1 =	sshrl.u32 s1, $0x2  }
0xba: {  	s3 =	sand.u32 $0x4000, s31;
	s1 =	sadd.s32 s1, s30  }
0xbb: {  	s0 =	sor.u32 s3, s0;
	s1 =	sshll.u32 s1, $0x11  }
0xbc: {  	s0 =	sor.u32 s1, s0  }
0xbd: {  	s0 =	sadd.s32 $0x8F2B, s0  }
0xbe: {  	[sflag:s0] =	ssyncadd.remote.s32 $0x1  }
0xbf: {  	_ =	sfence.sel $0xFFFF  }
0xc0: {  	[dreg:$0x0] =	wrdreg $0xFFFFFFFF;
	(pc) =	sbr.abs _section_cstart, $3  }
0xc1: {  	[dreg:$0x1] =	wrdreg $0xFFFFFFFF  }
0xc2: {  	_ =	task.clear_ibuf [dreg:s7], $0x2FFFF;
	_ =	strace $0x9FFFFFFF  }
0xc3: {  	(tm) =	ssettm $0x7FFFFFFF  }
tec
execute0_lowered:
.L_overlay_start_1:
0x0: {  	(tag) =	ssettag $0x1  }
0x1: {  	s5 =	rddreg [dreg:$0x0]  }
0x2: {  	s9 =	rddreg [dreg:$0x1];
	s0 =	srdreg.scid  }
0x3: {  	s2 =	rddreg [dreg:$0x2];
	s1 =	stileid.u32  }
0x4: {  	s3 =	simm.s32 $0x0;
	s16 =	simm.s32 $0x100;
	s17 =	simm.s32 $0x1  }
0x5: {  	s18 =	simm.s32 $0x80;
	s19 =	simm.s32 $0x2;
	s20 =	simm.s32 $0x4200  }
0x6: {  	s21 =	simm.s32 $0x3;
	s22 =	simm.s32 $0x4;
	s23 =	simm.s32 $0x180  }
0x7: {  	s11 =	sand.u32 $0x1, s0;
	s0 =	rddreg [dreg:$0x3];
	s6 =	smul.u32 $0x13C00, s1  }
0x8: {  	[smem:$0x7FF] =	sst s3;
	s7 =	smul.u32 $0x4F000, s1;
	s10 =	sshll.u32 s1, $0x5  }
0x9: {  	s4 =	smul.u32 $0x13C000, s11;
	_ =	strace $0x8000004D;
	s8 =	ssub.s32 $0x2, s11  }
0xa: {  	s31 =	sshll.u32 s11, $0x4;
	s14 =	sadd.s32 s10, s9;
	s15 =	sshll.u32 s11, $0x9  }
0xb: {  	s29 =	sshrl.u32 s8, $0x1;
	s30 =	sshrl.u32 s7, $0x2;
	s24 =	sor.u32 s1, s31  }
0xc: {  	s10 =	sadd.s32 $0x13800, s14;
	s6 =	sadd.s32 s6, s4;
	s4 =	sadd.s32 $0x3600, s5  }
0xd: {  	s13 =	ssub.s32 s8, s29;
	p0 =	sgt.u32 s24, $0x3;
	s6 =	sshrl.u32 s6, $0x3  }
0xe: {  	s24 =	simm.s32 $0x0;
	s12 =	sadd.s32 s6, s5;
	s5 =	sadd.s32 s30, s2  }
0xf: {  	s6 =	sadd.s32 $0x4000, s5;
	s7 =	sadd.s32 $0x8000, s5;
	s8 =	sadd.s32 $0xC000, s5  }
0x10: {  	s9 =	sadd.s32 $0x10000, s5;
	s11 =	sadd.s32 $0x2A800, s12;
	s12 =	smax.u32 s13, $0x1  }
0x11: {  	v0 =	vimm.f32 $0.0e+00;
	s13 =	sadd.s32 s15, s14;
	s14 =	simm.s32 $0x200;
	s15 =	simm.s32 $0x5  }
.LBB2_1:
0x12: {  	s25 =	simm.s32 $0x0;
	s26 =	simm.s32 $0x200  }
.LBB2_2:
0x13: {  	p1 =	sne.s32 s26, $0xFE00;
	[tilespmem:s25+$0x270] =	vst v0  }
0x14: {  	[tilespmem:s25+$0x200] =	vst v0  }
0x15: {  	[tilespmem:s25+$0x210] =	vst v0  }
.Ltmp0:
0x16: {  	[tilespmem:s25+$0x220] =	vst v0;
	(pc) =	sbr.rel @p1 .LBB2_2-.Ltmp0, $4  }
0x17: {  	[tilespmem:s25+$0x230] =	vst v0  }
0x18: {  	[tilespmem:s25+$0x240] =	vst v0  }
0x19: {  	[tilespmem:s25+$0x250] =	vst v0  }
0x1a: {  	[tilespmem:s25+$0x260] =	vst v0;
	s25 =	sshra.s32 s26, $0x2;
	s26 =	sadd.s32 $0x200, s26  }
0x1b: {  	[tilespmem:s25+$0x270] =	vst v0  }
0x1c: {  	[tilespmem:s25+$0x200] =	vst v0  }
0x1d: {  	[tilespmem:s25+$0x210] =	vst v0  }
0x1e: {  	[tilespmem:s25+$0x220] =	vst v0  }
0x1f: {  	[tilespmem:s25+$0x230] =	vst v0  }
0x20: {  	[tilespmem:s25+$0x240] =	vst v0  }
0x21: {  	[tilespmem:s25+$0x250] =	vst v0  }
0x22: {  	[tilespmem:s25+$0x260] =	vst v0  }
0x23: {  	[spmem:s5] =	stream.linear.scatter [tilespmem:s14], [sflag:$0x5], $0x4000, $0x38;
	[tilespmem:$0x1BE00] =	vst v63  }
0x24: {  	_ =	swait.ge [sflag:s15], $0x4000  }
0x25: {  	[sflag:s15] =	ssyncset.done $0x0  }
0x26: {  	[sflag:s15] =	ssyncadd.s32 $0xFFFFC000  }
0x27: {  	[spmem:s6] =	stream.linear.scatter [tilespmem:s14], [sflag:$0x5], $0x4000, $0x38;
	[tilespmem:$0x1BE00] =	vst v63  }
0x28: {  	_ =	swait.ge [sflag:s15], $0x4000  }
0x29: {  	[sflag:s15] =	ssyncset.done $0x0  }
0x2a: {  	[sflag:s15] =	ssyncadd.s32 $0xFFFFC000  }
0x2b: {  	[spmem:s7] =	stream.linear.scatter [tilespmem:s14], [sflag:$0x5], $0x4000, $0x38;
	[tilespmem:$0x1BE00] =	vst v63  }
0x2c: {  	_ =	swait.ge [sflag:s15], $0x4000  }
0x2d: {  	[sflag:s15] =	ssyncset.done $0x0  }
0x2e: {  	[sflag:s15] =	ssyncadd.s32 $0xFFFFC000  }
0x2f: {  	[spmem:s8] =	stream.linear.scatter [tilespmem:s14], [sflag:$0x5], $0x4000, $0x38;
	[tilespmem:$0x1BE00] =	vst v63  }
0x30: {  	_ =	swait.ge [sflag:s15], $0x4000  }
0x31: {  	[sflag:s15] =	ssyncset.done $0x0  }
0x32: {  	[sflag:s15] =	ssyncadd.s32 $0xFFFFC000  }
0x33: {  	[spmem:s9] =	stream.linear.scatter [tilespmem:s14], [sflag:$0x5], $0x3C00, $0x38;
	[tilespmem:$0x1BE00] =	vst v63  }
0x34: {  	_ =	swait.ge [sflag:s15], $0x3C00  }
0x35: {  	[sflag:s15] =	ssyncset.done $0x0  }
0x36: {  	[sflag:s15] =	ssyncadd.s32 $0xFFFFC400  }
0x37: {  	s31 =	sadd.s32 $0x0, s13;
	[bflag:$0x0] =	sbarrier.arrive $0xFFFF  }
0x38: {  	[tilespmem:s3], [sflag:$0x1] =	stream.linear.gather [hbm4b:s31+s3], $0x100, $0x38;
	[tilespmem:$0x1BE00] =	vst v63  }
0x39: {  	s25 =	sadd.s32 $0x400, s31  }
0x3a: {  	[tilespmem:s16], [sflag:$0x2] =	stream.linear.gather [hbm4b:s25+s3], $0x100, $0x38;
	[tilespmem:$0x1BE00] =	vst v63  }
0x3b: {  	_ =	swait.ge [sflag:s17], $0x100  }
0x3c: {  	[sflag:s17] =	ssyncset.done $0x0  }
0x3d: {  	[sflag:s17] =	ssyncadd.s32 $0xFFFFFF00  }
0x3e: {  	[tilespmem:s14], [sflag:$0x3] =	stream.indirect.gather [hbm4b:s4+s18], $0x80, s3, s18, $0xb8;
	[tilespmem:$0x1BE00] =	vst v63  }
0x3f: {  	_ =	swait.ge [sflag:s19], $0x100  }
0x40: {  	[sflag:s19] =	ssyncset.done $0x0  }
0x41: {  	[sflag:s19] =	ssyncadd.s32 $0xFFFFFF00  }
0x42: {  	[tilespmem:s20], [sflag:$0x4] =	stream.indirect.gather [hbm4b:s4+s18], $0x80, s16, s18, $0xb8;
	[tilespmem:$0x1BE00] =	vst v63  }
0x43: {  	_ =	swait.ge [sflag:s21], $0x4000  }
0x44: {  	[sflag:s21] =	ssyncset.done $0x0  }
0x45: {  	[sflag:s21] =	ssyncadd.s32 $0xFFFFC000  }
0x46: {  	[spmem:s2] =	stream.indirect.scatter.add.f32 [tilespmem:s14], [sflag:$0x5], $0x80, s18, s18, $0xb8;
	[tilespmem:$0x1BE00] =	vst v63  }
0x47: {  	_ =	swait.ge [sflag:s15], $0x4000  }
0x48: {  	[sflag:s15] =	ssyncset.done $0x0  }
0x49: {  	[sflag:s15] =	ssyncadd.s32 $0xFFFFC000  }
0x4a: {  	_ =	swait.ge [sflag:s22], $0x4000  }
0x4b: {  	[sflag:s22] =	ssyncset.done $0x0  }
0x4c: {  	[sflag:s22] =	ssyncadd.s32 $0xFFFFC000  }
0x4d: {  	[spmem:s2] =	stream.indirect.scatter.add.f32 [tilespmem:s20], [sflag:$0x5], $0x80, s23, s18, $0xb8;
	[tilespmem:$0x1BE00] =	vst v63  }
0x4e: {  	_ =	swait.ge [sflag:s15], $0x4000  }
0x4f: {  	s26 =	simm.s32 $0x1000;
	s25 =	simm.s32 $0x800;
	[sflag:s15] =	ssyncset.done $0x0  }
.LBB2_4:
0x50: {  	s28 =	sadd.s32 s25, s13  }
0x51: {  	[sflag:s15] =	ssyncadd.s32 $0xFFFFC000;
	s25 =	smov.u32 s26;
	s29 =	sadd.s32 $0x800, s26  }
0x52: {  	[tilespmem:s3], [sflag:$0x1] =	stream.linear.gather [hbm4b:s28+s3], $0x100, $0x38;
	[tilespmem:$0x1BE00] =	vst v63  }
0x53: {  	p1 =	sne.s32 s26, $0x13000;
	s26 =	sadd.s32 $0x400, s28  }
0x54: {  	[tilespmem:s16], [sflag:$0x2] =	stream.linear.gather [hbm4b:s26+s3], $0x100, $0x38;
	[tilespmem:$0x1BE00] =	vst v63  }
0x55: {  	_ =	swait.ge [sflag:s17], $0x100  }
0x56: {  	[sflag:s17] =	ssyncset.done $0x0  }
0x57: {  	[sflag:s17] =	ssyncadd.s32 $0xFFFFFF00  }
0x58: {  	[tilespmem:s14], [sflag:$0x3] =	stream.indirect.gather [hbm4b:s4+s18], $0x80, s3, s18, $0xb8;
	[tilespmem:$0x1BE00] =	vst v63  }
0x59: {  	_ =	swait.ge [sflag:s19], $0x100  }
0x5a: {  	[sflag:s19] =	ssyncset.done $0x0  }
0x5b: {  	[sflag:s19] =	ssyncadd.s32 $0xFFFFFF00  }
0x5c: {  	[tilespmem:s20], [sflag:$0x4] =	stream.indirect.gather [hbm4b:s4+s18], $0x80, s16, s18, $0xb8;
	[tilespmem:$0x1BE00] =	vst v63  }
0x5d: {  	_ =	swait.ge [sflag:s21], $0x4000  }
0x5e: {  	[sflag:s21] =	ssyncset.done $0x0  }
0x5f: {  	[sflag:s21] =	ssyncadd.s32 $0xFFFFC000  }
0x60: {  	[spmem:s2] =	stream.indirect.scatter.add.f32 [tilespmem:s14], [sflag:$0x5], $0x80, s18, s18, $0xb8;
	[tilespmem:$0x1BE00] =	vst v63  }
0x61: {  	_ =	swait.ge [sflag:s15], $0x4000  }
0x62: {  	[sflag:s15] =	ssyncset.done $0x0  }
0x63: {  	[sflag:s15] =	ssyncadd.s32 $0xFFFFC000  }
0x64: {  	_ =	swait.ge [sflag:s22], $0x4000  }
.Ltmp1:
0x65: {  	[sflag:s22] =	ssyncset.done $0x0;
	(pc) =	sbr.rel @p1 .LBB2_4-.Ltmp1, $4  }
0x66: {  	[sflag:s22] =	ssyncadd.s32 $0xFFFFC000  }
0x67: {  	[spmem:s2] =	stream.indirect.scatter.add.f32 [tilespmem:s20], [sflag:$0x5], $0x80, s23, s18, $0xb8;
	[tilespmem:$0x1BE00] =	vst v63  }
0x68: {  	_ =	swait.ge [sflag:s15], $0x4000  }
0x69: {  	s26 =	smov.u32 s29;
	[sflag:s15] =	ssyncset.done $0x0  }
0x6a: {  	s25 =	sadd.s32 s25, s13;
	[sflag:s15] =	ssyncadd.s32 $0xFFFFC000  }
0x6b: {  	[tilespmem:s3], [sflag:$0x1] =	stream.linear.gather [hbm4b:s25+s3], $0x100, $0x38;
	[tilespmem:$0x1BE00] =	vst v63  }
0x6c: {  	s25 =	sadd.s32 $0x400, s25  }
0x6d: {  	[tilespmem:s16], [sflag:$0x2] =	stream.linear.gather [hbm4b:s25+s3], $0x100, $0x38;
	[tilespmem:$0x1BE00] =	vst v63  }
0x6e: {  	_ =	swait.ge [sflag:s17], $0x100  }
0x6f: {  	[sflag:s17] =	ssyncset.done $0x0  }
0x70: {  	[sflag:s17] =	ssyncadd.s32 $0xFFFFFF00  }
0x71: {  	[tilespmem:s14], [sflag:$0x3] =	stream.indirect.gather [hbm4b:s4+s18], $0x80, s3, s18, $0xb8;
	[tilespmem:$0x1BE00] =	vst v63  }
0x72: {  	_ =	swait.ge [sflag:s19], $0x100  }
0x73: {  	[sflag:s19] =	ssyncset.done $0x0  }
0x74: {  	[sflag:s19] =	ssyncadd.s32 $0xFFFFFF00  }
0x75: {  	[tilespmem:s20], [sflag:$0x4] =	stream.indirect.gather [hbm4b:s4+s18], $0x80, s16, s18, $0xb8;
	[tilespmem:$0x1BE00] =	vst v63  }
0x76: {  	_ =	swait.ge [sflag:s21], $0x4000  }
0x77: {  	[sflag:s21] =	ssyncset.done $0x0  }
0x78: {  	[sflag:s21] =	ssyncadd.s32 $0xFFFFC000  }
0x79: {  	[spmem:s2] =	stream.indirect.scatter.add.f32 [tilespmem:s14], [sflag:$0x5], $0x80, s18, s18, $0xb8;
	[tilespmem:$0x1BE00] =	vst v63  }
0x7a: {  	_ =	swait.ge [sflag:s15], $0x4000  }
0x7b: {  	[sflag:s15] =	ssyncset.done $0x0  }
0x7c: {  	[sflag:s15] =	ssyncadd.s32 $0xFFFFC000  }
0x7d: {  	_ =	swait.ge [sflag:s22], $0x4000  }
0x7e: {  	[sflag:s22] =	ssyncset.done $0x0  }
0x7f: {  	[sflag:s22] =	ssyncadd.s32 $0xFFFFC000  }
0x80: {  	[spmem:s2] =	stream.indirect.scatter.add.f32 [tilespmem:s20], [sflag:$0x5], $0x80, s23, s18, $0xb8;
	[tilespmem:$0x1BE00] =	vst v63  }
0x81: {  	_ =	swait.ge [sflag:s15], $0x4000  }
0x82: {  	[sflag:s15] =	ssyncset.done $0x0  }
0x83: {  	s26 =	simm.s32 @!p0 $0x5;
	s25 =	simm.s32 @!p0 $0x0;
	[sflag:s15] =	ssyncadd.s32 $0xFFFFC000  }
0x84: {  	[tilespmem:s25], [sflag:$0x5] =	stream.linear.gather @!p0 [hbm4b:s10+s25], $0x100, $0x38;
	[tilespmem:$0x1BE00] =	vst v63  }
0x85: {  	_ =	swait.ge @!p0 [sflag:s26], $0x100  }
0x86: {  	[sflag:s26] =	ssyncset.done @!p0 $0x0  }
0x87: {  	s28 =	simm.s32 @!p0 $0x80;
	s29 =	simm.s32 @!p0 $0x200;
	[sflag:s26] =	ssyncadd.s32 @!p0 $0xFFFFFF00  }
0x88: {  	[tilespmem:s29], [sflag:$0x3] =	stream.indirect.gather @!p0 [hbm4b:s4+s28], $0x80, s25, s28, $0xb8;
	[tilespmem:$0x1BE00] =	vst v63  }
0x89: {  	s25 =	simm.s32 @!p0 $0x3  }
0x8a: {  	_ =	swait.ge @!p0 [sflag:s25], $0x4000  }
0x8b: {  	[sflag:s25] =	ssyncset.done @!p0 $0x0  }
0x8c: {  	[sflag:s25] =	ssyncadd.s32 @!p0 $0xFFFFC000  }
0x8d: {  	[spmem:s2] =	stream.indirect.scatter.add.f32 @!p0 [tilespmem:s29], [sflag:$0x5], $0x80, s28, s28, $0xb8;
	[tilespmem:$0x1BE00] =	vst v63  }
0x8e: {  	_ =	swait.ge @!p0 [sflag:s26], $0x4000  }
0x8f: {  	s30 =	sshll.u32 s1, $0x6;
	s24 =	sadd.s32 $0x1, s24;
	[sflag:s26] =	ssyncset.done @!p0 $0x0  }
0x90: {  	s31 =	sshrl.u32 s5, $0x3;
	p1 =	sne.s32 s24, s12;
	[sflag:s26] =	ssyncadd.s32 @!p0 $0xFFFFC000  }
.Ltmp2:
0x91: {  	s25 =	sor.u32 $0x1C05, s30;
	[bflag:$0x0] =	sbarrier.arrive $0xFFFF;
	(pc) =	sbr.rel @p1 .LBB2_1-.Ltmp2, $4  }
0x92: {  	[hbm:s11], [sflag:s25] =	dma.local [spmem:s31], $0x2780  }
0x93: {  	_ =	swait.ge [sflag:s15], $0x2780  }
0x94: {  	[sflag:s15] =	ssyncset.done $0x0  }
0x95: {  	[sflag:s15] =	ssyncadd.s32 $0xFFFFD880  }
0x96: {  	_ =	sfence.sel $0x180000  }
0x97: {  	[bflag:$0x0] =	sbarrier.arrive $0xFFFF  }
0x98: {  	p0 =	sne.s32 s1, $0x0;
	_ =	strace $0x9000004D  }
0x99: {  	s0 =	sadd.s32 @!p0 $0x100000, s0;
	[bflag:$0x2] =	sbarrier.arrive $0xFFFF  }
0x9a: {  	[sflag:s0] =	ssyncadd.tile.s32 @!p0 $0x1;
	_ =	shalt  }
.Lfunc_end2:
_tile_overlayer_lowered:
.L_overlay_start_2:
0x9b: {  	(tag) =	ssettag $0x2  }
0x9c: {  	s0 =	rddreg [dreg:$0x0];
	s2 =	stileid.u32  }
0x9d: {  	s1 =	rddreg [dreg:$0x1];
	p0 =	sne.s32 s2, $0x0  }
0x9e: {  	s3 =	rddreg [dreg:$0x2];
	[bflag:$0x3] =	sbarrier.arrive $0xFFFF;
	s2 =	simm.s32 @!p0 $0x1C05  }
0x9f: {  	[timem:s3], [sflag:s2] =	dma.local @!p0 [hbm:s0], s1  }
0xa0: {  	s0 =	simm.s32 @!p0 $0x5  }
0xa1: {  	_ =	swait.ge @!p0 [sflag:s0], s1  }
0xa2: {  	s1 =	ssub.s32 @!p0 $0x0, s1;
	[sflag:s0] =	ssyncset.done @!p0 $0x0  }
0xa3: {  	[sflag:s0] =	ssyncadd.s32 @!p0 s1  }
0xa4: {  	[bflag:$0x3] =	sbarrier.arrive $0xFFFF  }
0xa5: {  	_ =	shalt  }

</sc_bundles>
